<compile_context>
chip_gen: v7x
topology: tpu7x:2x2x1
jax: 0.10.2.dev20260603
libtpu: 0.0.44.dev20260713+nightly
codegen_flags: <defaults>
</compile_context>

<pallas_src>
import functools

import jax
import jax.numpy as jnp
from jax import lax
from jax.experimental import pallas as pl
from jax.experimental.pallas import tpu as pltpu
from jax.experimental.pallas import tpu_sc as plsc

N = 4096
NC = 2
NS = 16
L = 16
NW = NC * NS
ROWS_PER_W = N // NW
C = 4
NCH = ROWS_PER_W // C
TBL = 64
VEC_PER_ROW = N // L
UNROLL = 8
MX_UNROLL = 2

_CODE_BOUNDS = [
    (-24, -20, -6.0), (-19, -14, -4.0), (-13, -10, -3.0), (-9, -7, -2.0),
    (-6, -5, -1.5), (-4, -3, -1.0), (-2, -1, -0.5), (0, 1, 0.0),
    (2, 3, 0.5), (4, 5, 1.0), (6, 7, 1.5), (8, 10, 2.0), (11, 14, 3.0),
    (15, 20, 4.0), (21, 24, 6.0),
]
_TABLE_VALS = [0.0] * TBL
for _lo, _hi, _v in _CODE_BOUNDS:
    for _c in range(_lo, _hi + 1):
        _TABLE_VALS[_c + 24] = _v
for _j in range(49, TBL):
    _TABLE_VALS[_j] = 6.0
_TABLE_FLOOR = _TABLE_VALS[1:] + [6.0]


def _tec_body(x_hbm, tbl_hbm, out_hbm, in_v, out_v, tbl_v, stbl_v,
              sem_in0, sem_in1, sem_out0, sem_out1):
    wid = lax.axis_index("s") * NC + lax.axis_index("c")
    base_row = wid * ROWS_PER_W
    sems_in = (sem_in0, sem_in1)
    sems_out = (sem_out0, sem_out1)
    pltpu.sync_copy(tbl_hbm, tbl_v)

    def start_in(ci2, b):
        pltpu.async_copy(x_hbm.at[pl.ds(base_row + ci2 * C, C)],
                         in_v.at[b], sems_in[b])

    def wait_in(b):
        pltpu.make_async_copy(x_hbm.at[pl.ds(0, C)], in_v.at[b],
                              sems_in[b]).wait()

    def start_out(ci2, b):
        pltpu.async_copy(out_v.at[b],
                         out_hbm.at[pl.ds(base_row + ci2 * C, C)],
                         sems_out[b])

    def wait_out(b):
        pltpu.make_async_copy(out_v.at[b], out_hbm.at[pl.ds(0, C)],
                              sems_out[b]).wait()

    def compute_chunk(b):
        for r in range(C):
            zero = jnp.zeros((L,), jnp.float32)

            @plsc.parallel_loop(0, N, 4 * L, unroll=MX_UNROLL,
                                carry=(zero, zero, zero, zero))
            def accs(off, carry_accs):
                return tuple(
                    jnp.maximum(carry_accs[k],
                                jnp.abs(in_v[b, r, pl.ds(off + k * L, L)]))
                    for k in range(4))
            acc = jnp.maximum(jnp.maximum(accs[0], accs[1]),
                              jnp.maximum(accs[2], accs[3]))
            vals = [acc[i] for i in range(L)]
            while len(vals) > 1:
                vals = [jnp.maximum(vals[i], vals[i + 1])
                        for i in range(0, len(vals), 2)]
            m = vals[0]
            mv = jnp.full((L,), m, jnp.float32)
            mv = jnp.where(mv > 0.0, mv, 1.0)
            sv = mv * jnp.float32(1.0 / 6.0)
            inv = 24.0 / mv
            for tc in range(TBL // L):
                stbl_v[pl.ds(tc * L, L)] = tbl_v[pl.ds(tc * L, L)] * sv
            @plsc.parallel_loop(0, N, L, unroll=UNROLL)
            def _(off):
                sl = pl.ds(off, L)
                xv = in_v[b, r, sl]
                u = xv * inv + 24.0
                idx = u.astype(jnp.int32)
                out_v[b, r, sl] = plsc.load_gather(stbl_v, [idx])

    start_in(0, 0)
    start_in(1, 1)

    def pipe_body(ci, carry):
        for bb in range(2):
            ci2 = ci * 2 + bb
            wait_in(bb)

            @pl.when(ci2 >= 2)
            def _():
                wait_out(bb)

            compute_chunk(bb)
            start_out(ci2, bb)

            @pl.when(ci2 + 2 < NCH)
            def _():
                start_in(ci2 + 2, bb)
        return carry

    lax.fori_loop(0, NCH // 2, pipe_body, 0)
    wait_out(0)
    wait_out(1)


_sc_quantize = functools.partial(
    pl.kernel,
    out_type=jax.ShapeDtypeStruct((N, N), jnp.float32),
    mesh=plsc.VectorSubcoreMesh(core_axis_name="c", subcore_axis_name="s"),
    compiler_params=pltpu.CompilerParams(needs_layout_passes=False),
    scratch_types=[
        pltpu.VMEM((2, C, N), jnp.float32),
        pltpu.VMEM((2, C, N), jnp.float32),
        pltpu.VMEM((TBL,), jnp.float32),
        pltpu.VMEM((TBL,), jnp.float32),
        pltpu.SemaphoreType.DMA,
        pltpu.SemaphoreType.DMA,
        pltpu.SemaphoreType.DMA,
        pltpu.SemaphoreType.DMA,
    ],
)(_tec_body)


@jax.jit
def kernel(x):
    tbl = jnp.asarray(_TABLE_FLOOR, dtype=jnp.float32)
    return _sc_quantize(x, tbl)

# --- scband reference (transcript-rebuilt; emitter-appended) ---
"""Pipeline reference for scband-quantizer-af4-14224931684493 (READ-ONLY COPY).

The authoritative reference and input builder live on the scoring server;
editing this copy changes nothing except your own understanding.
"""

import jax, jax.numpy as jnp
import numpy as np

# af4 4-bit codebook (stored as fp16 in torch; values are exactly representable, use f32)
CODE = jnp.array([-6.0, -4.0, -3.0, -2.0, -1.5, -1.0, -0.5, -0.0, 0.0, 0.5, 1.0, 1.5, 2.0, 3.0, 4.0, 6.0], dtype=jnp.float32)
MAXQ = 12.0


def setup_inputs(seed: int = 0) -> dict:
    key = jax.random.key(seed)
    x = jax.random.normal(key, (4096, 4096), dtype=jnp.float32)
    return {"x": x}


def _quantize_to_code(q):
    # q: [N, 1]; snap each value to nearest codebook entry
    distance = jnp.abs(q - CODE[None, :])
    idx = jax.lax.stop_gradient(jnp.argmin(distance, axis=-1))
    return jnp.take(CODE, idx)


def _forward(x):
    # configure(bits=4, perchannel=True, sym=True, tensor_percentile=1.0, weight=x)
    tensor_max = jnp.max(x) * 1.0
    tensor_min = jnp.min(x) * 1.0
    # find_params(x, weight=True)
    xc = jnp.clip(x, tensor_min, tensor_max)
    flat = xc.reshape(xc.shape[0], -1)  # perchannel + weight -> flatten(1)
    zeros = jnp.zeros((flat.shape[0],), dtype=flat.dtype)
    xmin = jnp.minimum(jnp.min(flat, axis=1), zeros)
    xmax = jnp.maximum(jnp.max(flat, axis=1), zeros)
    # sym=True
    xmax = jnp.maximum(jnp.abs(xmin), xmax)
    xmin = jnp.where(xmin < 0, -xmax, xmin)
    both_zero = (xmin == 0) & (xmax == 0)
    xmin = jnp.where(both_zero, -1.0, xmin)
    xmax = jnp.where(both_zero, 1.0, xmax)
    scale_pos = (jnp.abs(xmax) / (MAXQ / 2.0)).reshape(-1, 1)  # weight=True reshape [-1,1]
    scale_neg = (jnp.abs(xmin) / (MAXQ / 2.0)).reshape(-1, 1)
    # quantize(x)
    xq_in = jnp.clip(x, tensor_min, tensor_max)
    shape = xq_in.shape
    x_pos = jnp.where(xq_in >= 0, xq_in, jnp.zeros_like(xq_in))
    x_neg = jnp.where(xq_in < 0, xq_in, jnp.zeros_like(xq_in))
    q_pos = (x_pos / scale_pos).reshape(-1, 1)
    q_pos = _quantize_to_code(q_pos).reshape(shape)
    q_neg = (x_neg / scale_neg).reshape(-1, 1)
    q_neg = _quantize_to_code(q_neg).reshape(shape)
    xq = q_pos * scale_pos + q_neg * scale_neg
    return xq


def reference(x):
    return _forward(x)

if __name__ == "__main__":
    import jax
    _d = setup_inputs()
    print(jax.jit(kernel)(*tuple(_d.values())))

</pallas_src>

<mosaic_0001>
#map = affine_map<(d0, d1) -> (0, 0)>
#map1 = affine_map<(d0, d1) -> (0)>
module attributes {stable_mosaic.version = 14 : i64} {
  func.func @_tec_body(%arg0: i32, %arg1: i32, %arg2: memref<4096x4096xf32, #tpu.memory_space<hbm>>, %arg3: memref<64xf32, #tpu.memory_space<hbm>>, %arg4: memref<4096x4096xf32, #tpu.memory_space<hbm>>, %arg5: memref<2x4x4096xf32, #tpu.memory_space<vmem>>, %arg6: memref<2x4x4096xf32, #tpu.memory_space<vmem>>, %arg7: memref<64xf32, #tpu.memory_space<vmem>>, %arg8: memref<64xf32, #tpu.memory_space<vmem>>, %arg9: memref<!tpu.dma_semaphore, #tpu.memory_space<semaphore_mem>>, %arg10: memref<!tpu.dma_semaphore, #tpu.memory_space<semaphore_mem>>, %arg11: memref<!tpu.dma_semaphore, #tpu.memory_space<semaphore_mem>>, %arg12: memref<!tpu.dma_semaphore, #tpu.memory_space<semaphore_mem>>) attributes {dimension_semantics = [#tpu.dimension_semantics<core_parallel>, #tpu.dimension_semantics<subcore_parallel>], iteration_bounds = array<i64: 2, 16>, scalar_prefetch = 0 : i64, scratch_operands = 8 : i64, tpu.core_type = #tpu.core_type<sc_vector_subcore>, window_params = [{transform_indices = #map}, {transform_indices = #map1}, {transform_indices = #map}]} {
    %mul3A = arith.constant 2 : i32
    %mul3A_0 = arith.muli %arg1, %mul3A : i32
    %add3A = arith.addi %mul3A_0, %arg0 : i32
    %mul3A_1 = arith.constant 128 : i32
    %mul3A_2 = arith.muli %add3A, %mul3A_1 : i32
    "tpu.region"() ({
      %run_scoped3A = tpu.sem_alloc : memref<!tpu.dma_semaphore, #tpu.memory_space<semaphore_mem>>
      tpu.enqueue_dma source(%arg3 : memref<64xf32, #tpu.memory_space<hbm>>) target(%arg7 : memref<64xf32, #tpu.memory_space<vmem>>) target_semaphore(%run_scoped3A : memref<!tpu.dma_semaphore, #tpu.memory_space<semaphore_mem>>)
      tpu.wait_dma2 semaphore(%run_scoped3A : memref<!tpu.dma_semaphore, #tpu.memory_space<semaphore_mem>>) src(%arg3 : memref<64xf32, #tpu.memory_space<hbm>>) dst(%arg7 : memref<64xf32, #tpu.memory_space<vmem>>)
      tpu.yield
    }) : () -> ()
    %add3A_3 = arith.constant 0 : i32
    %add3A_4 = arith.addi %mul3A_2, %add3A_3 : i32
    %dma_start3A = arith.constant 0 : i32
    %dma_start3A_5 = arith.constant 0 : i32
    %dma_start3A_6 = arith.constant 0 : i32
    %dma_start3A_7 = tpu.memref_slice %arg5[%dma_start3A, %dma_start3A_5, %dma_start3A_6] : memref<2x4x4096xf32, #tpu.memory_space<vmem>> -> memref<1x4x4096xf32, #tpu.memory_space<vmem>>
    %dma_start3A_8 = tpu.memref_squeeze %dma_start3A_7 : memref<1x4x4096xf32, #tpu.memory_space<vmem>> -> memref<4x4096xf32, #tpu.memory_space<vmem>>
    %dma_start3A_9 = arith.constant 0 : i32
    %dma_start3A_10 = tpu.memref_slice %arg2[%add3A_4, %dma_start3A_9] : memref<4096x4096xf32, #tpu.memory_space<hbm>> -> memref<4x4096xf32, #tpu.memory_space<hbm>>
    %dma_start3A_11 = arith.constant 0 : i32
    %dma_start3A_12 = arith.constant 0 : i32
    %dma_start3A_13 = tpu.memref_slice %arg5[%dma_start3A, %dma_start3A_11, %dma_start3A_12] : memref<2x4x4096xf32, #tpu.memory_space<vmem>> -> memref<1x4x4096xf32, #tpu.memory_space<vmem>>
    %dma_start3A_14 = tpu.memref_squeeze %dma_start3A_13 : memref<1x4x4096xf32, #tpu.memory_space<vmem>> -> memref<4x4096xf32, #tpu.memory_space<vmem>>
    %dma_start3A_15 = arith.constant 0 : i32
    %dma_start3A_16 = tpu.memref_slice %arg2[%add3A_4, %dma_start3A_15] : memref<4096x4096xf32, #tpu.memory_space<hbm>> -> memref<4x4096xf32, #tpu.memory_space<hbm>>
    tpu.enqueue_dma source(%dma_start3A_16 : memref<4x4096xf32, #tpu.memory_space<hbm>>) target(%dma_start3A_14 : memref<4x4096xf32, #tpu.memory_space<vmem>>) target_semaphore(%arg9 : memref<!tpu.dma_semaphore, #tpu.memory_space<semaphore_mem>>)
    %add3A_17 = arith.constant 4 : i32
    %add3A_18 = arith.addi %mul3A_2, %add3A_17 : i32
    %dma_start3A_19 = arith.constant 1 : i32
    %dma_start3A_20 = arith.constant 0 : i32
    %dma_start3A_21 = arith.constant 0 : i32
    %dma_start3A_22 = tpu.memref_slice %arg5[%dma_start3A_19, %dma_start3A_20, %dma_start3A_21] : memref<2x4x4096xf32, #tpu.memory_space<vmem>> -> memref<1x4x4096xf32, #tpu.memory_space<vmem>>
    %dma_start3A_23 = tpu.memref_squeeze %dma_start3A_22 : memref<1x4x4096xf32, #tpu.memory_space<vmem>> -> memref<4x4096xf32, #tpu.memory_space<vmem>>
    %dma_start3A_24 = arith.constant 0 : i32
    %dma_start3A_25 = tpu.memref_slice %arg2[%add3A_18, %dma_start3A_24] : memref<4096x4096xf32, #tpu.memory_space<hbm>> -> memref<4x4096xf32, #tpu.memory_space<hbm>>
    %dma_start3A_26 = arith.constant 0 : i32
    %dma_start3A_27 = arith.constant 0 : i32
    %dma_start3A_28 = tpu.memref_slice %arg5[%dma_start3A_19, %dma_start3A_26, %dma_start3A_27] : memref<2x4x4096xf32, #tpu.memory_space<vmem>> -> memref<1x4x4096xf32, #tpu.memory_space<vmem>>
    %dma_start3A_29 = tpu.memref_squeeze %dma_start3A_28 : memref<1x4x4096xf32, #tpu.memory_space<vmem>> -> memref<4x4096xf32, #tpu.memory_space<vmem>>
    %dma_start3A_30 = arith.constant 0 : i32
    %dma_start3A_31 = tpu.memref_slice %arg2[%add3A_18, %dma_start3A_30] : memref<4096x4096xf32, #tpu.memory_space<hbm>> -> memref<4x4096xf32, #tpu.memory_space<hbm>>
    tpu.enqueue_dma source(%dma_start3A_31 : memref<4x4096xf32, #tpu.memory_space<hbm>>) target(%dma_start3A_29 : memref<4x4096xf32, #tpu.memory_space<vmem>>) target_semaphore(%arg10 : memref<!tpu.dma_semaphore, #tpu.memory_space<semaphore_mem>>)
    %scan3A = arith.constant 0 : i32
    %scan3A_32 = arith.constant 0 : i32
    %scan3A_33 = arith.constant 16 : i32
    %scan3A_34 = arith.addi %scan3A_32, %scan3A_33 : i32
    %scan3A_35 = arith.constant 1 : i32
    scf.for %scan3A_66 = %scan3A_32 to %scan3A_34 step %scan3A_35  : i32 {
      %mul3A_67 = arith.constant 2 : i32
      %mul3A_68 = arith.muli %scan3A_66, %mul3A_67 : i32
      %add3A_69 = arith.constant 0 : i32
      %add3A_70 = arith.addi %mul3A_68, %add3A_69 : i32
      %dma_wait3A_71 = arith.constant 0 : i32
      %dma_wait3A_72 = arith.constant 0 : i32
      %dma_wait3A_73 = arith.constant 0 : i32
      %dma_wait3A_74 = tpu.memref_slice %arg5[%dma_wait3A_71, %dma_wait3A_72, %dma_wait3A_73] : memref<2x4x4096xf32, #tpu.memory_space<vmem>> -> memref<1x4x4096xf32, #tpu.memory_space<vmem>>
      %dma_wait3A_75 = tpu.memref_squeeze %dma_wait3A_74 : memref<1x4x4096xf32, #tpu.memory_space<vmem>> -> memref<4x4096xf32, #tpu.memory_space<vmem>>
      %dma_wait3A_76 = arith.constant 0 : i32
      %dma_wait3A_77 = arith.constant 0 : i32
      %dma_wait3A_78 = tpu.memref_slice %arg2[%dma_wait3A_76, %dma_wait3A_77] : memref<4096x4096xf32, #tpu.memory_space<hbm>> -> memref<4x4096xf32, #tpu.memory_space<hbm>>
      %dma_wait3A_79 = arith.constant 0 : i32
      %dma_wait3A_80 = arith.constant 0 : i32
      %dma_wait3A_81 = tpu.memref_slice %arg5[%dma_wait3A_71, %dma_wait3A_79, %dma_wait3A_80] : memref<2x4x4096xf32, #tpu.memory_space<vmem>> -> memref<1x4x4096xf32, #tpu.memory_space<vmem>>
      %dma_wait3A_82 = tpu.memref_squeeze %dma_wait3A_81 : memref<1x4x4096xf32, #tpu.memory_space<vmem>> -> memref<4x4096xf32, #tpu.memory_space<vmem>>
      %dma_wait3A_83 = arith.constant 0 : i32
      %dma_wait3A_84 = arith.constant 0 : i32
      %dma_wait3A_85 = tpu.memref_slice %arg2[%dma_wait3A_83, %dma_wait3A_84] : memref<4096x4096xf32, #tpu.memory_space<hbm>> -> memref<4x4096xf32, #tpu.memory_space<hbm>>
      tpu.wait_dma2 semaphore(%arg9 : memref<!tpu.dma_semaphore, #tpu.memory_space<semaphore_mem>>) src(%dma_wait3A_85 : memref<4x4096xf32, #tpu.memory_space<hbm>>) dst(%dma_wait3A_82 : memref<4x4096xf32, #tpu.memory_space<vmem>>)
      %ge3A = arith.constant 2 : i32
      %ge3A_86 = arith.cmpi sge, %add3A_70, %ge3A : i32
      %convert_element_type3A = arith.extui %ge3A_86 : i1 to i32
      %cond3A = arith.constant 0 : i32
      %cond3A_87 = arith.cmpi ne, %convert_element_type3A, %cond3A : i32
      scf.if %cond3A_87 {
        %dma_wait3A_882 = arith.constant 0 : i32
        %dma_wait3A_883 = arith.constant 0 : i32
        %dma_wait3A_884 = arith.constant 0 : i32
        %dma_wait3A_885 = tpu.memref_slice %arg6[%dma_wait3A_882, %dma_wait3A_883, %dma_wait3A_884] : memref<2x4x4096xf32, #tpu.memory_space<vmem>> -> memref<1x4x4096xf32, #tpu.memory_space<vmem>>
        %dma_wait3A_886 = tpu.memref_squeeze %dma_wait3A_885 : memref<1x4x4096xf32, #tpu.memory_space<vmem>> -> memref<4x4096xf32, #tpu.memory_space<vmem>>
        %dma_wait3A_887 = arith.constant 0 : i32
        %dma_wait3A_888 = arith.constant 0 : i32
        %dma_wait3A_889 = tpu.memref_slice %arg4[%dma_wait3A_887, %dma_wait3A_888] : memref<4096x4096xf32, #tpu.memory_space<hbm>> -> memref<4x4096xf32, #tpu.memory_space<hbm>>
        %dma_wait3A_890 = arith.constant 0 : i32
        %dma_wait3A_891 = arith.constant 0 : i32
        %dma_wait3A_892 = tpu.memref_slice %arg4[%dma_wait3A_890, %dma_wait3A_891] : memref<4096x4096xf32, #tpu.memory_space<hbm>> -> memref<4x4096xf32, #tpu.memory_space<hbm>>
        %dma_wait3A_893 = arith.constant 0 : i32
        %dma_wait3A_894 = arith.constant 0 : i32
        %dma_wait3A_895 = tpu.memref_slice %arg6[%dma_wait3A_882, %dma_wait3A_893, %dma_wait3A_894] : memref<2x4x4096xf32, #tpu.memory_space<vmem>> -> memref<1x4x4096xf32, #tpu.memory_space<vmem>>
        %dma_wait3A_896 = tpu.memref_squeeze %dma_wait3A_895 : memref<1x4x4096xf32, #tpu.memory_space<vmem>> -> memref<4x4096xf32, #tpu.memory_space<vmem>>
        tpu.wait_dma2 semaphore(%arg11 : memref<!tpu.dma_semaphore, #tpu.memory_space<semaphore_mem>>) src(%dma_wait3A_896 : memref<4x4096xf32, #tpu.memory_space<vmem>>) dst(%dma_wait3A_892 : memref<4x4096xf32, #tpu.memory_space<hbm>>)
      } else {
      }
      %broadcast_in_dim3A = arith.constant 0.000000e+00 : f32
      %broadcast_in_dim3A_88 = vector.broadcast %broadcast_in_dim3A : f32 to vector<16xf32>
      %parallel_loop3A = arith.constant 0 : i32
      %parallel_loop3A_89 = arith.constant 4096 : i32
      %parallel_loop3A_90 = arith.constant 64 : i32
      %parallel_loop3A_91:4 = scf.for %parallel_loop3A_882 = %parallel_loop3A to %parallel_loop3A_89 step %parallel_loop3A_90 iter_args(%parallel_loop3A_883 = %broadcast_in_dim3A_88, %parallel_loop3A_884 = %broadcast_in_dim3A_88, %parallel_loop3A_885 = %broadcast_in_dim3A_88, %parallel_loop3A_886 = %broadcast_in_dim3A_88) -> (vector<16xf32>, vector<16xf32>, vector<16xf32>, vector<16xf32>)  : i32 {
        %parallel_loop3A_887 = arith.constant 0 : i32
        %parallel_loop3A_888 = arith.addi %parallel_loop3A_882, %parallel_loop3A_887 : i32
        %parallel_loop3A_889 = arith.constant 0 : i32
        %parallel_loop3A_890 = arith.constant 0 : i32
        %parallel_loop3A_891 = arith.index_cast %parallel_loop3A_889 : i32 to index
        %parallel_loop3A_892 = arith.index_cast %parallel_loop3A_890 : i32 to index
        %parallel_loop3A_893 = arith.index_cast %parallel_loop3A_888 : i32 to index
        %parallel_loop3A_894 = tpu.vector_load %arg5[%parallel_loop3A_891, %parallel_loop3A_892, %parallel_loop3A_893] {strides = array<i32>} : memref<2x4x4096xf32, #tpu.memory_space<vmem>>, vector<16xf32>,
        %parallel_loop3A_895 = math.absf %parallel_loop3A_894 : vector<16xf32>
        %parallel_loop3A_896 = arith.maximumf %parallel_loop3A_883, %parallel_loop3A_895 : vector<16xf32>
        %parallel_loop3A_897 = arith.constant 16 : i32
        %parallel_loop3A_898 = arith.addi %parallel_loop3A_882, %parallel_loop3A_897 : i32
        %parallel_loop3A_899 = arith.constant 0 : i32
        %parallel_loop3A_900 = arith.constant 0 : i32
        %parallel_loop3A_901 = arith.index_cast %parallel_loop3A_899 : i32 to index
        %parallel_loop3A_902 = arith.index_cast %parallel_loop3A_900 : i32 to index
        %parallel_loop3A_903 = arith.index_cast %parallel_loop3A_898 : i32 to index
        %parallel_loop3A_904 = tpu.vector_load %arg5[%parallel_loop3A_901, %parallel_loop3A_902, %parallel_loop3A_903] {strides = array<i32>} : memref<2x4x4096xf32, #tpu.memory_space<vmem>>, vector<16xf32>,
        %parallel_loop3A_905 = math.absf %parallel_loop3A_904 : vector<16xf32>
        %parallel_loop3A_906 = arith.maximumf %parallel_loop3A_884, %parallel_loop3A_905 : vector<16xf32>
        %parallel_loop3A_907 = arith.constant 32 : i32
        %parallel_loop3A_908 = arith.addi %parallel_loop3A_882, %parallel_loop3A_907 : i32
        %parallel_loop3A_909 = arith.constant 0 : i32
        %parallel_loop3A_910 = arith.constant 0 : i32
        %parallel_loop3A_911 = arith.index_cast %parallel_loop3A_909 : i32 to index
        %parallel_loop3A_912 = arith.index_cast %parallel_loop3A_910 : i32 to index
        %parallel_loop3A_913 = arith.index_cast %parallel_loop3A_908 : i32 to index
        %parallel_loop3A_914 = tpu.vector_load %arg5[%parallel_loop3A_911, %parallel_loop3A_912, %parallel_loop3A_913] {strides = array<i32>} : memref<2x4x4096xf32, #tpu.memory_space<vmem>>, vector<16xf32>,
        %parallel_loop3A_915 = math.absf %parallel_loop3A_914 : vector<16xf32>
        %parallel_loop3A_916 = arith.maximumf %parallel_loop3A_885, %parallel_loop3A_915 : vector<16xf32>
        %parallel_loop3A_917 = arith.constant 48 : i32
        %parallel_loop3A_918 = arith.addi %parallel_loop3A_882, %parallel_loop3A_917 : i32
        %parallel_loop3A_919 = arith.constant 0 : i32
        %parallel_loop3A_920 = arith.constant 0 : i32
        %parallel_loop3A_921 = arith.index_cast %parallel_loop3A_919 : i32 to index
        %parallel_loop3A_922 = arith.index_cast %parallel_loop3A_920 : i32 to index
        %parallel_loop3A_923 = arith.index_cast %parallel_loop3A_918 : i32 to index
        %parallel_loop3A_924 = tpu.vector_load %arg5[%parallel_loop3A_921, %parallel_loop3A_922, %parallel_loop3A_923] {strides = array<i32>} : memref<2x4x4096xf32, #tpu.memory_space<vmem>>, vector<16xf32>,
        %parallel_loop3A_925 = math.absf %parallel_loop3A_924 : vector<16xf32>
        %parallel_loop3A_926 = arith.maximumf %parallel_loop3A_886, %parallel_loop3A_925 : vector<16xf32>
        scf.yield %parallel_loop3A_896, %parallel_loop3A_906, %parallel_loop3A_916, %parallel_loop3A_926 : vector<16xf32>, vector<16xf32>, vector<16xf32>, vector<16xf32>
      } {sc.loop_unroll_factor = 2 : i64, sc.parallel_access}
      %max3A = arith.maximumf %parallel_loop3A_91#0, %parallel_loop3A_91#1 : vector<16xf32>
      %max3A_92 = arith.maximumf %parallel_loop3A_91#2, %parallel_loop3A_91#3 : vector<16xf32>
      %max3A_93 = arith.maximumf %max3A, %max3A_92 : vector<16xf32>
      %slice3A = vector.extract_strided_slice %max3A_93 {offsets = [0], sizes = [1], strides = [1]} : vector<16xf32> to vector<1xf32>
      %squeeze3A = vector.extract %slice3A[0] : f32 from vector<1xf32>
      %slice3A_94 = vector.extract_strided_slice %max3A_93 {offsets = [1], sizes = [1], strides = [1]} : vector<16xf32> to vector<1xf32>
      %squeeze3A_95 = vector.extract %slice3A_94[0] : f32 from vector<1xf32>
      %slice3A_96 = vector.extract_strided_slice %max3A_93 {offsets = [2], sizes = [1], strides = [1]} : vector<16xf32> to vector<1xf32>
      %squeeze3A_97 = vector.extract %slice3A_96[0] : f32 from vector<1xf32>
      %slice3A_98 = vector.extract_strided_slice %max3A_93 {offsets = [3], sizes = [1], strides = [1]} : vector<16xf32> to vector<1xf32>
      %squeeze3A_99 = vector.extract %slice3A_98[0] : f32 from vector<1xf32>
      %slice3A_100 = vector.extract_strided_slice %max3A_93 {offsets = [4], sizes = [1], strides = [1]} : vector<16xf32> to vector<1xf32>
      %squeeze3A_101 = vector.extract %slice3A_100[0] : f32 from vector<1xf32>
      %slice3A_102 = vector.extract_strided_slice %max3A_93 {offsets = [5], sizes = [1], strides = [1]} : vector<16xf32> to vector<1xf32>
      %squeeze3A_103 = vector.extract %slice3A_102[0] : f32 from vector<1xf32>
      %slice3A_104 = vector.extract_strided_slice %max3A_93 {offsets = [6], sizes = [1], strides = [1]} : vector<16xf32> to vector<1xf32>
      %squeeze3A_105 = vector.extract %slice3A_104[0] : f32 from vector<1xf32>
      %slice3A_106 = vector.extract_strided_slice %max3A_93 {offsets = [7], sizes = [1], strides = [1]} : vector<16xf32> to vector<1xf32>
      %squeeze3A_107 = vector.extract %slice3A_106[0] : f32 from vector<1xf32>
      %slice3A_108 = vector.extract_strided_slice %max3A_93 {offsets = [8], sizes = [1], strides = [1]} : vector<16xf32> to vector<1xf32>
      %squeeze3A_109 = vector.extract %slice3A_108[0] : f32 from vector<1xf32>
      %slice3A_110 = vector.extract_strided_slice %max3A_93 {offsets = [9], sizes = [1], strides = [1]} : vector<16xf32> to vector<1xf32>
      %squeeze3A_111 = vector.extract %slice3A_110[0] : f32 from vector<1xf32>
      %slice3A_112 = vector.extract_strided_slice %max3A_93 {offsets = [10], sizes = [1], strides = [1]} : vector<16xf32> to vector<1xf32>
      %squeeze3A_113 = vector.extract %slice3A_112[0] : f32 from vector<1xf32>
      %slice3A_114 = vector.extract_strided_slice %max3A_93 {offsets = [11], sizes = [1], strides = [1]} : vector<16xf32> to vector<1xf32>
      %squeeze3A_115 = vector.extract %slice3A_114[0] : f32 from vector<1xf32>
      %slice3A_116 = vector.extract_strided_slice %max3A_93 {offsets = [12], sizes = [1], strides = [1]} : vector<16xf32> to vector<1xf32>
      %squeeze3A_117 = vector.extract %slice3A_116[0] : f32 from vector<1xf32>
      %slice3A_118 = vector.extract_strided_slice %max3A_93 {offsets = [13], sizes = [1], strides = [1]} : vector<16xf32> to vector<1xf32>
      %squeeze3A_119 = vector.extract %slice3A_118[0] : f32 from vector<1xf32>
      %slice3A_120 = vector.extract_strided_slice %max3A_93 {offsets = [14], sizes = [1], strides = [1]} : vector<16xf32> to vector<1xf32>
      %squeeze3A_121 = vector.extract %slice3A_120[0] : f32 from vector<1xf32>
      %slice3A_122 = vector.extract_strided_slice %max3A_93 {offsets = [15], sizes = [1], strides = [1]} : vector<16xf32> to vector<1xf32>
      %squeeze3A_123 = vector.extract %slice3A_122[0] : f32 from vector<1xf32>
      %max3A_124 = arith.maximumf %squeeze3A, %squeeze3A_95 : f32
      %max3A_125 = arith.maximumf %squeeze3A_97, %squeeze3A_99 : f32
      %max3A_126 = arith.maximumf %squeeze3A_101, %squeeze3A_103 : f32
      %max3A_127 = arith.maximumf %squeeze3A_105, %squeeze3A_107 : f32
      %max3A_128 = arith.maximumf %squeeze3A_109, %squeeze3A_111 : f32
      %max3A_129 = arith.maximumf %squeeze3A_113, %squeeze3A_115 : f32
      %max3A_130 = arith.maximumf %squeeze3A_117, %squeeze3A_119 : f32
      %max3A_131 = arith.maximumf %squeeze3A_121, %squeeze3A_123 : f32
      %max3A_132 = arith.maximumf %max3A_124, %max3A_125 : f32
      %max3A_133 = arith.maximumf %max3A_126, %max3A_127 : f32
      %max3A_134 = arith.maximumf %max3A_128, %max3A_129 : f32
      %max3A_135 = arith.maximumf %max3A_130, %max3A_131 : f32
      %max3A_136 = arith.maximumf %max3A_132, %max3A_133 : f32
      %max3A_137 = arith.maximumf %max3A_134, %max3A_135 : f32
      %max3A_138 = arith.maximumf %max3A_136, %max3A_137 : f32
      %broadcast_in_dim3A_139 = vector.broadcast %max3A_138 : f32 to vector<16xf32>
      %gt3A = arith.constant 0.000000e+00 : f32
      %gt3A_140 = vector.broadcast %gt3A : f32 to vector<16xf32>
      %gt3A_141 = arith.cmpf ogt, %broadcast_in_dim3A_139, %gt3A_140 : vector<16xf32>
      %jit3A = arith.constant 1.000000e+00 : f32
      %broadcast_in_dim3A_142 = vector.broadcast %jit3A : f32 to vector<16xf32>
      %select_n3A = arith.select %gt3A_141, %broadcast_in_dim3A_139, %broadcast_in_dim3A_142 : vector<16xi1>, vector<16xf32>
      %mul3A_143 = arith.constant 0.166666672 : f32
      %mul3A_144 = vector.broadcast %mul3A_143 : f32 to vector<16xf32>
      %mul3A_145 = arith.mulf %select_n3A, %mul3A_144 : vector<16xf32>
      %div3A = arith.constant 2.400000e+01 : f32
      %div3A_146 = vector.broadcast %div3A : f32 to vector<16xf32>
      %div3A_147 = arith.divf %div3A_146, %select_n3A : vector<16xf32>
      %get3A = arith.constant 0 : index
      %get3A_148 = tpu.vector_load %arg7[%get3A] {strides = array<i32>} : memref<64xf32, #tpu.memory_space<vmem>>, vector<16xf32>,
      %mul3A_149 = arith.mulf %get3A_148, %mul3A_145 : vector<16xf32>
      %swap3A = arith.constant 0 : index
      %swap3A_150 = tpu.vector_load %arg8[%swap3A] {strides = array<i32>} : memref<64xf32, #tpu.memory_space<vmem>>, vector<16xf32>,
      tpu.vector_store %arg8[%swap3A], %mul3A_149 {strides = array<i32>} : memref<64xf32, #tpu.memory_space<vmem>>, vector<16xf32>,
      %get3A_151 = arith.constant 16 : index
      %get3A_152 = tpu.vector_load %arg7[%get3A_151] {strides = array<i32>} : memref<64xf32, #tpu.memory_space<vmem>>, vector<16xf32>,
      %mul3A_153 = arith.mulf %get3A_152, %mul3A_145 : vector<16xf32>
      %swap3A_154 = arith.constant 16 : index
      %swap3A_155 = tpu.vector_load %arg8[%swap3A_154] {strides = array<i32>} : memref<64xf32, #tpu.memory_space<vmem>>, vector<16xf32>,
      tpu.vector_store %arg8[%swap3A_154], %mul3A_153 {strides = array<i32>} : memref<64xf32, #tpu.memory_space<vmem>>, vector<16xf32>,
      %get3A_156 = arith.constant 32 : index
      %get3A_157 = tpu.vector_load %arg7[%get3A_156] {strides = array<i32>} : memref<64xf32, #tpu.memory_space<vmem>>, vector<16xf32>,
      %mul3A_158 = arith.mulf %get3A_157, %mul3A_145 : vector<16xf32>
      %swap3A_159 = arith.constant 32 : index
      %swap3A_160 = tpu.vector_load %arg8[%swap3A_159] {strides = array<i32>} : memref<64xf32, #tpu.memory_space<vmem>>, vector<16xf32>,
      tpu.vector_store %arg8[%swap3A_159], %mul3A_158 {strides = array<i32>} : memref<64xf32, #tpu.memory_space<vmem>>, vector<16xf32>,
      %get3A_161 = arith.constant 48 : index
      %get3A_162 = tpu.vector_load %arg7[%get3A_161] {strides = array<i32>} : memref<64xf32, #tpu.memory_space<vmem>>, vector<16xf32>,
      %mul3A_163 = arith.mulf %get3A_162, %mul3A_145 : vector<16xf32>
      %swap3A_164 = arith.constant 48 : index
      %swap3A_165 = tpu.vector_load %arg8[%swap3A_164] {strides = array<i32>} : memref<64xf32, #tpu.memory_space<vmem>>, vector<16xf32>,
      tpu.vector_store %arg8[%swap3A_164], %mul3A_163 {strides = array<i32>} : memref<64xf32, #tpu.memory_space<vmem>>, vector<16xf32>,
      %parallel_loop3A_166 = arith.constant 0 : i32
      %parallel_loop3A_167 = arith.constant 4096 : i32
      %parallel_loop3A_168 = arith.constant 16 : i32
      scf.for %parallel_loop3A_882 = %parallel_loop3A_166 to %parallel_loop3A_167 step %parallel_loop3A_168  : i32 {
        %parallel_loop3A_883 = arith.constant 0 : i32
        %parallel_loop3A_884 = arith.constant 0 : i32
        %parallel_loop3A_885 = arith.index_cast %parallel_loop3A_883 : i32 to index
        %parallel_loop3A_886 = arith.index_cast %parallel_loop3A_884 : i32 to index
        %parallel_loop3A_887 = arith.index_cast %parallel_loop3A_882 : i32 to index
        %parallel_loop3A_888 = tpu.vector_load %arg5[%parallel_loop3A_885, %parallel_loop3A_886, %parallel_loop3A_887] {strides = array<i32>} : memref<2x4x4096xf32, #tpu.memory_space<vmem>>, vector<16xf32>,
        %parallel_loop3A_889 = arith.mulf %parallel_loop3A_888, %div3A_147 : vector<16xf32>
        %parallel_loop3A_890 = arith.constant 2.400000e+01 : f32
        %parallel_loop3A_891 = vector.broadcast %parallel_loop3A_890 : f32 to vector<16xf32>
        %parallel_loop3A_892 = arith.addf %parallel_loop3A_889, %parallel_loop3A_891 : vector<16xf32>
        %parallel_loop3A_893 = arith.fptosi %parallel_loop3A_892 : vector<16xf32> to vector<16xi32>
        %parallel_loop3A_894 = tpu.vector_load_idx %arg8[%parallel_loop3A_893] : memref<64xf32, #tpu.memory_space<vmem>>[vector<16xi32>], vector<16xf32>,
        %parallel_loop3A_895 = arith.constant 0 : i32
        %parallel_loop3A_896 = arith.constant 0 : i32
        %parallel_loop3A_897 = arith.index_cast %parallel_loop3A_895 : i32 to index
        %parallel_loop3A_898 = arith.index_cast %parallel_loop3A_896 : i32 to index
        %parallel_loop3A_899 = arith.index_cast %parallel_loop3A_882 : i32 to index
        %parallel_loop3A_900 = tpu.vector_load %arg6[%parallel_loop3A_897, %parallel_loop3A_898, %parallel_loop3A_899] {strides = array<i32>} : memref<2x4x4096xf32, #tpu.memory_space<vmem>>, vector<16xf32>,
        tpu.vector_store %arg6[%parallel_loop3A_897, %parallel_loop3A_898, %parallel_loop3A_899], %parallel_loop3A_894 {strides = array<i32>} : memref<2x4x4096xf32, #tpu.memory_space<vmem>>, vector<16xf32>,
      } {sc.loop_unroll_factor = 8 : i64, sc.parallel_access}
      %broadcast_in_dim3A_169 = arith.constant 0.000000e+00 : f32
      %broadcast_in_dim3A_170 = vector.broadcast %broadcast_in_dim3A_169 : f32 to vector<16xf32>
      %parallel_loop3A_171 = arith.constant 0 : i32
      %parallel_loop3A_172 = arith.constant 4096 : i32
      %parallel_loop3A_173 = arith.constant 64 : i32
      %parallel_loop3A_174:4 = scf.for %parallel_loop3A_882 = %parallel_loop3A_171 to %parallel_loop3A_172 step %parallel_loop3A_173 iter_args(%parallel_loop3A_883 = %broadcast_in_dim3A_170, %parallel_loop3A_884 = %broadcast_in_dim3A_170, %parallel_loop3A_885 = %broadcast_in_dim3A_170, %parallel_loop3A_886 = %broadcast_in_dim3A_170) -> (vector<16xf32>, vector<16xf32>, vector<16xf32>, vector<16xf32>)  : i32 {
        %parallel_loop3A_887 = arith.constant 0 : i32
        %parallel_loop3A_888 = arith.addi %parallel_loop3A_882, %parallel_loop3A_887 : i32
        %parallel_loop3A_889 = arith.constant 0 : i32
        %parallel_loop3A_890 = arith.constant 1 : i32
        %parallel_loop3A_891 = arith.index_cast %parallel_loop3A_889 : i32 to index
        %parallel_loop3A_892 = arith.index_cast %parallel_loop3A_890 : i32 to index
        %parallel_loop3A_893 = arith.index_cast %parallel_loop3A_888 : i32 to index
        %parallel_loop3A_894 = tpu.vector_load %arg5[%parallel_loop3A_891, %parallel_loop3A_892, %parallel_loop3A_893] {strides = array<i32>} : memref<2x4x4096xf32, #tpu.memory_space<vmem>>, vector<16xf32>,
        %parallel_loop3A_895 = math.absf %parallel_loop3A_894 : vector<16xf32>
        %parallel_loop3A_896 = arith.maximumf %parallel_loop3A_883, %parallel_loop3A_895 : vector<16xf32>
        %parallel_loop3A_897 = arith.constant 16 : i32
        %parallel_loop3A_898 = arith.addi %parallel_loop3A_882, %parallel_loop3A_897 : i32
        %parallel_loop3A_899 = arith.constant 0 : i32
        %parallel_loop3A_900 = arith.constant 1 : i32
        %parallel_loop3A_901 = arith.index_cast %parallel_loop3A_899 : i32 to index
        %parallel_loop3A_902 = arith.index_cast %parallel_loop3A_900 : i32 to index
        %parallel_loop3A_903 = arith.index_cast %parallel_loop3A_898 : i32 to index
        %parallel_loop3A_904 = tpu.vector_load %arg5[%parallel_loop3A_901, %parallel_loop3A_902, %parallel_loop3A_903] {strides = array<i32>} : memref<2x4x4096xf32, #tpu.memory_space<vmem>>, vector<16xf32>,
        %parallel_loop3A_905 = math.absf %parallel_loop3A_904 : vector<16xf32>
        %parallel_loop3A_906 = arith.maximumf %parallel_loop3A_884, %parallel_loop3A_905 : vector<16xf32>
        %parallel_loop3A_907 = arith.constant 32 : i32
        %parallel_loop3A_908 = arith.addi %parallel_loop3A_882, %parallel_loop3A_907 : i32
        %parallel_loop3A_909 = arith.constant 0 : i32
        %parallel_loop3A_910 = arith.constant 1 : i32
        %parallel_loop3A_911 = arith.index_cast %parallel_loop3A_909 : i32 to index
        %parallel_loop3A_912 = arith.index_cast %parallel_loop3A_910 : i32 to index
        %parallel_loop3A_913 = arith.index_cast %parallel_loop3A_908 : i32 to index
        %parallel_loop3A_914 = tpu.vector_load %arg5[%parallel_loop3A_911, %parallel_loop3A_912, %parallel_loop3A_913] {strides = array<i32>} : memref<2x4x4096xf32, #tpu.memory_space<vmem>>, vector<16xf32>,
        %parallel_loop3A_915 = math.absf %parallel_loop3A_914 : vector<16xf32>
        %parallel_loop3A_916 = arith.maximumf %parallel_loop3A_885, %parallel_loop3A_915 : vector<16xf32>
        %parallel_loop3A_917 = arith.constant 48 : i32
        %parallel_loop3A_918 = arith.addi %parallel_loop3A_882, %parallel_loop3A_917 : i32
        %parallel_loop3A_919 = arith.constant 0 : i32
        %parallel_loop3A_920 = arith.constant 1 : i32
        %parallel_loop3A_921 = arith.index_cast %parallel_loop3A_919 : i32 to index
        %parallel_loop3A_922 = arith.index_cast %parallel_loop3A_920 : i32 to index
        %parallel_loop3A_923 = arith.index_cast %parallel_loop3A_918 : i32 to index
        %parallel_loop3A_924 = tpu.vector_load %arg5[%parallel_loop3A_921, %parallel_loop3A_922, %parallel_loop3A_923] {strides = array<i32>} : memref<2x4x4096xf32, #tpu.memory_space<vmem>>, vector<16xf32>,
        %parallel_loop3A_925 = math.absf %parallel_loop3A_924 : vector<16xf32>
        %parallel_loop3A_926 = arith.maximumf %parallel_loop3A_886, %parallel_loop3A_925 : vector<16xf32>
        scf.yield %parallel_loop3A_896, %parallel_loop3A_906, %parallel_loop3A_916, %parallel_loop3A_926 : vector<16xf32>, vector<16xf32>, vector<16xf32>, vector<16xf32>
      } {sc.loop_unroll_factor = 2 : i64, sc.parallel_access}
      %max3A_175 = arith.maximumf %parallel_loop3A_174#0, %parallel_loop3A_174#1 : vector<16xf32>
      %max3A_176 = arith.maximumf %parallel_loop3A_174#2, %parallel_loop3A_174#3 : vector<16xf32>
      %max3A_177 = arith.maximumf %max3A_175, %max3A_176 : vector<16xf32>
      %slice3A_178 = vector.extract_strided_slice %max3A_177 {offsets = [0], sizes = [1], strides = [1]} : vector<16xf32> to vector<1xf32>
      %squeeze3A_179 = vector.extract %slice3A_178[0] : f32 from vector<1xf32>
      %slice3A_180 = vector.extract_strided_slice %max3A_177 {offsets = [1], sizes = [1], strides = [1]} : vector<16xf32> to vector<1xf32>
      %squeeze3A_181 = vector.extract %slice3A_180[0] : f32 from vector<1xf32>
      %slice3A_182 = vector.extract_strided_slice %max3A_177 {offsets = [2], sizes = [1], strides = [1]} : vector<16xf32> to vector<1xf32>
      %squeeze3A_183 = vector.extract %slice3A_182[0] : f32 from vector<1xf32>
      %slice3A_184 = vector.extract_strided_slice %max3A_177 {offsets = [3], sizes = [1], strides = [1]} : vector<16xf32> to vector<1xf32>
      %squeeze3A_185 = vector.extract %slice3A_184[0] : f32 from vector<1xf32>
      %slice3A_186 = vector.extract_strided_slice %max3A_177 {offsets = [4], sizes = [1], strides = [1]} : vector<16xf32> to vector<1xf32>
      %squeeze3A_187 = vector.extract %slice3A_186[0] : f32 from vector<1xf32>
      %slice3A_188 = vector.extract_strided_slice %max3A_177 {offsets = [5], sizes = [1], strides = [1]} : vector<16xf32> to vector<1xf32>
      %squeeze3A_189 = vector.extract %slice3A_188[0] : f32 from vector<1xf32>
      %slice3A_190 = vector.extract_strided_slice %max3A_177 {offsets = [6], sizes = [1], strides = [1]} : vector<16xf32> to vector<1xf32>
      %squeeze3A_191 = vector.extract %slice3A_190[0] : f32 from vector<1xf32>
      %slice3A_192 = vector.extract_strided_slice %max3A_177 {offsets = [7], sizes = [1], strides = [1]} : vector<16xf32> to vector<1xf32>
      %squeeze3A_193 = vector.extract %slice3A_192[0] : f32 from vector<1xf32>
      %slice3A_194 = vector.extract_strided_slice %max3A_177 {offsets = [8], sizes = [1], strides = [1]} : vector<16xf32> to vector<1xf32>
      %squeeze3A_195 = vector.extract %slice3A_194[0] : f32 from vector<1xf32>
      %slice3A_196 = vector.extract_strided_slice %max3A_177 {offsets = [9], sizes = [1], strides = [1]} : vector<16xf32> to vector<1xf32>
      %squeeze3A_197 = vector.extract %slice3A_196[0] : f32 from vector<1xf32>
      %slice3A_198 = vector.extract_strided_slice %max3A_177 {offsets = [10], sizes = [1], strides = [1]} : vector<16xf32> to vector<1xf32>
      %squeeze3A_199 = vector.extract %slice3A_198[0] : f32 from vector<1xf32>
      %slice3A_200 = vector.extract_strided_slice %max3A_177 {offsets = [11], sizes = [1], strides = [1]} : vector<16xf32> to vector<1xf32>
      %squeeze3A_201 = vector.extract %slice3A_200[0] : f32 from vector<1xf32>
      %slice3A_202 = vector.extract_strided_slice %max3A_177 {offsets = [12], sizes = [1], strides = [1]} : vector<16xf32> to vector<1xf32>
      %squeeze3A_203 = vector.extract %slice3A_202[0] : f32 from vector<1xf32>
      %slice3A_204 = vector.extract_strided_slice %max3A_177 {offsets = [13], sizes = [1], strides = [1]} : vector<16xf32> to vector<1xf32>
      %squeeze3A_205 = vector.extract %slice3A_204[0] : f32 from vector<1xf32>
      %slice3A_206 = vector.extract_strided_slice %max3A_177 {offsets = [14], sizes = [1], strides = [1]} : vector<16xf32> to vector<1xf32>
      %squeeze3A_207 = vector.extract %slice3A_206[0] : f32 from vector<1xf32>
      %slice3A_208 = vector.extract_strided_slice %max3A_177 {offsets = [15], sizes = [1], strides = [1]} : vector<16xf32> to vector<1xf32>
      %squeeze3A_209 = vector.extract %slice3A_208[0] : f32 from vector<1xf32>
      %max3A_210 = arith.maximumf %squeeze3A_179, %squeeze3A_181 : f32
      %max3A_211 = arith.maximumf %squeeze3A_183, %squeeze3A_185 : f32
      %max3A_212 = arith.maximumf %squeeze3A_187, %squeeze3A_189 : f32
      %max3A_213 = arith.maximumf %squeeze3A_191, %squeeze3A_193 : f32
      %max3A_214 = arith.maximumf %squeeze3A_195, %squeeze3A_197 : f32
      %max3A_215 = arith.maximumf %squeeze3A_199, %squeeze3A_201 : f32
      %max3A_216 = arith.maximumf %squeeze3A_203, %squeeze3A_205 : f32
      %max3A_217 = arith.maximumf %squeeze3A_207, %squeeze3A_209 : f32
      %max3A_218 = arith.maximumf %max3A_210, %max3A_211 : f32
      %max3A_219 = arith.maximumf %max3A_212, %max3A_213 : f32
      %max3A_220 = arith.maximumf %max3A_214, %max3A_215 : f32
      %max3A_221 = arith.maximumf %max3A_216, %max3A_217 : f32
      %max3A_222 = arith.maximumf %max3A_218, %max3A_219 : f32
      %max3A_223 = arith.maximumf %max3A_220, %max3A_221 : f32
      %max3A_224 = arith.maximumf %max3A_222, %max3A_223 : f32
      %broadcast_in_dim3A_225 = vector.broadcast %max3A_224 : f32 to vector<16xf32>
      %gt3A_226 = arith.constant 0.000000e+00 : f32
      %gt3A_227 = vector.broadcast %gt3A_226 : f32 to vector<16xf32>
      %gt3A_228 = arith.cmpf ogt, %broadcast_in_dim3A_225, %gt3A_227 : vector<16xf32>
      %jit3A_229 = arith.constant 1.000000e+00 : f32
      %broadcast_in_dim3A_230 = vector.broadcast %jit3A_229 : f32 to vector<16xf32>
      %select_n3A_231 = arith.select %gt3A_228, %broadcast_in_dim3A_225, %broadcast_in_dim3A_230 : vector<16xi1>, vector<16xf32>
      %mul3A_232 = arith.constant 0.166666672 : f32
      %mul3A_233 = vector.broadcast %mul3A_232 : f32 to vector<16xf32>
      %mul3A_234 = arith.mulf %select_n3A_231, %mul3A_233 : vector<16xf32>
      %div3A_235 = arith.constant 2.400000e+01 : f32
      %div3A_236 = vector.broadcast %div3A_235 : f32 to vector<16xf32>
      %div3A_237 = arith.divf %div3A_236, %select_n3A_231 : vector<16xf32>
      %get3A_238 = arith.constant 0 : index
      %get3A_239 = tpu.vector_load %arg7[%get3A_238] {strides = array<i32>} : memref<64xf32, #tpu.memory_space<vmem>>, vector<16xf32>,
      %mul3A_240 = arith.mulf %get3A_239, %mul3A_234 : vector<16xf32>
      %swap3A_241 = arith.constant 0 : index
      %swap3A_242 = tpu.vector_load %arg8[%swap3A_241] {strides = array<i32>} : memref<64xf32, #tpu.memory_space<vmem>>, vector<16xf32>,
      tpu.vector_store %arg8[%swap3A_241], %mul3A_240 {strides = array<i32>} : memref<64xf32, #tpu.memory_space<vmem>>, vector<16xf32>,
      %get3A_243 = arith.constant 16 : index
      %get3A_244 = tpu.vector_load %arg7[%get3A_243] {strides = array<i32>} : memref<64xf32, #tpu.memory_space<vmem>>, vector<16xf32>,
      %mul3A_245 = arith.mulf %get3A_244, %mul3A_234 : vector<16xf32>
      %swap3A_246 = arith.constant 16 : index
      %swap3A_247 = tpu.vector_load %arg8[%swap3A_246] {strides = array<i32>} : memref<64xf32, #tpu.memory_space<vmem>>, vector<16xf32>,
      tpu.vector_store %arg8[%swap3A_246], %mul3A_245 {strides = array<i32>} : memref<64xf32, #tpu.memory_space<vmem>>, vector<16xf32>,
      %get3A_248 = arith.constant 32 : index
      %get3A_249 = tpu.vector_load %arg7[%get3A_248] {strides = array<i32>} : memref<64xf32, #tpu.memory_space<vmem>>, vector<16xf32>,
      %mul3A_250 = arith.mulf %get3A_249, %mul3A_234 : vector<16xf32>
      %swap3A_251 = arith.constant 32 : index
      %swap3A_252 = tpu.vector_load %arg8[%swap3A_251] {strides = array<i32>} : memref<64xf32, #tpu.memory_space<vmem>>, vector<16xf32>,
      tpu.vector_store %arg8[%swap3A_251], %mul3A_250 {strides = array<i32>} : memref<64xf32, #tpu.memory_space<vmem>>, vector<16xf32>,
      %get3A_253 = arith.constant 48 : index
      %get3A_254 = tpu.vector_load %arg7[%get3A_253] {strides = array<i32>} : memref<64xf32, #tpu.memory_space<vmem>>, vector<16xf32>,
      %mul3A_255 = arith.mulf %get3A_254, %mul3A_234 : vector<16xf32>
      %swap3A_256 = arith.constant 48 : index
      %swap3A_257 = tpu.vector_load %arg8[%swap3A_256] {strides = array<i32>} : memref<64xf32, #tpu.memory_space<vmem>>, vector<16xf32>,
      tpu.vector_store %arg8[%swap3A_256], %mul3A_255 {strides = array<i32>} : memref<64xf32, #tpu.memory_space<vmem>>, vector<16xf32>,
      %parallel_loop3A_258 = arith.constant 0 : i32
      %parallel_loop3A_259 = arith.constant 4096 : i32
      %parallel_loop3A_260 = arith.constant 16 : i32
      scf.for %parallel_loop3A_882 = %parallel_loop3A_258 to %parallel_loop3A_259 step %parallel_loop3A_260  : i32 {
        %parallel_loop3A_883 = arith.constant 0 : i32
        %parallel_loop3A_884 = arith.constant 1 : i32
        %parallel_loop3A_885 = arith.index_cast %parallel_loop3A_883 : i32 to index
        %parallel_loop3A_886 = arith.index_cast %parallel_loop3A_884 : i32 to index
        %parallel_loop3A_887 = arith.index_cast %parallel_loop3A_882 : i32 to index
        %parallel_loop3A_888 = tpu.vector_load %arg5[%parallel_loop3A_885, %parallel_loop3A_886, %parallel_loop3A_887] {strides = array<i32>} : memref<2x4x4096xf32, #tpu.memory_space<vmem>>, vector<16xf32>,
        %parallel_loop3A_889 = arith.mulf %parallel_loop3A_888, %div3A_237 : vector<16xf32>
        %parallel_loop3A_890 = arith.constant 2.400000e+01 : f32
        %parallel_loop3A_891 = vector.broadcast %parallel_loop3A_890 : f32 to vector<16xf32>
        %parallel_loop3A_892 = arith.addf %parallel_loop3A_889, %parallel_loop3A_891 : vector<16xf32>
        %parallel_loop3A_893 = arith.fptosi %parallel_loop3A_892 : vector<16xf32> to vector<16xi32>
        %parallel_loop3A_894 = tpu.vector_load_idx %arg8[%parallel_loop3A_893] : memref<64xf32, #tpu.memory_space<vmem>>[vector<16xi32>], vector<16xf32>,
        %parallel_loop3A_895 = arith.constant 0 : i32
        %parallel_loop3A_896 = arith.constant 1 : i32
        %parallel_loop3A_897 = arith.index_cast %parallel_loop3A_895 : i32 to index
        %parallel_loop3A_898 = arith.index_cast %parallel_loop3A_896 : i32 to index
        %parallel_loop3A_899 = arith.index_cast %parallel_loop3A_882 : i32 to index
        %parallel_loop3A_900 = tpu.vector_load %arg6[%parallel_loop3A_897, %parallel_loop3A_898, %parallel_loop3A_899] {strides = array<i32>} : memref<2x4x4096xf32, #tpu.memory_space<vmem>>, vector<16xf32>,
        tpu.vector_store %arg6[%parallel_loop3A_897, %parallel_loop3A_898, %parallel_loop3A_899], %parallel_loop3A_894 {strides = array<i32>} : memref<2x4x4096xf32, #tpu.memory_space<vmem>>, vector<16xf32>,
      } {sc.loop_unroll_factor = 8 : i64, sc.parallel_access}
      %broadcast_in_dim3A_261 = arith.constant 0.000000e+00 : f32
      %broadcast_in_dim3A_262 = vector.broadcast %broadcast_in_dim3A_261 : f32 to vector<16xf32>
      %parallel_loop3A_263 = arith.constant 0 : i32
      %parallel_loop3A_264 = arith.constant 4096 : i32
      %parallel_loop3A_265 = arith.constant 64 : i32
      %parallel_loop3A_266:4 = scf.for %parallel_loop3A_882 = %parallel_loop3A_263 to %parallel_loop3A_264 step %parallel_loop3A_265 iter_args(%parallel_loop3A_883 = %broadcast_in_dim3A_262, %parallel_loop3A_884 = %broadcast_in_dim3A_262, %parallel_loop3A_885 = %broadcast_in_dim3A_262, %parallel_loop3A_886 = %broadcast_in_dim3A_262) -> (vector<16xf32>, vector<16xf32>, vector<16xf32>, vector<16xf32>)  : i32 {
        %parallel_loop3A_887 = arith.constant 0 : i32
        %parallel_loop3A_888 = arith.addi %parallel_loop3A_882, %parallel_loop3A_887 : i32
        %parallel_loop3A_889 = arith.constant 0 : i32
        %parallel_loop3A_890 = arith.constant 2 : i32
        %parallel_loop3A_891 = arith.index_cast %parallel_loop3A_889 : i32 to index
        %parallel_loop3A_892 = arith.index_cast %parallel_loop3A_890 : i32 to index
        %parallel_loop3A_893 = arith.index_cast %parallel_loop3A_888 : i32 to index
        %parallel_loop3A_894 = tpu.vector_load %arg5[%parallel_loop3A_891, %parallel_loop3A_892, %parallel_loop3A_893] {strides = array<i32>} : memref<2x4x4096xf32, #tpu.memory_space<vmem>>, vector<16xf32>,
        %parallel_loop3A_895 = math.absf %parallel_loop3A_894 : vector<16xf32>
        %parallel_loop3A_896 = arith.maximumf %parallel_loop3A_883, %parallel_loop3A_895 : vector<16xf32>
        %parallel_loop3A_897 = arith.constant 16 : i32
        %parallel_loop3A_898 = arith.addi %parallel_loop3A_882, %parallel_loop3A_897 : i32
        %parallel_loop3A_899 = arith.constant 0 : i32
        %parallel_loop3A_900 = arith.constant 2 : i32
        %parallel_loop3A_901 = arith.index_cast %parallel_loop3A_899 : i32 to index
        %parallel_loop3A_902 = arith.index_cast %parallel_loop3A_900 : i32 to index
        %parallel_loop3A_903 = arith.index_cast %parallel_loop3A_898 : i32 to index
        %parallel_loop3A_904 = tpu.vector_load %arg5[%parallel_loop3A_901, %parallel_loop3A_902, %parallel_loop3A_903] {strides = array<i32>} : memref<2x4x4096xf32, #tpu.memory_space<vmem>>, vector<16xf32>,
        %parallel_loop3A_905 = math.absf %parallel_loop3A_904 : vector<16xf32>
        %parallel_loop3A_906 = arith.maximumf %parallel_loop3A_884, %parallel_loop3A_905 : vector<16xf32>
        %parallel_loop3A_907 = arith.constant 32 : i32
        %parallel_loop3A_908 = arith.addi %parallel_loop3A_882, %parallel_loop3A_907 : i32
        %parallel_loop3A_909 = arith.constant 0 : i32
        %parallel_loop3A_910 = arith.constant 2 : i32
        %parallel_loop3A_911 = arith.index_cast %parallel_loop3A_909 : i32 to index
        %parallel_loop3A_912 = arith.index_cast %parallel_loop3A_910 : i32 to index
        %parallel_loop3A_913 = arith.index_cast %parallel_loop3A_908 : i32 to index
        %parallel_loop3A_914 = tpu.vector_load %arg5[%parallel_loop3A_911, %parallel_loop3A_912, %parallel_loop3A_913] {strides = array<i32>} : memref<2x4x4096xf32, #tpu.memory_space<vmem>>, vector<16xf32>,
        %parallel_loop3A_915 = math.absf %parallel_loop3A_914 : vector<16xf32>
        %parallel_loop3A_916 = arith.maximumf %parallel_loop3A_885, %parallel_loop3A_915 : vector<16xf32>
        %parallel_loop3A_917 = arith.constant 48 : i32
        %parallel_loop3A_918 = arith.addi %parallel_loop3A_882, %parallel_loop3A_917 : i32
        %parallel_loop3A_919 = arith.constant 0 : i32
        %parallel_loop3A_920 = arith.constant 2 : i32
        %parallel_loop3A_921 = arith.index_cast %parallel_loop3A_919 : i32 to index
        %parallel_loop3A_922 = arith.index_cast %parallel_loop3A_920 : i32 to index
        %parallel_loop3A_923 = arith.index_cast %parallel_loop3A_918 : i32 to index
        %parallel_loop3A_924 = tpu.vector_load %arg5[%parallel_loop3A_921, %parallel_loop3A_922, %parallel_loop3A_923] {strides = array<i32>} : memref<2x4x4096xf32, #tpu.memory_space<vmem>>, vector<16xf32>,
        %parallel_loop3A_925 = math.absf %parallel_loop3A_924 : vector<16xf32>
        %parallel_loop3A_926 = arith.maximumf %parallel_loop3A_886, %parallel_loop3A_925 : vector<16xf32>
        scf.yield %parallel_loop3A_896, %parallel_loop3A_906, %parallel_loop3A_916, %parallel_loop3A_926 : vector<16xf32>, vector<16xf32>, vector<16xf32>, vector<16xf32>
      } {sc.loop_unroll_factor = 2 : i64, sc.parallel_access}
      %max3A_267 = arith.maximumf %parallel_loop3A_266#0, %parallel_loop3A_266#1 : vector<16xf32>
      %max3A_268 = arith.maximumf %parallel_loop3A_266#2, %parallel_loop3A_266#3 : vector<16xf32>
      %max3A_269 = arith.maximumf %max3A_267, %max3A_268 : vector<16xf32>
      %slice3A_270 = vector.extract_strided_slice %max3A_269 {offsets = [0], sizes = [1], strides = [1]} : vector<16xf32> to vector<1xf32>
      %squeeze3A_271 = vector.extract %slice3A_270[0] : f32 from vector<1xf32>
      %slice3A_272 = vector.extract_strided_slice %max3A_269 {offsets = [1], sizes = [1], strides = [1]} : vector<16xf32> to vector<1xf32>
      %squeeze3A_273 = vector.extract %slice3A_272[0] : f32 from vector<1xf32>
      %slice3A_274 = vector.extract_strided_slice %max3A_269 {offsets = [2], sizes = [1], strides = [1]} : vector<16xf32> to vector<1xf32>
      %squeeze3A_275 = vector.extract %slice3A_274[0] : f32 from vector<1xf32>
      %slice3A_276 = vector.extract_strided_slice %max3A_269 {offsets = [3], sizes = [1], strides = [1]} : vector<16xf32> to vector<1xf32>
      %squeeze3A_277 = vector.extract %slice3A_276[0] : f32 from vector<1xf32>
      %slice3A_278 = vector.extract_strided_slice %max3A_269 {offsets = [4], sizes = [1], strides = [1]} : vector<16xf32> to vector<1xf32>
      %squeeze3A_279 = vector.extract %slice3A_278[0] : f32 from vector<1xf32>
      %slice3A_280 = vector.extract_strided_slice %max3A_269 {offsets = [5], sizes = [1], strides = [1]} : vector<16xf32> to vector<1xf32>
      %squeeze3A_281 = vector.extract %slice3A_280[0] : f32 from vector<1xf32>
      %slice3A_282 = vector.extract_strided_slice %max3A_269 {offsets = [6], sizes = [1], strides = [1]} : vector<16xf32> to vector<1xf32>
      %squeeze3A_283 = vector.extract %slice3A_282[0] : f32 from vector<1xf32>
      %slice3A_284 = vector.extract_strided_slice %max3A_269 {offsets = [7], sizes = [1], strides = [1]} : vector<16xf32> to vector<1xf32>
      %squeeze3A_285 = vector.extract %slice3A_284[0] : f32 from vector<1xf32>
      %slice3A_286 = vector.extract_strided_slice %max3A_269 {offsets = [8], sizes = [1], strides = [1]} : vector<16xf32> to vector<1xf32>
      %squeeze3A_287 = vector.extract %slice3A_286[0] : f32 from vector<1xf32>
      %slice3A_288 = vector.extract_strided_slice %max3A_269 {offsets = [9], sizes = [1], strides = [1]} : vector<16xf32> to vector<1xf32>
      %squeeze3A_289 = vector.extract %slice3A_288[0] : f32 from vector<1xf32>
      %slice3A_290 = vector.extract_strided_slice %max3A_269 {offsets = [10], sizes = [1], strides = [1]} : vector<16xf32> to vector<1xf32>
      %squeeze3A_291 = vector.extract %slice3A_290[0] : f32 from vector<1xf32>
      %slice3A_292 = vector.extract_strided_slice %max3A_269 {offsets = [11], sizes = [1], strides = [1]} : vector<16xf32> to vector<1xf32>
      %squeeze3A_293 = vector.extract %slice3A_292[0] : f32 from vector<1xf32>
      %slice3A_294 = vector.extract_strided_slice %max3A_269 {offsets = [12], sizes = [1], strides = [1]} : vector<16xf32> to vector<1xf32>
      %squeeze3A_295 = vector.extract %slice3A_294[0] : f32 from vector<1xf32>
      %slice3A_296 = vector.extract_strided_slice %max3A_269 {offsets = [13], sizes = [1], strides = [1]} : vector<16xf32> to vector<1xf32>
      %squeeze3A_297 = vector.extract %slice3A_296[0] : f32 from vector<1xf32>
      %slice3A_298 = vector.extract_strided_slice %max3A_269 {offsets = [14], sizes = [1], strides = [1]} : vector<16xf32> to vector<1xf32>
      %squeeze3A_299 = vector.extract %slice3A_298[0] : f32 from vector<1xf32>
      %slice3A_300 = vector.extract_strided_slice %max3A_269 {offsets = [15], sizes = [1], strides = [1]} : vector<16xf32> to vector<1xf32>
      %squeeze3A_301 = vector.extract %slice3A_300[0] : f32 from vector<1xf32>
      %max3A_302 = arith.maximumf %squeeze3A_271, %squeeze3A_273 : f32
      %max3A_303 = arith.maximumf %squeeze3A_275, %squeeze3A_277 : f32
      %max3A_304 = arith.maximumf %squeeze3A_279, %squeeze3A_281 : f32
      %max3A_305 = arith.maximumf %squeeze3A_283, %squeeze3A_285 : f32
      %max3A_306 = arith.maximumf %squeeze3A_287, %squeeze3A_289 : f32
      %max3A_307 = arith.maximumf %squeeze3A_291, %squeeze3A_293 : f32
      %max3A_308 = arith.maximumf %squeeze3A_295, %squeeze3A_297 : f32
      %max3A_309 = arith.maximumf %squeeze3A_299, %squeeze3A_301 : f32
      %max3A_310 = arith.maximumf %max3A_302, %max3A_303 : f32
      %max3A_311 = arith.maximumf %max3A_304, %max3A_305 : f32
      %max3A_312 = arith.maximumf %max3A_306, %max3A_307 : f32
      %max3A_313 = arith.maximumf %max3A_308, %max3A_309 : f32
      %max3A_314 = arith.maximumf %max3A_310, %max3A_311 : f32
      %max3A_315 = arith.maximumf %max3A_312, %max3A_313 : f32
      %max3A_316 = arith.maximumf %max3A_314, %max3A_315 : f32
      %broadcast_in_dim3A_317 = vector.broadcast %max3A_316 : f32 to vector<16xf32>
      %gt3A_318 = arith.constant 0.000000e+00 : f32
      %gt3A_319 = vector.broadcast %gt3A_318 : f32 to vector<16xf32>
      %gt3A_320 = arith.cmpf ogt, %broadcast_in_dim3A_317, %gt3A_319 : vector<16xf32>
      %jit3A_321 = arith.constant 1.000000e+00 : f32
      %broadcast_in_dim3A_322 = vector.broadcast %jit3A_321 : f32 to vector<16xf32>
      %select_n3A_323 = arith.select %gt3A_320, %broadcast_in_dim3A_317, %broadcast_in_dim3A_322 : vector<16xi1>, vector<16xf32>
      %mul3A_324 = arith.constant 0.166666672 : f32
      %mul3A_325 = vector.broadcast %mul3A_324 : f32 to vector<16xf32>
      %mul3A_326 = arith.mulf %select_n3A_323, %mul3A_325 : vector<16xf32>
      %div3A_327 = arith.constant 2.400000e+01 : f32
      %div3A_328 = vector.broadcast %div3A_327 : f32 to vector<16xf32>
      %div3A_329 = arith.divf %div3A_328, %select_n3A_323 : vector<16xf32>
      %get3A_330 = arith.constant 0 : index
      %get3A_331 = tpu.vector_load %arg7[%get3A_330] {strides = array<i32>} : memref<64xf32, #tpu.memory_space<vmem>>, vector<16xf32>,
      %mul3A_332 = arith.mulf %get3A_331, %mul3A_326 : vector<16xf32>
      %swap3A_333 = arith.constant 0 : index
      %swap3A_334 = tpu.vector_load %arg8[%swap3A_333] {strides = array<i32>} : memref<64xf32, #tpu.memory_space<vmem>>, vector<16xf32>,
      tpu.vector_store %arg8[%swap3A_333], %mul3A_332 {strides = array<i32>} : memref<64xf32, #tpu.memory_space<vmem>>, vector<16xf32>,
      %get3A_335 = arith.constant 16 : index
      %get3A_336 = tpu.vector_load %arg7[%get3A_335] {strides = array<i32>} : memref<64xf32, #tpu.memory_space<vmem>>, vector<16xf32>,
      %mul3A_337 = arith.mulf %get3A_336, %mul3A_326 : vector<16xf32>
      %swap3A_338 = arith.constant 16 : index
      %swap3A_339 = tpu.vector_load %arg8[%swap3A_338] {strides = array<i32>} : memref<64xf32, #tpu.memory_space<vmem>>, vector<16xf32>,
      tpu.vector_store %arg8[%swap3A_338], %mul3A_337 {strides = array<i32>} : memref<64xf32, #tpu.memory_space<vmem>>, vector<16xf32>,
      %get3A_340 = arith.constant 32 : index
      %get3A_341 = tpu.vector_load %arg7[%get3A_340] {strides = array<i32>} : memref<64xf32, #tpu.memory_space<vmem>>, vector<16xf32>,
      %mul3A_342 = arith.mulf %get3A_341, %mul3A_326 : vector<16xf32>
      %swap3A_343 = arith.constant 32 : index
      %swap3A_344 = tpu.vector_load %arg8[%swap3A_343] {strides = array<i32>} : memref<64xf32, #tpu.memory_space<vmem>>, vector<16xf32>,
      tpu.vector_store %arg8[%swap3A_343], %mul3A_342 {strides = array<i32>} : memref<64xf32, #tpu.memory_space<vmem>>, vector<16xf32>,
      %get3A_345 = arith.constant 48 : index
      %get3A_346 = tpu.vector_load %arg7[%get3A_345] {strides = array<i32>} : memref<64xf32, #tpu.memory_space<vmem>>, vector<16xf32>,
      %mul3A_347 = arith.mulf %get3A_346, %mul3A_326 : vector<16xf32>
      %swap3A_348 = arith.constant 48 : index
      %swap3A_349 = tpu.vector_load %arg8[%swap3A_348] {strides = array<i32>} : memref<64xf32, #tpu.memory_space<vmem>>, vector<16xf32>,
      tpu.vector_store %arg8[%swap3A_348], %mul3A_347 {strides = array<i32>} : memref<64xf32, #tpu.memory_space<vmem>>, vector<16xf32>,
      %parallel_loop3A_350 = arith.constant 0 : i32
      %parallel_loop3A_351 = arith.constant 4096 : i32
      %parallel_loop3A_352 = arith.constant 16 : i32
      scf.for %parallel_loop3A_882 = %parallel_loop3A_350 to %parallel_loop3A_351 step %parallel_loop3A_352  : i32 {
        %parallel_loop3A_883 = arith.constant 0 : i32
        %parallel_loop3A_884 = arith.constant 2 : i32
        %parallel_loop3A_885 = arith.index_cast %parallel_loop3A_883 : i32 to index
        %parallel_loop3A_886 = arith.index_cast %parallel_loop3A_884 : i32 to index
        %parallel_loop3A_887 = arith.index_cast %parallel_loop3A_882 : i32 to index
        %parallel_loop3A_888 = tpu.vector_load %arg5[%parallel_loop3A_885, %parallel_loop3A_886, %parallel_loop3A_887] {strides = array<i32>} : memref<2x4x4096xf32, #tpu.memory_space<vmem>>, vector<16xf32>,
        %parallel_loop3A_889 = arith.mulf %parallel_loop3A_888, %div3A_329 : vector<16xf32>
        %parallel_loop3A_890 = arith.constant 2.400000e+01 : f32
        %parallel_loop3A_891 = vector.broadcast %parallel_loop3A_890 : f32 to vector<16xf32>
        %parallel_loop3A_892 = arith.addf %parallel_loop3A_889, %parallel_loop3A_891 : vector<16xf32>
        %parallel_loop3A_893 = arith.fptosi %parallel_loop3A_892 : vector<16xf32> to vector<16xi32>
        %parallel_loop3A_894 = tpu.vector_load_idx %arg8[%parallel_loop3A_893] : memref<64xf32, #tpu.memory_space<vmem>>[vector<16xi32>], vector<16xf32>,
        %parallel_loop3A_895 = arith.constant 0 : i32
        %parallel_loop3A_896 = arith.constant 2 : i32
        %parallel_loop3A_897 = arith.index_cast %parallel_loop3A_895 : i32 to index
        %parallel_loop3A_898 = arith.index_cast %parallel_loop3A_896 : i32 to index
        %parallel_loop3A_899 = arith.index_cast %parallel_loop3A_882 : i32 to index
        %parallel_loop3A_900 = tpu.vector_load %arg6[%parallel_loop3A_897, %parallel_loop3A_898, %parallel_loop3A_899] {strides = array<i32>} : memref<2x4x4096xf32, #tpu.memory_space<vmem>>, vector<16xf32>,
        tpu.vector_store %arg6[%parallel_loop3A_897, %parallel_loop3A_898, %parallel_loop3A_899], %parallel_loop3A_894 {strides = array<i32>} : memref<2x4x4096xf32, #tpu.memory_space<vmem>>, vector<16xf32>,
      } {sc.loop_unroll_factor = 8 : i64, sc.parallel_access}
      %broadcast_in_dim3A_353 = arith.constant 0.000000e+00 : f32
      %broadcast_in_dim3A_354 = vector.broadcast %broadcast_in_dim3A_353 : f32 to vector<16xf32>
      %parallel_loop3A_355 = arith.constant 0 : i32
      %parallel_loop3A_356 = arith.constant 4096 : i32
      %parallel_loop3A_357 = arith.constant 64 : i32
      %parallel_loop3A_358:4 = scf.for %parallel_loop3A_882 = %parallel_loop3A_355 to %parallel_loop3A_356 step %parallel_loop3A_357 iter_args(%parallel_loop3A_883 = %broadcast_in_dim3A_354, %parallel_loop3A_884 = %broadcast_in_dim3A_354, %parallel_loop3A_885 = %broadcast_in_dim3A_354, %parallel_loop3A_886 = %broadcast_in_dim3A_354) -> (vector<16xf32>, vector<16xf32>, vector<16xf32>, vector<16xf32>)  : i32 {
        %parallel_loop3A_887 = arith.constant 0 : i32
        %parallel_loop3A_888 = arith.addi %parallel_loop3A_882, %parallel_loop3A_887 : i32
        %parallel_loop3A_889 = arith.constant 0 : i32
        %parallel_loop3A_890 = arith.constant 3 : i32
        %parallel_loop3A_891 = arith.index_cast %parallel_loop3A_889 : i32 to index
        %parallel_loop3A_892 = arith.index_cast %parallel_loop3A_890 : i32 to index
        %parallel_loop3A_893 = arith.index_cast %parallel_loop3A_888 : i32 to index
        %parallel_loop3A_894 = tpu.vector_load %arg5[%parallel_loop3A_891, %parallel_loop3A_892, %parallel_loop3A_893] {strides = array<i32>} : memref<2x4x4096xf32, #tpu.memory_space<vmem>>, vector<16xf32>,
        %parallel_loop3A_895 = math.absf %parallel_loop3A_894 : vector<16xf32>
        %parallel_loop3A_896 = arith.maximumf %parallel_loop3A_883, %parallel_loop3A_895 : vector<16xf32>
        %parallel_loop3A_897 = arith.constant 16 : i32
        %parallel_loop3A_898 = arith.addi %parallel_loop3A_882, %parallel_loop3A_897 : i32
        %parallel_loop3A_899 = arith.constant 0 : i32
        %parallel_loop3A_900 = arith.constant 3 : i32
        %parallel_loop3A_901 = arith.index_cast %parallel_loop3A_899 : i32 to index
        %parallel_loop3A_902 = arith.index_cast %parallel_loop3A_900 : i32 to index
        %parallel_loop3A_903 = arith.index_cast %parallel_loop3A_898 : i32 to index
        %parallel_loop3A_904 = tpu.vector_load %arg5[%parallel_loop3A_901, %parallel_loop3A_902, %parallel_loop3A_903] {strides = array<i32>} : memref<2x4x4096xf32, #tpu.memory_space<vmem>>, vector<16xf32>,
        %parallel_loop3A_905 = math.absf %parallel_loop3A_904 : vector<16xf32>
        %parallel_loop3A_906 = arith.maximumf %parallel_loop3A_884, %parallel_loop3A_905 : vector<16xf32>
        %parallel_loop3A_907 = arith.constant 32 : i32
        %parallel_loop3A_908 = arith.addi %parallel_loop3A_882, %parallel_loop3A_907 : i32
        %parallel_loop3A_909 = arith.constant 0 : i32
        %parallel_loop3A_910 = arith.constant 3 : i32
        %parallel_loop3A_911 = arith.index_cast %parallel_loop3A_909 : i32 to index
        %parallel_loop3A_912 = arith.index_cast %parallel_loop3A_910 : i32 to index
        %parallel_loop3A_913 = arith.index_cast %parallel_loop3A_908 : i32 to index
        %parallel_loop3A_914 = tpu.vector_load %arg5[%parallel_loop3A_911, %parallel_loop3A_912, %parallel_loop3A_913] {strides = array<i32>} : memref<2x4x4096xf32, #tpu.memory_space<vmem>>, vector<16xf32>,
        %parallel_loop3A_915 = math.absf %parallel_loop3A_914 : vector<16xf32>
        %parallel_loop3A_916 = arith.maximumf %parallel_loop3A_885, %parallel_loop3A_915 : vector<16xf32>
        %parallel_loop3A_917 = arith.constant 48 : i32
        %parallel_loop3A_918 = arith.addi %parallel_loop3A_882, %parallel_loop3A_917 : i32
        %parallel_loop3A_919 = arith.constant 0 : i32
        %parallel_loop3A_920 = arith.constant 3 : i32
        %parallel_loop3A_921 = arith.index_cast %parallel_loop3A_919 : i32 to index
        %parallel_loop3A_922 = arith.index_cast %parallel_loop3A_920 : i32 to index
        %parallel_loop3A_923 = arith.index_cast %parallel_loop3A_918 : i32 to index
        %parallel_loop3A_924 = tpu.vector_load %arg5[%parallel_loop3A_921, %parallel_loop3A_922, %parallel_loop3A_923] {strides = array<i32>} : memref<2x4x4096xf32, #tpu.memory_space<vmem>>, vector<16xf32>,
        %parallel_loop3A_925 = math.absf %parallel_loop3A_924 : vector<16xf32>
        %parallel_loop3A_926 = arith.maximumf %parallel_loop3A_886, %parallel_loop3A_925 : vector<16xf32>
        scf.yield %parallel_loop3A_896, %parallel_loop3A_906, %parallel_loop3A_916, %parallel_loop3A_926 : vector<16xf32>, vector<16xf32>, vector<16xf32>, vector<16xf32>
      } {sc.loop_unroll_factor = 2 : i64, sc.parallel_access}
      %max3A_359 = arith.maximumf %parallel_loop3A_358#0, %parallel_loop3A_358#1 : vector<16xf32>
      %max3A_360 = arith.maximumf %parallel_loop3A_358#2, %parallel_loop3A_358#3 : vector<16xf32>
      %max3A_361 = arith.maximumf %max3A_359, %max3A_360 : vector<16xf32>
      %slice3A_362 = vector.extract_strided_slice %max3A_361 {offsets = [0], sizes = [1], strides = [1]} : vector<16xf32> to vector<1xf32>
      %squeeze3A_363 = vector.extract %slice3A_362[0] : f32 from vector<1xf32>
      %slice3A_364 = vector.extract_strided_slice %max3A_361 {offsets = [1], sizes = [1], strides = [1]} : vector<16xf32> to vector<1xf32>
      %squeeze3A_365 = vector.extract %slice3A_364[0] : f32 from vector<1xf32>
      %slice3A_366 = vector.extract_strided_slice %max3A_361 {offsets = [2], sizes = [1], strides = [1]} : vector<16xf32> to vector<1xf32>
      %squeeze3A_367 = vector.extract %slice3A_366[0] : f32 from vector<1xf32>
      %slice3A_368 = vector.extract_strided_slice %max3A_361 {offsets = [3], sizes = [1], strides = [1]} : vector<16xf32> to vector<1xf32>
      %squeeze3A_369 = vector.extract %slice3A_368[0] : f32 from vector<1xf32>
      %slice3A_370 = vector.extract_strided_slice %max3A_361 {offsets = [4], sizes = [1], strides = [1]} : vector<16xf32> to vector<1xf32>
      %squeeze3A_371 = vector.extract %slice3A_370[0] : f32 from vector<1xf32>
      %slice3A_372 = vector.extract_strided_slice %max3A_361 {offsets = [5], sizes = [1], strides = [1]} : vector<16xf32> to vector<1xf32>
      %squeeze3A_373 = vector.extract %slice3A_372[0] : f32 from vector<1xf32>
      %slice3A_374 = vector.extract_strided_slice %max3A_361 {offsets = [6], sizes = [1], strides = [1]} : vector<16xf32> to vector<1xf32>
      %squeeze3A_375 = vector.extract %slice3A_374[0] : f32 from vector<1xf32>
      %slice3A_376 = vector.extract_strided_slice %max3A_361 {offsets = [7], sizes = [1], strides = [1]} : vector<16xf32> to vector<1xf32>
      %squeeze3A_377 = vector.extract %slice3A_376[0] : f32 from vector<1xf32>
      %slice3A_378 = vector.extract_strided_slice %max3A_361 {offsets = [8], sizes = [1], strides = [1]} : vector<16xf32> to vector<1xf32>
      %squeeze3A_379 = vector.extract %slice3A_378[0] : f32 from vector<1xf32>
      %slice3A_380 = vector.extract_strided_slice %max3A_361 {offsets = [9], sizes = [1], strides = [1]} : vector<16xf32> to vector<1xf32>
      %squeeze3A_381 = vector.extract %slice3A_380[0] : f32 from vector<1xf32>
      %slice3A_382 = vector.extract_strided_slice %max3A_361 {offsets = [10], sizes = [1], strides = [1]} : vector<16xf32> to vector<1xf32>
      %squeeze3A_383 = vector.extract %slice3A_382[0] : f32 from vector<1xf32>
      %slice3A_384 = vector.extract_strided_slice %max3A_361 {offsets = [11], sizes = [1], strides = [1]} : vector<16xf32> to vector<1xf32>
      %squeeze3A_385 = vector.extract %slice3A_384[0] : f32 from vector<1xf32>
      %slice3A_386 = vector.extract_strided_slice %max3A_361 {offsets = [12], sizes = [1], strides = [1]} : vector<16xf32> to vector<1xf32>
      %squeeze3A_387 = vector.extract %slice3A_386[0] : f32 from vector<1xf32>
      %slice3A_388 = vector.extract_strided_slice %max3A_361 {offsets = [13], sizes = [1], strides = [1]} : vector<16xf32> to vector<1xf32>
      %squeeze3A_389 = vector.extract %slice3A_388[0] : f32 from vector<1xf32>
      %slice3A_390 = vector.extract_strided_slice %max3A_361 {offsets = [14], sizes = [1], strides = [1]} : vector<16xf32> to vector<1xf32>
      %squeeze3A_391 = vector.extract %slice3A_390[0] : f32 from vector<1xf32>
      %slice3A_392 = vector.extract_strided_slice %max3A_361 {offsets = [15], sizes = [1], strides = [1]} : vector<16xf32> to vector<1xf32>
      %squeeze3A_393 = vector.extract %slice3A_392[0] : f32 from vector<1xf32>
      %max3A_394 = arith.maximumf %squeeze3A_363, %squeeze3A_365 : f32
      %max3A_395 = arith.maximumf %squeeze3A_367, %squeeze3A_369 : f32
      %max3A_396 = arith.maximumf %squeeze3A_371, %squeeze3A_373 : f32
      %max3A_397 = arith.maximumf %squeeze3A_375, %squeeze3A_377 : f32
      %max3A_398 = arith.maximumf %squeeze3A_379, %squeeze3A_381 : f32
      %max3A_399 = arith.maximumf %squeeze3A_383, %squeeze3A_385 : f32
      %max3A_400 = arith.maximumf %squeeze3A_387, %squeeze3A_389 : f32
      %max3A_401 = arith.maximumf %squeeze3A_391, %squeeze3A_393 : f32
      %max3A_402 = arith.maximumf %max3A_394, %max3A_395 : f32
      %max3A_403 = arith.maximumf %max3A_396, %max3A_397 : f32
      %max3A_404 = arith.maximumf %max3A_398, %max3A_399 : f32
      %max3A_405 = arith.maximumf %max3A_400, %max3A_401 : f32
      %max3A_406 = arith.maximumf %max3A_402, %max3A_403 : f32
      %max3A_407 = arith.maximumf %max3A_404, %max3A_405 : f32
      %max3A_408 = arith.maximumf %max3A_406, %max3A_407 : f32
      %broadcast_in_dim3A_409 = vector.broadcast %max3A_408 : f32 to vector<16xf32>
      %gt3A_410 = arith.constant 0.000000e+00 : f32
      %gt3A_411 = vector.broadcast %gt3A_410 : f32 to vector<16xf32>
      %gt3A_412 = arith.cmpf ogt, %broadcast_in_dim3A_409, %gt3A_411 : vector<16xf32>
      %jit3A_413 = arith.constant 1.000000e+00 : f32
      %broadcast_in_dim3A_414 = vector.broadcast %jit3A_413 : f32 to vector<16xf32>
      %select_n3A_415 = arith.select %gt3A_412, %broadcast_in_dim3A_409, %broadcast_in_dim3A_414 : vector<16xi1>, vector<16xf32>
      %mul3A_416 = arith.constant 0.166666672 : f32
      %mul3A_417 = vector.broadcast %mul3A_416 : f32 to vector<16xf32>
      %mul3A_418 = arith.mulf %select_n3A_415, %mul3A_417 : vector<16xf32>
      %div3A_419 = arith.constant 2.400000e+01 : f32
      %div3A_420 = vector.broadcast %div3A_419 : f32 to vector<16xf32>
      %div3A_421 = arith.divf %div3A_420, %select_n3A_415 : vector<16xf32>
      %get3A_422 = arith.constant 0 : index
      %get3A_423 = tpu.vector_load %arg7[%get3A_422] {strides = array<i32>} : memref<64xf32, #tpu.memory_space<vmem>>, vector<16xf32>,
      %mul3A_424 = arith.mulf %get3A_423, %mul3A_418 : vector<16xf32>
      %swap3A_425 = arith.constant 0 : index
      %swap3A_426 = tpu.vector_load %arg8[%swap3A_425] {strides = array<i32>} : memref<64xf32, #tpu.memory_space<vmem>>, vector<16xf32>,
      tpu.vector_store %arg8[%swap3A_425], %mul3A_424 {strides = array<i32>} : memref<64xf32, #tpu.memory_space<vmem>>, vector<16xf32>,
      %get3A_427 = arith.constant 16 : index
      %get3A_428 = tpu.vector_load %arg7[%get3A_427] {strides = array<i32>} : memref<64xf32, #tpu.memory_space<vmem>>, vector<16xf32>,
      %mul3A_429 = arith.mulf %get3A_428, %mul3A_418 : vector<16xf32>
      %swap3A_430 = arith.constant 16 : index
      %swap3A_431 = tpu.vector_load %arg8[%swap3A_430] {strides = array<i32>} : memref<64xf32, #tpu.memory_space<vmem>>, vector<16xf32>,
      tpu.vector_store %arg8[%swap3A_430], %mul3A_429 {strides = array<i32>} : memref<64xf32, #tpu.memory_space<vmem>>, vector<16xf32>,
      %get3A_432 = arith.constant 32 : index
      %get3A_433 = tpu.vector_load %arg7[%get3A_432] {strides = array<i32>} : memref<64xf32, #tpu.memory_space<vmem>>, vector<16xf32>,
      %mul3A_434 = arith.mulf %get3A_433, %mul3A_418 : vector<16xf32>
      %swap3A_435 = arith.constant 32 : index
      %swap3A_436 = tpu.vector_load %arg8[%swap3A_435] {strides = array<i32>} : memref<64xf32, #tpu.memory_space<vmem>>, vector<16xf32>,
      tpu.vector_store %arg8[%swap3A_435], %mul3A_434 {strides = array<i32>} : memref<64xf32, #tpu.memory_space<vmem>>, vector<16xf32>,
      %get3A_437 = arith.constant 48 : index
      %get3A_438 = tpu.vector_load %arg7[%get3A_437] {strides = array<i32>} : memref<64xf32, #tpu.memory_space<vmem>>, vector<16xf32>,
      %mul3A_439 = arith.mulf %get3A_438, %mul3A_418 : vector<16xf32>
      %swap3A_440 = arith.constant 48 : index
      %swap3A_441 = tpu.vector_load %arg8[%swap3A_440] {strides = array<i32>} : memref<64xf32, #tpu.memory_space<vmem>>, vector<16xf32>,
      tpu.vector_store %arg8[%swap3A_440], %mul3A_439 {strides = array<i32>} : memref<64xf32, #tpu.memory_space<vmem>>, vector<16xf32>,
      %parallel_loop3A_442 = arith.constant 0 : i32
      %parallel_loop3A_443 = arith.constant 4096 : i32
      %parallel_loop3A_444 = arith.constant 16 : i32
      scf.for %parallel_loop3A_882 = %parallel_loop3A_442 to %parallel_loop3A_443 step %parallel_loop3A_444  : i32 {
        %parallel_loop3A_883 = arith.constant 0 : i32
        %parallel_loop3A_884 = arith.constant 3 : i32
        %parallel_loop3A_885 = arith.index_cast %parallel_loop3A_883 : i32 to index
        %parallel_loop3A_886 = arith.index_cast %parallel_loop3A_884 : i32 to index
        %parallel_loop3A_887 = arith.index_cast %parallel_loop3A_882 : i32 to index
        %parallel_loop3A_888 = tpu.vector_load %arg5[%parallel_loop3A_885, %parallel_loop3A_886, %parallel_loop3A_887] {strides = array<i32>} : memref<2x4x4096xf32, #tpu.memory_space<vmem>>, vector<16xf32>,
        %parallel_loop3A_889 = arith.mulf %parallel_loop3A_888, %div3A_421 : vector<16xf32>
        %parallel_loop3A_890 = arith.constant 2.400000e+01 : f32
        %parallel_loop3A_891 = vector.broadcast %parallel_loop3A_890 : f32 to vector<16xf32>
        %parallel_loop3A_892 = arith.addf %parallel_loop3A_889, %parallel_loop3A_891 : vector<16xf32>
        %parallel_loop3A_893 = arith.fptosi %parallel_loop3A_892 : vector<16xf32> to vector<16xi32>
        %parallel_loop3A_894 = tpu.vector_load_idx %arg8[%parallel_loop3A_893] : memref<64xf32, #tpu.memory_space<vmem>>[vector<16xi32>], vector<16xf32>,
        %parallel_loop3A_895 = arith.constant 0 : i32
        %parallel_loop3A_896 = arith.constant 3 : i32
        %parallel_loop3A_897 = arith.index_cast %parallel_loop3A_895 : i32 to index
        %parallel_loop3A_898 = arith.index_cast %parallel_loop3A_896 : i32 to index
        %parallel_loop3A_899 = arith.index_cast %parallel_loop3A_882 : i32 to index
        %parallel_loop3A_900 = tpu.vector_load %arg6[%parallel_loop3A_897, %parallel_loop3A_898, %parallel_loop3A_899] {strides = array<i32>} : memref<2x4x4096xf32, #tpu.memory_space<vmem>>, vector<16xf32>,
        tpu.vector_store %arg6[%parallel_loop3A_897, %parallel_loop3A_898, %parallel_loop3A_899], %parallel_loop3A_894 {strides = array<i32>} : memref<2x4x4096xf32, #tpu.memory_space<vmem>>, vector<16xf32>,
      } {sc.loop_unroll_factor = 8 : i64, sc.parallel_access}
      %mul3A_445 = arith.constant 4 : i32
      %mul3A_446 = arith.muli %add3A_70, %mul3A_445 : i32
      %add3A_447 = arith.addi %mul3A_2, %mul3A_446 : i32
      %dma_start3A_448 = arith.constant 0 : i32
      %dma_start3A_449 = arith.constant 0 : i32
      %dma_start3A_450 = arith.constant 0 : i32
      %dma_start3A_451 = tpu.memref_slice %arg6[%dma_start3A_448, %dma_start3A_449, %dma_start3A_450] : memref<2x4x4096xf32, #tpu.memory_space<vmem>> -> memref<1x4x4096xf32, #tpu.memory_space<vmem>>
      %dma_start3A_452 = tpu.memref_squeeze %dma_start3A_451 : memref<1x4x4096xf32, #tpu.memory_space<vmem>> -> memref<4x4096xf32, #tpu.memory_space<vmem>>
      %dma_start3A_453 = arith.constant 0 : i32
      %dma_start3A_454 = tpu.memref_slice %arg4[%add3A_447, %dma_start3A_453] : memref<4096x4096xf32, #tpu.memory_space<hbm>> -> memref<4x4096xf32, #tpu.memory_space<hbm>>
      %dma_start3A_455 = arith.constant 0 : i32
      %dma_start3A_456 = tpu.memref_slice %arg4[%add3A_447, %dma_start3A_455] : memref<4096x4096xf32, #tpu.memory_space<hbm>> -> memref<4x4096xf32, #tpu.memory_space<hbm>>
      %dma_start3A_457 = arith.constant 0 : i32
      %dma_start3A_458 = arith.constant 0 : i32
      %dma_start3A_459 = tpu.memref_slice %arg6[%dma_start3A_448, %dma_start3A_457, %dma_start3A_458] : memref<2x4x4096xf32, #tpu.memory_space<vmem>> -> memref<1x4x4096xf32, #tpu.memory_space<vmem>>
      %dma_start3A_460 = tpu.memref_squeeze %dma_start3A_459 : memref<1x4x4096xf32, #tpu.memory_space<vmem>> -> memref<4x4096xf32, #tpu.memory_space<vmem>>
      tpu.enqueue_dma source(%dma_start3A_460 : memref<4x4096xf32, #tpu.memory_space<vmem>>) target(%dma_start3A_456 : memref<4x4096xf32, #tpu.memory_space<hbm>>) target_semaphore(%arg11 : memref<!tpu.dma_semaphore, #tpu.memory_space<semaphore_mem>>)
      %add3A_461 = arith.constant 2 : i32
      %add3A_462 = arith.addi %add3A_70, %add3A_461 : i32
      %lt3A = arith.constant 32 : i32
      %lt3A_463 = arith.cmpi slt, %add3A_462, %lt3A : i32
      %convert_element_type3A_464 = arith.extui %lt3A_463 : i1 to i32
      %cond3A_465 = arith.constant 0 : i32
      %cond3A_466 = arith.cmpi ne, %convert_element_type3A_464, %cond3A_465 : i32
      scf.if %cond3A_466 {
        %add3A_882 = arith.constant 2 : i32
        %add3A_883 = arith.addi %add3A_70, %add3A_882 : i32
        %mul3A_884 = arith.constant 4 : i32
        %mul3A_885 = arith.muli %add3A_883, %mul3A_884 : i32
        %add3A_886 = arith.addi %mul3A_2, %mul3A_885 : i32
        %dma_start3A_887 = arith.constant 0 : i32
        %dma_start3A_888 = arith.constant 0 : i32
        %dma_start3A_889 = arith.constant 0 : i32
        %dma_start3A_890 = tpu.memref_slice %arg5[%dma_start3A_887, %dma_start3A_888, %dma_start3A_889] : memref<2x4x4096xf32, #tpu.memory_space<vmem>> -> memref<1x4x4096xf32, #tpu.memory_space<vmem>>
        %dma_start3A_891 = tpu.memref_squeeze %dma_start3A_890 : memref<1x4x4096xf32, #tpu.memory_space<vmem>> -> memref<4x4096xf32, #tpu.memory_space<vmem>>
        %dma_start3A_892 = arith.constant 0 : i32
        %dma_start3A_893 = tpu.memref_slice %arg2[%add3A_886, %dma_start3A_892] : memref<4096x4096xf32, #tpu.memory_space<hbm>> -> memref<4x4096xf32, #tpu.memory_space<hbm>>
        %dma_start3A_894 = arith.constant 0 : i32
        %dma_start3A_895 = arith.constant 0 : i32
        %dma_start3A_896 = tpu.memref_slice %arg5[%dma_start3A_887, %dma_start3A_894, %dma_start3A_895] : memref<2x4x4096xf32, #tpu.memory_space<vmem>> -> memref<1x4x4096xf32, #tpu.memory_space<vmem>>
        %dma_start3A_897 = tpu.memref_squeeze %dma_start3A_896 : memref<1x4x4096xf32, #tpu.memory_space<vmem>> -> memref<4x4096xf32, #tpu.memory_space<vmem>>
        %dma_start3A_898 = arith.constant 0 : i32
        %dma_start3A_899 = tpu.memref_slice %arg2[%add3A_886, %dma_start3A_898] : memref<4096x4096xf32, #tpu.memory_space<hbm>> -> memref<4x4096xf32, #tpu.memory_space<hbm>>
        tpu.enqueue_dma source(%dma_start3A_899 : memref<4x4096xf32, #tpu.memory_space<hbm>>) target(%dma_start3A_897 : memref<4x4096xf32, #tpu.memory_space<vmem>>) target_semaphore(%arg9 : memref<!tpu.dma_semaphore, #tpu.memory_space<semaphore_mem>>)
      } else {
      }
      %mul3A_467 = arith.constant 2 : i32
      %mul3A_468 = arith.muli %scan3A_66, %mul3A_467 : i32
      %add3A_469 = arith.constant 1 : i32
      %add3A_470 = arith.addi %mul3A_468, %add3A_469 : i32
      %dma_wait3A_471 = arith.constant 1 : i32
      %dma_wait3A_472 = arith.constant 0 : i32
      %dma_wait3A_473 = arith.constant 0 : i32
      %dma_wait3A_474 = tpu.memref_slice %arg5[%dma_wait3A_471, %dma_wait3A_472, %dma_wait3A_473] : memref<2x4x4096xf32, #tpu.memory_space<vmem>> -> memref<1x4x4096xf32, #tpu.memory_space<vmem>>
      %dma_wait3A_475 = tpu.memref_squeeze %dma_wait3A_474 : memref<1x4x4096xf32, #tpu.memory_space<vmem>> -> memref<4x4096xf32, #tpu.memory_space<vmem>>
      %dma_wait3A_476 = arith.constant 0 : i32
      %dma_wait3A_477 = arith.constant 0 : i32
      %dma_wait3A_478 = tpu.memref_slice %arg2[%dma_wait3A_476, %dma_wait3A_477] : memref<4096x4096xf32, #tpu.memory_space<hbm>> -> memref<4x4096xf32, #tpu.memory_space<hbm>>
      %dma_wait3A_479 = arith.constant 0 : i32
      %dma_wait3A_480 = arith.constant 0 : i32
      %dma_wait3A_481 = tpu.memref_slice %arg5[%dma_wait3A_471, %dma_wait3A_479, %dma_wait3A_480] : memref<2x4x4096xf32, #tpu.memory_space<vmem>> -> memref<1x4x4096xf32, #tpu.memory_space<vmem>>
      %dma_wait3A_482 = tpu.memref_squeeze %dma_wait3A_481 : memref<1x4x4096xf32, #tpu.memory_space<vmem>> -> memref<4x4096xf32, #tpu.memory_space<vmem>>
      %dma_wait3A_483 = arith.constant 0 : i32
      %dma_wait3A_484 = arith.constant 0 : i32
      %dma_wait3A_485 = tpu.memref_slice %arg2[%dma_wait3A_483, %dma_wait3A_484] : memref<4096x4096xf32, #tpu.memory_space<hbm>> -> memref<4x4096xf32, #tpu.memory_space<hbm>>
      tpu.wait_dma2 semaphore(%arg10 : memref<!tpu.dma_semaphore, #tpu.memory_space<semaphore_mem>>) src(%dma_wait3A_485 : memref<4x4096xf32, #tpu.memory_space<hbm>>) dst(%dma_wait3A_482 : memref<4x4096xf32, #tpu.memory_space<vmem>>)
      %ge3A_486 = arith.constant 2 : i32
      %ge3A_487 = arith.cmpi sge, %add3A_470, %ge3A_486 : i32
      %convert_element_type3A_488 = arith.extui %ge3A_487 : i1 to i32
      %cond3A_489 = arith.constant 0 : i32
      %cond3A_490 = arith.cmpi ne, %convert_element_type3A_488, %cond3A_489 : i32
      scf.if %cond3A_490 {
        %dma_wait3A_882 = arith.constant 1 : i32
        %dma_wait3A_883 = arith.constant 0 : i32
        %dma_wait3A_884 = arith.constant 0 : i32
        %dma_wait3A_885 = tpu.memref_slice %arg6[%dma_wait3A_882, %dma_wait3A_883, %dma_wait3A_884] : memref<2x4x4096xf32, #tpu.memory_space<vmem>> -> memref<1x4x4096xf32, #tpu.memory_space<vmem>>
        %dma_wait3A_886 = tpu.memref_squeeze %dma_wait3A_885 : memref<1x4x4096xf32, #tpu.memory_space<vmem>> -> memref<4x4096xf32, #tpu.memory_space<vmem>>
        %dma_wait3A_887 = arith.constant 0 : i32
        %dma_wait3A_888 = arith.constant 0 : i32
        %dma_wait3A_889 = tpu.memref_slice %arg4[%dma_wait3A_887, %dma_wait3A_888] : memref<4096x4096xf32, #tpu.memory_space<hbm>> -> memref<4x4096xf32, #tpu.memory_space<hbm>>
        %dma_wait3A_890 = arith.constant 0 : i32
        %dma_wait3A_891 = arith.constant 0 : i32
        %dma_wait3A_892 = tpu.memref_slice %arg4[%dma_wait3A_890, %dma_wait3A_891] : memref<4096x4096xf32, #tpu.memory_space<hbm>> -> memref<4x4096xf32, #tpu.memory_space<hbm>>
        %dma_wait3A_893 = arith.constant 0 : i32
        %dma_wait3A_894 = arith.constant 0 : i32
        %dma_wait3A_895 = tpu.memref_slice %arg6[%dma_wait3A_882, %dma_wait3A_893, %dma_wait3A_894] : memref<2x4x4096xf32, #tpu.memory_space<vmem>> -> memref<1x4x4096xf32, #tpu.memory_space<vmem>>
        %dma_wait3A_896 = tpu.memref_squeeze %dma_wait3A_895 : memref<1x4x4096xf32, #tpu.memory_space<vmem>> -> memref<4x4096xf32, #tpu.memory_space<vmem>>
        tpu.wait_dma2 semaphore(%arg12 : memref<!tpu.dma_semaphore, #tpu.memory_space<semaphore_mem>>) src(%dma_wait3A_896 : memref<4x4096xf32, #tpu.memory_space<vmem>>) dst(%dma_wait3A_892 : memref<4x4096xf32, #tpu.memory_space<hbm>>)
      } else {
      }
      %broadcast_in_dim3A_491 = arith.constant 0.000000e+00 : f32
      %broadcast_in_dim3A_492 = vector.broadcast %broadcast_in_dim3A_491 : f32 to vector<16xf32>
      %parallel_loop3A_493 = arith.constant 0 : i32
      %parallel_loop3A_494 = arith.constant 4096 : i32
      %parallel_loop3A_495 = arith.constant 64 : i32
      %parallel_loop3A_496:4 = scf.for %parallel_loop3A_882 = %parallel_loop3A_493 to %parallel_loop3A_494 step %parallel_loop3A_495 iter_args(%parallel_loop3A_883 = %broadcast_in_dim3A_492, %parallel_loop3A_884 = %broadcast_in_dim3A_492, %parallel_loop3A_885 = %broadcast_in_dim3A_492, %parallel_loop3A_886 = %broadcast_in_dim3A_492) -> (vector<16xf32>, vector<16xf32>, vector<16xf32>, vector<16xf32>)  : i32 {
        %parallel_loop3A_887 = arith.constant 0 : i32
        %parallel_loop3A_888 = arith.addi %parallel_loop3A_882, %parallel_loop3A_887 : i32
        %parallel_loop3A_889 = arith.constant 1 : i32
        %parallel_loop3A_890 = arith.constant 0 : i32
        %parallel_loop3A_891 = arith.index_cast %parallel_loop3A_889 : i32 to index
        %parallel_loop3A_892 = arith.index_cast %parallel_loop3A_890 : i32 to index
        %parallel_loop3A_893 = arith.index_cast %parallel_loop3A_888 : i32 to index
        %parallel_loop3A_894 = tpu.vector_load %arg5[%parallel_loop3A_891, %parallel_loop3A_892, %parallel_loop3A_893] {strides = array<i32>} : memref<2x4x4096xf32, #tpu.memory_space<vmem>>, vector<16xf32>,
        %parallel_loop3A_895 = math.absf %parallel_loop3A_894 : vector<16xf32>
        %parallel_loop3A_896 = arith.maximumf %parallel_loop3A_883, %parallel_loop3A_895 : vector<16xf32>
        %parallel_loop3A_897 = arith.constant 16 : i32
        %parallel_loop3A_898 = arith.addi %parallel_loop3A_882, %parallel_loop3A_897 : i32
        %parallel_loop3A_899 = arith.constant 1 : i32
        %parallel_loop3A_900 = arith.constant 0 : i32
        %parallel_loop3A_901 = arith.index_cast %parallel_loop3A_899 : i32 to index
        %parallel_loop3A_902 = arith.index_cast %parallel_loop3A_900 : i32 to index
        %parallel_loop3A_903 = arith.index_cast %parallel_loop3A_898 : i32 to index
        %parallel_loop3A_904 = tpu.vector_load %arg5[%parallel_loop3A_901, %parallel_loop3A_902, %parallel_loop3A_903] {strides = array<i32>} : memref<2x4x4096xf32, #tpu.memory_space<vmem>>, vector<16xf32>,
        %parallel_loop3A_905 = math.absf %parallel_loop3A_904 : vector<16xf32>
        %parallel_loop3A_906 = arith.maximumf %parallel_loop3A_884, %parallel_loop3A_905 : vector<16xf32>
        %parallel_loop3A_907 = arith.constant 32 : i32
        %parallel_loop3A_908 = arith.addi %parallel_loop3A_882, %parallel_loop3A_907 : i32
        %parallel_loop3A_909 = arith.constant 1 : i32
        %parallel_loop3A_910 = arith.constant 0 : i32
        %parallel_loop3A_911 = arith.index_cast %parallel_loop3A_909 : i32 to index
        %parallel_loop3A_912 = arith.index_cast %parallel_loop3A_910 : i32 to index
        %parallel_loop3A_913 = arith.index_cast %parallel_loop3A_908 : i32 to index
        %parallel_loop3A_914 = tpu.vector_load %arg5[%parallel_loop3A_911, %parallel_loop3A_912, %parallel_loop3A_913] {strides = array<i32>} : memref<2x4x4096xf32, #tpu.memory_space<vmem>>, vector<16xf32>,
        %parallel_loop3A_915 = math.absf %parallel_loop3A_914 : vector<16xf32>
        %parallel_loop3A_916 = arith.maximumf %parallel_loop3A_885, %parallel_loop3A_915 : vector<16xf32>
        %parallel_loop3A_917 = arith.constant 48 : i32
        %parallel_loop3A_918 = arith.addi %parallel_loop3A_882, %parallel_loop3A_917 : i32
        %parallel_loop3A_919 = arith.constant 1 : i32
        %parallel_loop3A_920 = arith.constant 0 : i32
        %parallel_loop3A_921 = arith.index_cast %parallel_loop3A_919 : i32 to index
        %parallel_loop3A_922 = arith.index_cast %parallel_loop3A_920 : i32 to index
        %parallel_loop3A_923 = arith.index_cast %parallel_loop3A_918 : i32 to index
        %parallel_loop3A_924 = tpu.vector_load %arg5[%parallel_loop3A_921, %parallel_loop3A_922, %parallel_loop3A_923] {strides = array<i32>} : memref<2x4x4096xf32, #tpu.memory_space<vmem>>, vector<16xf32>,
        %parallel_loop3A_925 = math.absf %parallel_loop3A_924 : vector<16xf32>
        %parallel_loop3A_926 = arith.maximumf %parallel_loop3A_886, %parallel_loop3A_925 : vector<16xf32>
        scf.yield %parallel_loop3A_896, %parallel_loop3A_906, %parallel_loop3A_916, %parallel_loop3A_926 : vector<16xf32>, vector<16xf32>, vector<16xf32>, vector<16xf32>
      } {sc.loop_unroll_factor = 2 : i64, sc.parallel_access}
      %max3A_497 = arith.maximumf %parallel_loop3A_496#0, %parallel_loop3A_496#1 : vector<16xf32>
      %max3A_498 = arith.maximumf %parallel_loop3A_496#2, %parallel_loop3A_496#3 : vector<16xf32>
      %max3A_499 = arith.maximumf %max3A_497, %max3A_498 : vector<16xf32>
      %slice3A_500 = vector.extract_strided_slice %max3A_499 {offsets = [0], sizes = [1], strides = [1]} : vector<16xf32> to vector<1xf32>
      %squeeze3A_501 = vector.extract %slice3A_500[0] : f32 from vector<1xf32>
      %slice3A_502 = vector.extract_strided_slice %max3A_499 {offsets = [1], sizes = [1], strides = [1]} : vector<16xf32> to vector<1xf32>
      %squeeze3A_503 = vector.extract %slice3A_502[0] : f32 from vector<1xf32>
      %slice3A_504 = vector.extract_strided_slice %max3A_499 {offsets = [2], sizes = [1], strides = [1]} : vector<16xf32> to vector<1xf32>
      %squeeze3A_505 = vector.extract %slice3A_504[0] : f32 from vector<1xf32>
      %slice3A_506 = vector.extract_strided_slice %max3A_499 {offsets = [3], sizes = [1], strides = [1]} : vector<16xf32> to vector<1xf32>
      %squeeze3A_507 = vector.extract %slice3A_506[0] : f32 from vector<1xf32>
      %slice3A_508 = vector.extract_strided_slice %max3A_499 {offsets = [4], sizes = [1], strides = [1]} : vector<16xf32> to vector<1xf32>
      %squeeze3A_509 = vector.extract %slice3A_508[0] : f32 from vector<1xf32>
      %slice3A_510 = vector.extract_strided_slice %max3A_499 {offsets = [5], sizes = [1], strides = [1]} : vector<16xf32> to vector<1xf32>
      %squeeze3A_511 = vector.extract %slice3A_510[0] : f32 from vector<1xf32>
      %slice3A_512 = vector.extract_strided_slice %max3A_499 {offsets = [6], sizes = [1], strides = [1]} : vector<16xf32> to vector<1xf32>
      %squeeze3A_513 = vector.extract %slice3A_512[0] : f32 from vector<1xf32>
      %slice3A_514 = vector.extract_strided_slice %max3A_499 {offsets = [7], sizes = [1], strides = [1]} : vector<16xf32> to vector<1xf32>
      %squeeze3A_515 = vector.extract %slice3A_514[0] : f32 from vector<1xf32>
      %slice3A_516 = vector.extract_strided_slice %max3A_499 {offsets = [8], sizes = [1], strides = [1]} : vector<16xf32> to vector<1xf32>
      %squeeze3A_517 = vector.extract %slice3A_516[0] : f32 from vector<1xf32>
      %slice3A_518 = vector.extract_strided_slice %max3A_499 {offsets = [9], sizes = [1], strides = [1]} : vector<16xf32> to vector<1xf32>
      %squeeze3A_519 = vector.extract %slice3A_518[0] : f32 from vector<1xf32>
      %slice3A_520 = vector.extract_strided_slice %max3A_499 {offsets = [10], sizes = [1], strides = [1]} : vector<16xf32> to vector<1xf32>
      %squeeze3A_521 = vector.extract %slice3A_520[0] : f32 from vector<1xf32>
      %slice3A_522 = vector.extract_strided_slice %max3A_499 {offsets = [11], sizes = [1], strides = [1]} : vector<16xf32> to vector<1xf32>
      %squeeze3A_523 = vector.extract %slice3A_522[0] : f32 from vector<1xf32>
      %slice3A_524 = vector.extract_strided_slice %max3A_499 {offsets = [12], sizes = [1], strides = [1]} : vector<16xf32> to vector<1xf32>
      %squeeze3A_525 = vector.extract %slice3A_524[0] : f32 from vector<1xf32>
      %slice3A_526 = vector.extract_strided_slice %max3A_499 {offsets = [13], sizes = [1], strides = [1]} : vector<16xf32> to vector<1xf32>
      %squeeze3A_527 = vector.extract %slice3A_526[0] : f32 from vector<1xf32>
      %slice3A_528 = vector.extract_strided_slice %max3A_499 {offsets = [14], sizes = [1], strides = [1]} : vector<16xf32> to vector<1xf32>
      %squeeze3A_529 = vector.extract %slice3A_528[0] : f32 from vector<1xf32>
      %slice3A_530 = vector.extract_strided_slice %max3A_499 {offsets = [15], sizes = [1], strides = [1]} : vector<16xf32> to vector<1xf32>
      %squeeze3A_531 = vector.extract %slice3A_530[0] : f32 from vector<1xf32>
      %max3A_532 = arith.maximumf %squeeze3A_501, %squeeze3A_503 : f32
      %max3A_533 = arith.maximumf %squeeze3A_505, %squeeze3A_507 : f32
      %max3A_534 = arith.maximumf %squeeze3A_509, %squeeze3A_511 : f32
      %max3A_535 = arith.maximumf %squeeze3A_513, %squeeze3A_515 : f32
      %max3A_536 = arith.maximumf %squeeze3A_517, %squeeze3A_519 : f32
      %max3A_537 = arith.maximumf %squeeze3A_521, %squeeze3A_523 : f32
      %max3A_538 = arith.maximumf %squeeze3A_525, %squeeze3A_527 : f32
      %max3A_539 = arith.maximumf %squeeze3A_529, %squeeze3A_531 : f32
      %max3A_540 = arith.maximumf %max3A_532, %max3A_533 : f32
      %max3A_541 = arith.maximumf %max3A_534, %max3A_535 : f32
      %max3A_542 = arith.maximumf %max3A_536, %max3A_537 : f32
      %max3A_543 = arith.maximumf %max3A_538, %max3A_539 : f32
      %max3A_544 = arith.maximumf %max3A_540, %max3A_541 : f32
      %max3A_545 = arith.maximumf %max3A_542, %max3A_543 : f32
      %max3A_546 = arith.maximumf %max3A_544, %max3A_545 : f32
      %broadcast_in_dim3A_547 = vector.broadcast %max3A_546 : f32 to vector<16xf32>
      %gt3A_548 = arith.constant 0.000000e+00 : f32
      %gt3A_549 = vector.broadcast %gt3A_548 : f32 to vector<16xf32>
      %gt3A_550 = arith.cmpf ogt, %broadcast_in_dim3A_547, %gt3A_549 : vector<16xf32>
      %jit3A_551 = arith.constant 1.000000e+00 : f32
      %broadcast_in_dim3A_552 = vector.broadcast %jit3A_551 : f32 to vector<16xf32>
      %select_n3A_553 = arith.select %gt3A_550, %broadcast_in_dim3A_547, %broadcast_in_dim3A_552 : vector<16xi1>, vector<16xf32>
      %mul3A_554 = arith.constant 0.166666672 : f32
      %mul3A_555 = vector.broadcast %mul3A_554 : f32 to vector<16xf32>
      %mul3A_556 = arith.mulf %select_n3A_553, %mul3A_555 : vector<16xf32>
      %div3A_557 = arith.constant 2.400000e+01 : f32
      %div3A_558 = vector.broadcast %div3A_557 : f32 to vector<16xf32>
      %div3A_559 = arith.divf %div3A_558, %select_n3A_553 : vector<16xf32>
      %get3A_560 = arith.constant 0 : index
      %get3A_561 = tpu.vector_load %arg7[%get3A_560] {strides = array<i32>} : memref<64xf32, #tpu.memory_space<vmem>>, vector<16xf32>,
      %mul3A_562 = arith.mulf %get3A_561, %mul3A_556 : vector<16xf32>
      %swap3A_563 = arith.constant 0 : index
      %swap3A_564 = tpu.vector_load %arg8[%swap3A_563] {strides = array<i32>} : memref<64xf32, #tpu.memory_space<vmem>>, vector<16xf32>,
      tpu.vector_store %arg8[%swap3A_563], %mul3A_562 {strides = array<i32>} : memref<64xf32, #tpu.memory_space<vmem>>, vector<16xf32>,
      %get3A_565 = arith.constant 16 : index
      %get3A_566 = tpu.vector_load %arg7[%get3A_565] {strides = array<i32>} : memref<64xf32, #tpu.memory_space<vmem>>, vector<16xf32>,
      %mul3A_567 = arith.mulf %get3A_566, %mul3A_556 : vector<16xf32>
      %swap3A_568 = arith.constant 16 : index
      %swap3A_569 = tpu.vector_load %arg8[%swap3A_568] {strides = array<i32>} : memref<64xf32, #tpu.memory_space<vmem>>, vector<16xf32>,
      tpu.vector_store %arg8[%swap3A_568], %mul3A_567 {strides = array<i32>} : memref<64xf32, #tpu.memory_space<vmem>>, vector<16xf32>,
      %get3A_570 = arith.constant 32 : index
      %get3A_571 = tpu.vector_load %arg7[%get3A_570] {strides = array<i32>} : memref<64xf32, #tpu.memory_space<vmem>>, vector<16xf32>,
      %mul3A_572 = arith.mulf %get3A_571, %mul3A_556 : vector<16xf32>
      %swap3A_573 = arith.constant 32 : index
      %swap3A_574 = tpu.vector_load %arg8[%swap3A_573] {strides = array<i32>} : memref<64xf32, #tpu.memory_space<vmem>>, vector<16xf32>,
      tpu.vector_store %arg8[%swap3A_573], %mul3A_572 {strides = array<i32>} : memref<64xf32, #tpu.memory_space<vmem>>, vector<16xf32>,
      %get3A_575 = arith.constant 48 : index
      %get3A_576 = tpu.vector_load %arg7[%get3A_575] {strides = array<i32>} : memref<64xf32, #tpu.memory_space<vmem>>, vector<16xf32>,
      %mul3A_577 = arith.mulf %get3A_576, %mul3A_556 : vector<16xf32>
      %swap3A_578 = arith.constant 48 : index
      %swap3A_579 = tpu.vector_load %arg8[%swap3A_578] {strides = array<i32>} : memref<64xf32, #tpu.memory_space<vmem>>, vector<16xf32>,
      tpu.vector_store %arg8[%swap3A_578], %mul3A_577 {strides = array<i32>} : memref<64xf32, #tpu.memory_space<vmem>>, vector<16xf32>,
      %parallel_loop3A_580 = arith.constant 0 : i32
      %parallel_loop3A_581 = arith.constant 4096 : i32
      %parallel_loop3A_582 = arith.constant 16 : i32
      scf.for %parallel_loop3A_882 = %parallel_loop3A_580 to %parallel_loop3A_581 step %parallel_loop3A_582  : i32 {
        %parallel_loop3A_883 = arith.constant 1 : i32
        %parallel_loop3A_884 = arith.constant 0 : i32
        %parallel_loop3A_885 = arith.index_cast %parallel_loop3A_883 : i32 to index
        %parallel_loop3A_886 = arith.index_cast %parallel_loop3A_884 : i32 to index
        %parallel_loop3A_887 = arith.index_cast %parallel_loop3A_882 : i32 to index
        %parallel_loop3A_888 = tpu.vector_load %arg5[%parallel_loop3A_885, %parallel_loop3A_886, %parallel_loop3A_887] {strides = array<i32>} : memref<2x4x4096xf32, #tpu.memory_space<vmem>>, vector<16xf32>,
        %parallel_loop3A_889 = arith.mulf %parallel_loop3A_888, %div3A_559 : vector<16xf32>
        %parallel_loop3A_890 = arith.constant 2.400000e+01 : f32
        %parallel_loop3A_891 = vector.broadcast %parallel_loop3A_890 : f32 to vector<16xf32>
        %parallel_loop3A_892 = arith.addf %parallel_loop3A_889, %parallel_loop3A_891 : vector<16xf32>
        %parallel_loop3A_893 = arith.fptosi %parallel_loop3A_892 : vector<16xf32> to vector<16xi32>
        %parallel_loop3A_894 = tpu.vector_load_idx %arg8[%parallel_loop3A_893] : memref<64xf32, #tpu.memory_space<vmem>>[vector<16xi32>], vector<16xf32>,
        %parallel_loop3A_895 = arith.constant 1 : i32
        %parallel_loop3A_896 = arith.constant 0 : i32
        %parallel_loop3A_897 = arith.index_cast %parallel_loop3A_895 : i32 to index
        %parallel_loop3A_898 = arith.index_cast %parallel_loop3A_896 : i32 to index
        %parallel_loop3A_899 = arith.index_cast %parallel_loop3A_882 : i32 to index
        %parallel_loop3A_900 = tpu.vector_load %arg6[%parallel_loop3A_897, %parallel_loop3A_898, %parallel_loop3A_899] {strides = array<i32>} : memref<2x4x4096xf32, #tpu.memory_space<vmem>>, vector<16xf32>,
        tpu.vector_store %arg6[%parallel_loop3A_897, %parallel_loop3A_898, %parallel_loop3A_899], %parallel_loop3A_894 {strides = array<i32>} : memref<2x4x4096xf32, #tpu.memory_space<vmem>>, vector<16xf32>,
      } {sc.loop_unroll_factor = 8 : i64, sc.parallel_access}
      %broadcast_in_dim3A_583 = arith.constant 0.000000e+00 : f32
      %broadcast_in_dim3A_584 = vector.broadcast %broadcast_in_dim3A_583 : f32 to vector<16xf32>
      %parallel_loop3A_585 = arith.constant 0 : i32
      %parallel_loop3A_586 = arith.constant 4096 : i32
      %parallel_loop3A_587 = arith.constant 64 : i32
      %parallel_loop3A_588:4 = scf.for %parallel_loop3A_882 = %parallel_loop3A_585 to %parallel_loop3A_586 step %parallel_loop3A_587 iter_args(%parallel_loop3A_883 = %broadcast_in_dim3A_584, %parallel_loop3A_884 = %broadcast_in_dim3A_584, %parallel_loop3A_885 = %broadcast_in_dim3A_584, %parallel_loop3A_886 = %broadcast_in_dim3A_584) -> (vector<16xf32>, vector<16xf32>, vector<16xf32>, vector<16xf32>)  : i32 {
        %parallel_loop3A_887 = arith.constant 0 : i32
        %parallel_loop3A_888 = arith.addi %parallel_loop3A_882, %parallel_loop3A_887 : i32
        %parallel_loop3A_889 = arith.constant 1 : i32
        %parallel_loop3A_890 = arith.constant 1 : i32
        %parallel_loop3A_891 = arith.index_cast %parallel_loop3A_889 : i32 to index
        %parallel_loop3A_892 = arith.index_cast %parallel_loop3A_890 : i32 to index
        %parallel_loop3A_893 = arith.index_cast %parallel_loop3A_888 : i32 to index
        %parallel_loop3A_894 = tpu.vector_load %arg5[%parallel_loop3A_891, %parallel_loop3A_892, %parallel_loop3A_893] {strides = array<i32>} : memref<2x4x4096xf32, #tpu.memory_space<vmem>>, vector<16xf32>,
        %parallel_loop3A_895 = math.absf %parallel_loop3A_894 : vector<16xf32>
        %parallel_loop3A_896 = arith.maximumf %parallel_loop3A_883, %parallel_loop3A_895 : vector<16xf32>
        %parallel_loop3A_897 = arith.constant 16 : i32
        %parallel_loop3A_898 = arith.addi %parallel_loop3A_882, %parallel_loop3A_897 : i32
        %parallel_loop3A_899 = arith.constant 1 : i32
        %parallel_loop3A_900 = arith.constant 1 : i32
        %parallel_loop3A_901 = arith.index_cast %parallel_loop3A_899 : i32 to index
        %parallel_loop3A_902 = arith.index_cast %parallel_loop3A_900 : i32 to index
        %parallel_loop3A_903 = arith.index_cast %parallel_loop3A_898 : i32 to index
        %parallel_loop3A_904 = tpu.vector_load %arg5[%parallel_loop3A_901, %parallel_loop3A_902, %parallel_loop3A_903] {strides = array<i32>} : memref<2x4x4096xf32, #tpu.memory_space<vmem>>, vector<16xf32>,
        %parallel_loop3A_905 = math.absf %parallel_loop3A_904 : vector<16xf32>
        %parallel_loop3A_906 = arith.maximumf %parallel_loop3A_884, %parallel_loop3A_905 : vector<16xf32>
        %parallel_loop3A_907 = arith.constant 32 : i32
        %parallel_loop3A_908 = arith.addi %parallel_loop3A_882, %parallel_loop3A_907 : i32
        %parallel_loop3A_909 = arith.constant 1 : i32
        %parallel_loop3A_910 = arith.constant 1 : i32
        %parallel_loop3A_911 = arith.index_cast %parallel_loop3A_909 : i32 to index
        %parallel_loop3A_912 = arith.index_cast %parallel_loop3A_910 : i32 to index
        %parallel_loop3A_913 = arith.index_cast %parallel_loop3A_908 : i32 to index
        %parallel_loop3A_914 = tpu.vector_load %arg5[%parallel_loop3A_911, %parallel_loop3A_912, %parallel_loop3A_913] {strides = array<i32>} : memref<2x4x4096xf32, #tpu.memory_space<vmem>>, vector<16xf32>,
        %parallel_loop3A_915 = math.absf %parallel_loop3A_914 : vector<16xf32>
        %parallel_loop3A_916 = arith.maximumf %parallel_loop3A_885, %parallel_loop3A_915 : vector<16xf32>
        %parallel_loop3A_917 = arith.constant 48 : i32
        %parallel_loop3A_918 = arith.addi %parallel_loop3A_882, %parallel_loop3A_917 : i32
        %parallel_loop3A_919 = arith.constant 1 : i32
        %parallel_loop3A_920 = arith.constant 1 : i32
        %parallel_loop3A_921 = arith.index_cast %parallel_loop3A_919 : i32 to index
        %parallel_loop3A_922 = arith.index_cast %parallel_loop3A_920 : i32 to index
        %parallel_loop3A_923 = arith.index_cast %parallel_loop3A_918 : i32 to index
        %parallel_loop3A_924 = tpu.vector_load %arg5[%parallel_loop3A_921, %parallel_loop3A_922, %parallel_loop3A_923] {strides = array<i32>} : memref<2x4x4096xf32, #tpu.memory_space<vmem>>, vector<16xf32>,
        %parallel_loop3A_925 = math.absf %parallel_loop3A_924 : vector<16xf32>
        %parallel_loop3A_926 = arith.maximumf %parallel_loop3A_886, %parallel_loop3A_925 : vector<16xf32>
        scf.yield %parallel_loop3A_896, %parallel_loop3A_906, %parallel_loop3A_916, %parallel_loop3A_926 : vector<16xf32>, vector<16xf32>, vector<16xf32>, vector<16xf32>
      } {sc.loop_unroll_factor = 2 : i64, sc.parallel_access}
      %max3A_589 = arith.maximumf %parallel_loop3A_588#0, %parallel_loop3A_588#1 : vector<16xf32>
      %max3A_590 = arith.maximumf %parallel_loop3A_588#2, %parallel_loop3A_588#3 : vector<16xf32>
      %max3A_591 = arith.maximumf %max3A_589, %max3A_590 : vector<16xf32>
      %slice3A_592 = vector.extract_strided_slice %max3A_591 {offsets = [0], sizes = [1], strides = [1]} : vector<16xf32> to vector<1xf32>
      %squeeze3A_593 = vector.extract %slice3A_592[0] : f32 from vector<1xf32>
      %slice3A_594 = vector.extract_strided_slice %max3A_591 {offsets = [1], sizes = [1], strides = [1]} : vector<16xf32> to vector<1xf32>
      %squeeze3A_595 = vector.extract %slice3A_594[0] : f32 from vector<1xf32>
      %slice3A_596 = vector.extract_strided_slice %max3A_591 {offsets = [2], sizes = [1], strides = [1]} : vector<16xf32> to vector<1xf32>
      %squeeze3A_597 = vector.extract %slice3A_596[0] : f32 from vector<1xf32>
      %slice3A_598 = vector.extract_strided_slice %max3A_591 {offsets = [3], sizes = [1], strides = [1]} : vector<16xf32> to vector<1xf32>
      %squeeze3A_599 = vector.extract %slice3A_598[0] : f32 from vector<1xf32>
      %slice3A_600 = vector.extract_strided_slice %max3A_591 {offsets = [4], sizes = [1], strides = [1]} : vector<16xf32> to vector<1xf32>
      %squeeze3A_601 = vector.extract %slice3A_600[0] : f32 from vector<1xf32>
      %slice3A_602 = vector.extract_strided_slice %max3A_591 {offsets = [5], sizes = [1], strides = [1]} : vector<16xf32> to vector<1xf32>
      %squeeze3A_603 = vector.extract %slice3A_602[0] : f32 from vector<1xf32>
      %slice3A_604 = vector.extract_strided_slice %max3A_591 {offsets = [6], sizes = [1], strides = [1]} : vector<16xf32> to vector<1xf32>
      %squeeze3A_605 = vector.extract %slice3A_604[0] : f32 from vector<1xf32>
      %slice3A_606 = vector.extract_strided_slice %max3A_591 {offsets = [7], sizes = [1], strides = [1]} : vector<16xf32> to vector<1xf32>
      %squeeze3A_607 = vector.extract %slice3A_606[0] : f32 from vector<1xf32>
      %slice3A_608 = vector.extract_strided_slice %max3A_591 {offsets = [8], sizes = [1], strides = [1]} : vector<16xf32> to vector<1xf32>
      %squeeze3A_609 = vector.extract %slice3A_608[0] : f32 from vector<1xf32>
      %slice3A_610 = vector.extract_strided_slice %max3A_591 {offsets = [9], sizes = [1], strides = [1]} : vector<16xf32> to vector<1xf32>
      %squeeze3A_611 = vector.extract %slice3A_610[0] : f32 from vector<1xf32>
      %slice3A_612 = vector.extract_strided_slice %max3A_591 {offsets = [10], sizes = [1], strides = [1]} : vector<16xf32> to vector<1xf32>
      %squeeze3A_613 = vector.extract %slice3A_612[0] : f32 from vector<1xf32>
      %slice3A_614 = vector.extract_strided_slice %max3A_591 {offsets = [11], sizes = [1], strides = [1]} : vector<16xf32> to vector<1xf32>
      %squeeze3A_615 = vector.extract %slice3A_614[0] : f32 from vector<1xf32>
      %slice3A_616 = vector.extract_strided_slice %max3A_591 {offsets = [12], sizes = [1], strides = [1]} : vector<16xf32> to vector<1xf32>
      %squeeze3A_617 = vector.extract %slice3A_616[0] : f32 from vector<1xf32>
      %slice3A_618 = vector.extract_strided_slice %max3A_591 {offsets = [13], sizes = [1], strides = [1]} : vector<16xf32> to vector<1xf32>
      %squeeze3A_619 = vector.extract %slice3A_618[0] : f32 from vector<1xf32>
      %slice3A_620 = vector.extract_strided_slice %max3A_591 {offsets = [14], sizes = [1], strides = [1]} : vector<16xf32> to vector<1xf32>
      %squeeze3A_621 = vector.extract %slice3A_620[0] : f32 from vector<1xf32>
      %slice3A_622 = vector.extract_strided_slice %max3A_591 {offsets = [15], sizes = [1], strides = [1]} : vector<16xf32> to vector<1xf32>
      %squeeze3A_623 = vector.extract %slice3A_622[0] : f32 from vector<1xf32>
      %max3A_624 = arith.maximumf %squeeze3A_593, %squeeze3A_595 : f32
      %max3A_625 = arith.maximumf %squeeze3A_597, %squeeze3A_599 : f32
      %max3A_626 = arith.maximumf %squeeze3A_601, %squeeze3A_603 : f32
      %max3A_627 = arith.maximumf %squeeze3A_605, %squeeze3A_607 : f32
      %max3A_628 = arith.maximumf %squeeze3A_609, %squeeze3A_611 : f32
      %max3A_629 = arith.maximumf %squeeze3A_613, %squeeze3A_615 : f32
      %max3A_630 = arith.maximumf %squeeze3A_617, %squeeze3A_619 : f32
      %max3A_631 = arith.maximumf %squeeze3A_621, %squeeze3A_623 : f32
      %max3A_632 = arith.maximumf %max3A_624, %max3A_625 : f32
      %max3A_633 = arith.maximumf %max3A_626, %max3A_627 : f32
      %max3A_634 = arith.maximumf %max3A_628, %max3A_629 : f32
      %max3A_635 = arith.maximumf %max3A_630, %max3A_631 : f32
      %max3A_636 = arith.maximumf %max3A_632, %max3A_633 : f32
      %max3A_637 = arith.maximumf %max3A_634, %max3A_635 : f32
      %max3A_638 = arith.maximumf %max3A_636, %max3A_637 : f32
      %broadcast_in_dim3A_639 = vector.broadcast %max3A_638 : f32 to vector<16xf32>
      %gt3A_640 = arith.constant 0.000000e+00 : f32
      %gt3A_641 = vector.broadcast %gt3A_640 : f32 to vector<16xf32>
      %gt3A_642 = arith.cmpf ogt, %broadcast_in_dim3A_639, %gt3A_641 : vector<16xf32>
      %jit3A_643 = arith.constant 1.000000e+00 : f32
      %broadcast_in_dim3A_644 = vector.broadcast %jit3A_643 : f32 to vector<16xf32>
      %select_n3A_645 = arith.select %gt3A_642, %broadcast_in_dim3A_639, %broadcast_in_dim3A_644 : vector<16xi1>, vector<16xf32>
      %mul3A_646 = arith.constant 0.166666672 : f32
      %mul3A_647 = vector.broadcast %mul3A_646 : f32 to vector<16xf32>
      %mul3A_648 = arith.mulf %select_n3A_645, %mul3A_647 : vector<16xf32>
      %div3A_649 = arith.constant 2.400000e+01 : f32
      %div3A_650 = vector.broadcast %div3A_649 : f32 to vector<16xf32>
      %div3A_651 = arith.divf %div3A_650, %select_n3A_645 : vector<16xf32>
      %get3A_652 = arith.constant 0 : index
      %get3A_653 = tpu.vector_load %arg7[%get3A_652] {strides = array<i32>} : memref<64xf32, #tpu.memory_space<vmem>>, vector<16xf32>,
      %mul3A_654 = arith.mulf %get3A_653, %mul3A_648 : vector<16xf32>
      %swap3A_655 = arith.constant 0 : index
      %swap3A_656 = tpu.vector_load %arg8[%swap3A_655] {strides = array<i32>} : memref<64xf32, #tpu.memory_space<vmem>>, vector<16xf32>,
      tpu.vector_store %arg8[%swap3A_655], %mul3A_654 {strides = array<i32>} : memref<64xf32, #tpu.memory_space<vmem>>, vector<16xf32>,
      %get3A_657 = arith.constant 16 : index
      %get3A_658 = tpu.vector_load %arg7[%get3A_657] {strides = array<i32>} : memref<64xf32, #tpu.memory_space<vmem>>, vector<16xf32>,
      %mul3A_659 = arith.mulf %get3A_658, %mul3A_648 : vector<16xf32>
      %swap3A_660 = arith.constant 16 : index
      %swap3A_661 = tpu.vector_load %arg8[%swap3A_660] {strides = array<i32>} : memref<64xf32, #tpu.memory_space<vmem>>, vector<16xf32>,
      tpu.vector_store %arg8[%swap3A_660], %mul3A_659 {strides = array<i32>} : memref<64xf32, #tpu.memory_space<vmem>>, vector<16xf32>,
      %get3A_662 = arith.constant 32 : index
      %get3A_663 = tpu.vector_load %arg7[%get3A_662] {strides = array<i32>} : memref<64xf32, #tpu.memory_space<vmem>>, vector<16xf32>,
      %mul3A_664 = arith.mulf %get3A_663, %mul3A_648 : vector<16xf32>
      %swap3A_665 = arith.constant 32 : index
      %swap3A_666 = tpu.vector_load %arg8[%swap3A_665] {strides = array<i32>} : memref<64xf32, #tpu.memory_space<vmem>>, vector<16xf32>,
      tpu.vector_store %arg8[%swap3A_665], %mul3A_664 {strides = array<i32>} : memref<64xf32, #tpu.memory_space<vmem>>, vector<16xf32>,
      %get3A_667 = arith.constant 48 : index
      %get3A_668 = tpu.vector_load %arg7[%get3A_667] {strides = array<i32>} : memref<64xf32, #tpu.memory_space<vmem>>, vector<16xf32>,
      %mul3A_669 = arith.mulf %get3A_668, %mul3A_648 : vector<16xf32>
      %swap3A_670 = arith.constant 48 : index
      %swap3A_671 = tpu.vector_load %arg8[%swap3A_670] {strides = array<i32>} : memref<64xf32, #tpu.memory_space<vmem>>, vector<16xf32>,
      tpu.vector_store %arg8[%swap3A_670], %mul3A_669 {strides = array<i32>} : memref<64xf32, #tpu.memory_space<vmem>>, vector<16xf32>,
      %parallel_loop3A_672 = arith.constant 0 : i32
      %parallel_loop3A_673 = arith.constant 4096 : i32
      %parallel_loop3A_674 = arith.constant 16 : i32
      scf.for %parallel_loop3A_882 = %parallel_loop3A_672 to %parallel_loop3A_673 step %parallel_loop3A_674  : i32 {
        %parallel_loop3A_883 = arith.constant 1 : i32
        %parallel_loop3A_884 = arith.constant 1 : i32
        %parallel_loop3A_885 = arith.index_cast %parallel_loop3A_883 : i32 to index
        %parallel_loop3A_886 = arith.index_cast %parallel_loop3A_884 : i32 to index
        %parallel_loop3A_887 = arith.index_cast %parallel_loop3A_882 : i32 to index
        %parallel_loop3A_888 = tpu.vector_load %arg5[%parallel_loop3A_885, %parallel_loop3A_886, %parallel_loop3A_887] {strides = array<i32>} : memref<2x4x4096xf32, #tpu.memory_space<vmem>>, vector<16xf32>,
        %parallel_loop3A_889 = arith.mulf %parallel_loop3A_888, %div3A_651 : vector<16xf32>
        %parallel_loop3A_890 = arith.constant 2.400000e+01 : f32
        %parallel_loop3A_891 = vector.broadcast %parallel_loop3A_890 : f32 to vector<16xf32>
        %parallel_loop3A_892 = arith.addf %parallel_loop3A_889, %parallel_loop3A_891 : vector<16xf32>
        %parallel_loop3A_893 = arith.fptosi %parallel_loop3A_892 : vector<16xf32> to vector<16xi32>
        %parallel_loop3A_894 = tpu.vector_load_idx %arg8[%parallel_loop3A_893] : memref<64xf32, #tpu.memory_space<vmem>>[vector<16xi32>], vector<16xf32>,
        %parallel_loop3A_895 = arith.constant 1 : i32
        %parallel_loop3A_896 = arith.constant 1 : i32
        %parallel_loop3A_897 = arith.index_cast %parallel_loop3A_895 : i32 to index
        %parallel_loop3A_898 = arith.index_cast %parallel_loop3A_896 : i32 to index
        %parallel_loop3A_899 = arith.index_cast %parallel_loop3A_882 : i32 to index
        %parallel_loop3A_900 = tpu.vector_load %arg6[%parallel_loop3A_897, %parallel_loop3A_898, %parallel_loop3A_899] {strides = array<i32>} : memref<2x4x4096xf32, #tpu.memory_space<vmem>>, vector<16xf32>,
        tpu.vector_store %arg6[%parallel_loop3A_897, %parallel_loop3A_898, %parallel_loop3A_899], %parallel_loop3A_894 {strides = array<i32>} : memref<2x4x4096xf32, #tpu.memory_space<vmem>>, vector<16xf32>,
      } {sc.loop_unroll_factor = 8 : i64, sc.parallel_access}
      %broadcast_in_dim3A_675 = arith.constant 0.000000e+00 : f32
      %broadcast_in_dim3A_676 = vector.broadcast %broadcast_in_dim3A_675 : f32 to vector<16xf32>
      %parallel_loop3A_677 = arith.constant 0 : i32
      %parallel_loop3A_678 = arith.constant 4096 : i32
      %parallel_loop3A_679 = arith.constant 64 : i32
      %parallel_loop3A_680:4 = scf.for %parallel_loop3A_882 = %parallel_loop3A_677 to %parallel_loop3A_678 step %parallel_loop3A_679 iter_args(%parallel_loop3A_883 = %broadcast_in_dim3A_676, %parallel_loop3A_884 = %broadcast_in_dim3A_676, %parallel_loop3A_885 = %broadcast_in_dim3A_676, %parallel_loop3A_886 = %broadcast_in_dim3A_676) -> (vector<16xf32>, vector<16xf32>, vector<16xf32>, vector<16xf32>)  : i32 {
        %parallel_loop3A_887 = arith.constant 0 : i32
        %parallel_loop3A_888 = arith.addi %parallel_loop3A_882, %parallel_loop3A_887 : i32
        %parallel_loop3A_889 = arith.constant 1 : i32
        %parallel_loop3A_890 = arith.constant 2 : i32
        %parallel_loop3A_891 = arith.index_cast %parallel_loop3A_889 : i32 to index
        %parallel_loop3A_892 = arith.index_cast %parallel_loop3A_890 : i32 to index
        %parallel_loop3A_893 = arith.index_cast %parallel_loop3A_888 : i32 to index
        %parallel_loop3A_894 = tpu.vector_load %arg5[%parallel_loop3A_891, %parallel_loop3A_892, %parallel_loop3A_893] {strides = array<i32>} : memref<2x4x4096xf32, #tpu.memory_space<vmem>>, vector<16xf32>,
        %parallel_loop3A_895 = math.absf %parallel_loop3A_894 : vector<16xf32>
        %parallel_loop3A_896 = arith.maximumf %parallel_loop3A_883, %parallel_loop3A_895 : vector<16xf32>
        %parallel_loop3A_897 = arith.constant 16 : i32
        %parallel_loop3A_898 = arith.addi %parallel_loop3A_882, %parallel_loop3A_897 : i32
        %parallel_loop3A_899 = arith.constant 1 : i32
        %parallel_loop3A_900 = arith.constant 2 : i32
        %parallel_loop3A_901 = arith.index_cast %parallel_loop3A_899 : i32 to index
        %parallel_loop3A_902 = arith.index_cast %parallel_loop3A_900 : i32 to index
        %parallel_loop3A_903 = arith.index_cast %parallel_loop3A_898 : i32 to index
        %parallel_loop3A_904 = tpu.vector_load %arg5[%parallel_loop3A_901, %parallel_loop3A_902, %parallel_loop3A_903] {strides = array<i32>} : memref<2x4x4096xf32, #tpu.memory_space<vmem>>, vector<16xf32>,
        %parallel_loop3A_905 = math.absf %parallel_loop3A_904 : vector<16xf32>
        %parallel_loop3A_906 = arith.maximumf %parallel_loop3A_884, %parallel_loop3A_905 : vector<16xf32>
        %parallel_loop3A_907 = arith.constant 32 : i32
        %parallel_loop3A_908 = arith.addi %parallel_loop3A_882, %parallel_loop3A_907 : i32
        %parallel_loop3A_909 = arith.constant 1 : i32
        %parallel_loop3A_910 = arith.constant 2 : i32
        %parallel_loop3A_911 = arith.index_cast %parallel_loop3A_909 : i32 to index
        %parallel_loop3A_912 = arith.index_cast %parallel_loop3A_910 : i32 to index
        %parallel_loop3A_913 = arith.index_cast %parallel_loop3A_908 : i32 to index
        %parallel_loop3A_914 = tpu.vector_load %arg5[%parallel_loop3A_911, %parallel_loop3A_912, %parallel_loop3A_913] {strides = array<i32>} : memref<2x4x4096xf32, #tpu.memory_space<vmem>>, vector<16xf32>,
        %parallel_loop3A_915 = math.absf %parallel_loop3A_914 : vector<16xf32>
        %parallel_loop3A_916 = arith.maximumf %parallel_loop3A_885, %parallel_loop3A_915 : vector<16xf32>
        %parallel_loop3A_917 = arith.constant 48 : i32
        %parallel_loop3A_918 = arith.addi %parallel_loop3A_882, %parallel_loop3A_917 : i32
        %parallel_loop3A_919 = arith.constant 1 : i32
        %parallel_loop3A_920 = arith.constant 2 : i32
        %parallel_loop3A_921 = arith.index_cast %parallel_loop3A_919 : i32 to index
        %parallel_loop3A_922 = arith.index_cast %parallel_loop3A_920 : i32 to index
        %parallel_loop3A_923 = arith.index_cast %parallel_loop3A_918 : i32 to index
        %parallel_loop3A_924 = tpu.vector_load %arg5[%parallel_loop3A_921, %parallel_loop3A_922, %parallel_loop3A_923] {strides = array<i32>} : memref<2x4x4096xf32, #tpu.memory_space<vmem>>, vector<16xf32>,
        %parallel_loop3A_925 = math.absf %parallel_loop3A_924 : vector<16xf32>
        %parallel_loop3A_926 = arith.maximumf %parallel_loop3A_886, %parallel_loop3A_925 : vector<16xf32>
        scf.yield %parallel_loop3A_896, %parallel_loop3A_906, %parallel_loop3A_916, %parallel_loop3A_926 : vector<16xf32>, vector<16xf32>, vector<16xf32>, vector<16xf32>
      } {sc.loop_unroll_factor = 2 : i64, sc.parallel_access}
      %max3A_681 = arith.maximumf %parallel_loop3A_680#0, %parallel_loop3A_680#1 : vector<16xf32>
      %max3A_682 = arith.maximumf %parallel_loop3A_680#2, %parallel_loop3A_680#3 : vector<16xf32>
      %max3A_683 = arith.maximumf %max3A_681, %max3A_682 : vector<16xf32>
      %slice3A_684 = vector.extract_strided_slice %max3A_683 {offsets = [0], sizes = [1], strides = [1]} : vector<16xf32> to vector<1xf32>
      %squeeze3A_685 = vector.extract %slice3A_684[0] : f32 from vector<1xf32>
      %slice3A_686 = vector.extract_strided_slice %max3A_683 {offsets = [1], sizes = [1], strides = [1]} : vector<16xf32> to vector<1xf32>
      %squeeze3A_687 = vector.extract %slice3A_686[0] : f32 from vector<1xf32>
      %slice3A_688 = vector.extract_strided_slice %max3A_683 {offsets = [2], sizes = [1], strides = [1]} : vector<16xf32> to vector<1xf32>
      %squeeze3A_689 = vector.extract %slice3A_688[0] : f32 from vector<1xf32>
      %slice3A_690 = vector.extract_strided_slice %max3A_683 {offsets = [3], sizes = [1], strides = [1]} : vector<16xf32> to vector<1xf32>
      %squeeze3A_691 = vector.extract %slice3A_690[0] : f32 from vector<1xf32>
      %slice3A_692 = vector.extract_strided_slice %max3A_683 {offsets = [4], sizes = [1], strides = [1]} : vector<16xf32> to vector<1xf32>
      %squeeze3A_693 = vector.extract %slice3A_692[0] : f32 from vector<1xf32>
      %slice3A_694 = vector.extract_strided_slice %max3A_683 {offsets = [5], sizes = [1], strides = [1]} : vector<16xf32> to vector<1xf32>
      %squeeze3A_695 = vector.extract %slice3A_694[0] : f32 from vector<1xf32>
      %slice3A_696 = vector.extract_strided_slice %max3A_683 {offsets = [6], sizes = [1], strides = [1]} : vector<16xf32> to vector<1xf32>
      %squeeze3A_697 = vector.extract %slice3A_696[0] : f32 from vector<1xf32>
      %slice3A_698 = vector.extract_strided_slice %max3A_683 {offsets = [7], sizes = [1], strides = [1]} : vector<16xf32> to vector<1xf32>
      %squeeze3A_699 = vector.extract %slice3A_698[0] : f32 from vector<1xf32>
      %slice3A_700 = vector.extract_strided_slice %max3A_683 {offsets = [8], sizes = [1], strides = [1]} : vector<16xf32> to vector<1xf32>
      %squeeze3A_701 = vector.extract %slice3A_700[0] : f32 from vector<1xf32>
      %slice3A_702 = vector.extract_strided_slice %max3A_683 {offsets = [9], sizes = [1], strides = [1]} : vector<16xf32> to vector<1xf32>
      %squeeze3A_703 = vector.extract %slice3A_702[0] : f32 from vector<1xf32>
      %slice3A_704 = vector.extract_strided_slice %max3A_683 {offsets = [10], sizes = [1], strides = [1]} : vector<16xf32> to vector<1xf32>
      %squeeze3A_705 = vector.extract %slice3A_704[0] : f32 from vector<1xf32>
      %slice3A_706 = vector.extract_strided_slice %max3A_683 {offsets = [11], sizes = [1], strides = [1]} : vector<16xf32> to vector<1xf32>
      %squeeze3A_707 = vector.extract %slice3A_706[0] : f32 from vector<1xf32>
      %slice3A_708 = vector.extract_strided_slice %max3A_683 {offsets = [12], sizes = [1], strides = [1]} : vector<16xf32> to vector<1xf32>
      %squeeze3A_709 = vector.extract %slice3A_708[0] : f32 from vector<1xf32>
      %slice3A_710 = vector.extract_strided_slice %max3A_683 {offsets = [13], sizes = [1], strides = [1]} : vector<16xf32> to vector<1xf32>
      %squeeze3A_711 = vector.extract %slice3A_710[0] : f32 from vector<1xf32>
      %slice3A_712 = vector.extract_strided_slice %max3A_683 {offsets = [14], sizes = [1], strides = [1]} : vector<16xf32> to vector<1xf32>
      %squeeze3A_713 = vector.extract %slice3A_712[0] : f32 from vector<1xf32>
      %slice3A_714 = vector.extract_strided_slice %max3A_683 {offsets = [15], sizes = [1], strides = [1]} : vector<16xf32> to vector<1xf32>
      %squeeze3A_715 = vector.extract %slice3A_714[0] : f32 from vector<1xf32>
      %max3A_716 = arith.maximumf %squeeze3A_685, %squeeze3A_687 : f32
      %max3A_717 = arith.maximumf %squeeze3A_689, %squeeze3A_691 : f32
      %max3A_718 = arith.maximumf %squeeze3A_693, %squeeze3A_695 : f32
      %max3A_719 = arith.maximumf %squeeze3A_697, %squeeze3A_699 : f32
      %max3A_720 = arith.maximumf %squeeze3A_701, %squeeze3A_703 : f32
      %max3A_721 = arith.maximumf %squeeze3A_705, %squeeze3A_707 : f32
      %max3A_722 = arith.maximumf %squeeze3A_709, %squeeze3A_711 : f32
      %max3A_723 = arith.maximumf %squeeze3A_713, %squeeze3A_715 : f32
      %max3A_724 = arith.maximumf %max3A_716, %max3A_717 : f32
      %max3A_725 = arith.maximumf %max3A_718, %max3A_719 : f32
      %max3A_726 = arith.maximumf %max3A_720, %max3A_721 : f32
      %max3A_727 = arith.maximumf %max3A_722, %max3A_723 : f32
      %max3A_728 = arith.maximumf %max3A_724, %max3A_725 : f32
      %max3A_729 = arith.maximumf %max3A_726, %max3A_727 : f32
      %max3A_730 = arith.maximumf %max3A_728, %max3A_729 : f32
      %broadcast_in_dim3A_731 = vector.broadcast %max3A_730 : f32 to vector<16xf32>
      %gt3A_732 = arith.constant 0.000000e+00 : f32
      %gt3A_733 = vector.broadcast %gt3A_732 : f32 to vector<16xf32>
      %gt3A_734 = arith.cmpf ogt, %broadcast_in_dim3A_731, %gt3A_733 : vector<16xf32>
      %jit3A_735 = arith.constant 1.000000e+00 : f32
      %broadcast_in_dim3A_736 = vector.broadcast %jit3A_735 : f32 to vector<16xf32>
      %select_n3A_737 = arith.select %gt3A_734, %broadcast_in_dim3A_731, %broadcast_in_dim3A_736 : vector<16xi1>, vector<16xf32>
      %mul3A_738 = arith.constant 0.166666672 : f32
      %mul3A_739 = vector.broadcast %mul3A_738 : f32 to vector<16xf32>
      %mul3A_740 = arith.mulf %select_n3A_737, %mul3A_739 : vector<16xf32>
      %div3A_741 = arith.constant 2.400000e+01 : f32
      %div3A_742 = vector.broadcast %div3A_741 : f32 to vector<16xf32>
      %div3A_743 = arith.divf %div3A_742, %select_n3A_737 : vector<16xf32>
      %get3A_744 = arith.constant 0 : index
      %get3A_745 = tpu.vector_load %arg7[%get3A_744] {strides = array<i32>} : memref<64xf32, #tpu.memory_space<vmem>>, vector<16xf32>,
      %mul3A_746 = arith.mulf %get3A_745, %mul3A_740 : vector<16xf32>
      %swap3A_747 = arith.constant 0 : index
      %swap3A_748 = tpu.vector_load %arg8[%swap3A_747] {strides = array<i32>} : memref<64xf32, #tpu.memory_space<vmem>>, vector<16xf32>,
      tpu.vector_store %arg8[%swap3A_747], %mul3A_746 {strides = array<i32>} : memref<64xf32, #tpu.memory_space<vmem>>, vector<16xf32>,
      %get3A_749 = arith.constant 16 : index
      %get3A_750 = tpu.vector_load %arg7[%get3A_749] {strides = array<i32>} : memref<64xf32, #tpu.memory_space<vmem>>, vector<16xf32>,
      %mul3A_751 = arith.mulf %get3A_750, %mul3A_740 : vector<16xf32>
      %swap3A_752 = arith.constant 16 : index
      %swap3A_753 = tpu.vector_load %arg8[%swap3A_752] {strides = array<i32>} : memref<64xf32, #tpu.memory_space<vmem>>, vector<16xf32>,
      tpu.vector_store %arg8[%swap3A_752], %mul3A_751 {strides = array<i32>} : memref<64xf32, #tpu.memory_space<vmem>>, vector<16xf32>,
      %get3A_754 = arith.constant 32 : index
      %get3A_755 = tpu.vector_load %arg7[%get3A_754] {strides = array<i32>} : memref<64xf32, #tpu.memory_space<vmem>>, vector<16xf32>,
      %mul3A_756 = arith.mulf %get3A_755, %mul3A_740 : vector<16xf32>
      %swap3A_757 = arith.constant 32 : index
      %swap3A_758 = tpu.vector_load %arg8[%swap3A_757] {strides = array<i32>} : memref<64xf32, #tpu.memory_space<vmem>>, vector<16xf32>,
      tpu.vector_store %arg8[%swap3A_757], %mul3A_756 {strides = array<i32>} : memref<64xf32, #tpu.memory_space<vmem>>, vector<16xf32>,
      %get3A_759 = arith.constant 48 : index
      %get3A_760 = tpu.vector_load %arg7[%get3A_759] {strides = array<i32>} : memref<64xf32, #tpu.memory_space<vmem>>, vector<16xf32>,
      %mul3A_761 = arith.mulf %get3A_760, %mul3A_740 : vector<16xf32>
      %swap3A_762 = arith.constant 48 : index
      %swap3A_763 = tpu.vector_load %arg8[%swap3A_762] {strides = array<i32>} : memref<64xf32, #tpu.memory_space<vmem>>, vector<16xf32>,
      tpu.vector_store %arg8[%swap3A_762], %mul3A_761 {strides = array<i32>} : memref<64xf32, #tpu.memory_space<vmem>>, vector<16xf32>,
      %parallel_loop3A_764 = arith.constant 0 : i32
      %parallel_loop3A_765 = arith.constant 4096 : i32
      %parallel_loop3A_766 = arith.constant 16 : i32
      scf.for %parallel_loop3A_882 = %parallel_loop3A_764 to %parallel_loop3A_765 step %parallel_loop3A_766  : i32 {
        %parallel_loop3A_883 = arith.constant 1 : i32
        %parallel_loop3A_884 = arith.constant 2 : i32
        %parallel_loop3A_885 = arith.index_cast %parallel_loop3A_883 : i32 to index
        %parallel_loop3A_886 = arith.index_cast %parallel_loop3A_884 : i32 to index
        %parallel_loop3A_887 = arith.index_cast %parallel_loop3A_882 : i32 to index
        %parallel_loop3A_888 = tpu.vector_load %arg5[%parallel_loop3A_885, %parallel_loop3A_886, %parallel_loop3A_887] {strides = array<i32>} : memref<2x4x4096xf32, #tpu.memory_space<vmem>>, vector<16xf32>,
        %parallel_loop3A_889 = arith.mulf %parallel_loop3A_888, %div3A_743 : vector<16xf32>
        %parallel_loop3A_890 = arith.constant 2.400000e+01 : f32
        %parallel_loop3A_891 = vector.broadcast %parallel_loop3A_890 : f32 to vector<16xf32>
        %parallel_loop3A_892 = arith.addf %parallel_loop3A_889, %parallel_loop3A_891 : vector<16xf32>
        %parallel_loop3A_893 = arith.fptosi %parallel_loop3A_892 : vector<16xf32> to vector<16xi32>
        %parallel_loop3A_894 = tpu.vector_load_idx %arg8[%parallel_loop3A_893] : memref<64xf32, #tpu.memory_space<vmem>>[vector<16xi32>], vector<16xf32>,
        %parallel_loop3A_895 = arith.constant 1 : i32
        %parallel_loop3A_896 = arith.constant 2 : i32
        %parallel_loop3A_897 = arith.index_cast %parallel_loop3A_895 : i32 to index
        %parallel_loop3A_898 = arith.index_cast %parallel_loop3A_896 : i32 to index
        %parallel_loop3A_899 = arith.index_cast %parallel_loop3A_882 : i32 to index
        %parallel_loop3A_900 = tpu.vector_load %arg6[%parallel_loop3A_897, %parallel_loop3A_898, %parallel_loop3A_899] {strides = array<i32>} : memref<2x4x4096xf32, #tpu.memory_space<vmem>>, vector<16xf32>,
        tpu.vector_store %arg6[%parallel_loop3A_897, %parallel_loop3A_898, %parallel_loop3A_899], %parallel_loop3A_894 {strides = array<i32>} : memref<2x4x4096xf32, #tpu.memory_space<vmem>>, vector<16xf32>,
      } {sc.loop_unroll_factor = 8 : i64, sc.parallel_access}
      %broadcast_in_dim3A_767 = arith.constant 0.000000e+00 : f32
      %broadcast_in_dim3A_768 = vector.broadcast %broadcast_in_dim3A_767 : f32 to vector<16xf32>
      %parallel_loop3A_769 = arith.constant 0 : i32
      %parallel_loop3A_770 = arith.constant 4096 : i32
      %parallel_loop3A_771 = arith.constant 64 : i32
      %parallel_loop3A_772:4 = scf.for %parallel_loop3A_882 = %parallel_loop3A_769 to %parallel_loop3A_770 step %parallel_loop3A_771 iter_args(%parallel_loop3A_883 = %broadcast_in_dim3A_768, %parallel_loop3A_884 = %broadcast_in_dim3A_768, %parallel_loop3A_885 = %broadcast_in_dim3A_768, %parallel_loop3A_886 = %broadcast_in_dim3A_768) -> (vector<16xf32>, vector<16xf32>, vector<16xf32>, vector<16xf32>)  : i32 {
        %parallel_loop3A_887 = arith.constant 0 : i32
        %parallel_loop3A_888 = arith.addi %parallel_loop3A_882, %parallel_loop3A_887 : i32
        %parallel_loop3A_889 = arith.constant 1 : i32
        %parallel_loop3A_890 = arith.constant 3 : i32
        %parallel_loop3A_891 = arith.index_cast %parallel_loop3A_889 : i32 to index
        %parallel_loop3A_892 = arith.index_cast %parallel_loop3A_890 : i32 to index
        %parallel_loop3A_893 = arith.index_cast %parallel_loop3A_888 : i32 to index
        %parallel_loop3A_894 = tpu.vector_load %arg5[%parallel_loop3A_891, %parallel_loop3A_892, %parallel_loop3A_893] {strides = array<i32>} : memref<2x4x4096xf32, #tpu.memory_space<vmem>>, vector<16xf32>,
        %parallel_loop3A_895 = math.absf %parallel_loop3A_894 : vector<16xf32>
        %parallel_loop3A_896 = arith.maximumf %parallel_loop3A_883, %parallel_loop3A_895 : vector<16xf32>
        %parallel_loop3A_897 = arith.constant 16 : i32
        %parallel_loop3A_898 = arith.addi %parallel_loop3A_882, %parallel_loop3A_897 : i32
        %parallel_loop3A_899 = arith.constant 1 : i32
        %parallel_loop3A_900 = arith.constant 3 : i32
        %parallel_loop3A_901 = arith.index_cast %parallel_loop3A_899 : i32 to index
        %parallel_loop3A_902 = arith.index_cast %parallel_loop3A_900 : i32 to index
        %parallel_loop3A_903 = arith.index_cast %parallel_loop3A_898 : i32 to index
        %parallel_loop3A_904 = tpu.vector_load %arg5[%parallel_loop3A_901, %parallel_loop3A_902, %parallel_loop3A_903] {strides = array<i32>} : memref<2x4x4096xf32, #tpu.memory_space<vmem>>, vector<16xf32>,
        %parallel_loop3A_905 = math.absf %parallel_loop3A_904 : vector<16xf32>
        %parallel_loop3A_906 = arith.maximumf %parallel_loop3A_884, %parallel_loop3A_905 : vector<16xf32>
        %parallel_loop3A_907 = arith.constant 32 : i32
        %parallel_loop3A_908 = arith.addi %parallel_loop3A_882, %parallel_loop3A_907 : i32
        %parallel_loop3A_909 = arith.constant 1 : i32
        %parallel_loop3A_910 = arith.constant 3 : i32
        %parallel_loop3A_911 = arith.index_cast %parallel_loop3A_909 : i32 to index
        %parallel_loop3A_912 = arith.index_cast %parallel_loop3A_910 : i32 to index
        %parallel_loop3A_913 = arith.index_cast %parallel_loop3A_908 : i32 to index
        %parallel_loop3A_914 = tpu.vector_load %arg5[%parallel_loop3A_911, %parallel_loop3A_912, %parallel_loop3A_913] {strides = array<i32>} : memref<2x4x4096xf32, #tpu.memory_space<vmem>>, vector<16xf32>,
        %parallel_loop3A_915 = math.absf %parallel_loop3A_914 : vector<16xf32>
        %parallel_loop3A_916 = arith.maximumf %parallel_loop3A_885, %parallel_loop3A_915 : vector<16xf32>
        %parallel_loop3A_917 = arith.constant 48 : i32
        %parallel_loop3A_918 = arith.addi %parallel_loop3A_882, %parallel_loop3A_917 : i32
        %parallel_loop3A_919 = arith.constant 1 : i32
        %parallel_loop3A_920 = arith.constant 3 : i32
        %parallel_loop3A_921 = arith.index_cast %parallel_loop3A_919 : i32 to index
        %parallel_loop3A_922 = arith.index_cast %parallel_loop3A_920 : i32 to index
        %parallel_loop3A_923 = arith.index_cast %parallel_loop3A_918 : i32 to index
        %parallel_loop3A_924 = tpu.vector_load %arg5[%parallel_loop3A_921, %parallel_loop3A_922, %parallel_loop3A_923] {strides = array<i32>} : memref<2x4x4096xf32, #tpu.memory_space<vmem>>, vector<16xf32>,
        %parallel_loop3A_925 = math.absf %parallel_loop3A_924 : vector<16xf32>
        %parallel_loop3A_926 = arith.maximumf %parallel_loop3A_886, %parallel_loop3A_925 : vector<16xf32>
        scf.yield %parallel_loop3A_896, %parallel_loop3A_906, %parallel_loop3A_916, %parallel_loop3A_926 : vector<16xf32>, vector<16xf32>, vector<16xf32>, vector<16xf32>
      } {sc.loop_unroll_factor = 2 : i64, sc.parallel_access}
      %max3A_773 = arith.maximumf %parallel_loop3A_772#0, %parallel_loop3A_772#1 : vector<16xf32>
      %max3A_774 = arith.maximumf %parallel_loop3A_772#2, %parallel_loop3A_772#3 : vector<16xf32>
      %max3A_775 = arith.maximumf %max3A_773, %max3A_774 : vector<16xf32>
      %slice3A_776 = vector.extract_strided_slice %max3A_775 {offsets = [0], sizes = [1], strides = [1]} : vector<16xf32> to vector<1xf32>
      %squeeze3A_777 = vector.extract %slice3A_776[0] : f32 from vector<1xf32>
      %slice3A_778 = vector.extract_strided_slice %max3A_775 {offsets = [1], sizes = [1], strides = [1]} : vector<16xf32> to vector<1xf32>
      %squeeze3A_779 = vector.extract %slice3A_778[0] : f32 from vector<1xf32>
      %slice3A_780 = vector.extract_strided_slice %max3A_775 {offsets = [2], sizes = [1], strides = [1]} : vector<16xf32> to vector<1xf32>
      %squeeze3A_781 = vector.extract %slice3A_780[0] : f32 from vector<1xf32>
      %slice3A_782 = vector.extract_strided_slice %max3A_775 {offsets = [3], sizes = [1], strides = [1]} : vector<16xf32> to vector<1xf32>
      %squeeze3A_783 = vector.extract %slice3A_782[0] : f32 from vector<1xf32>
      %slice3A_784 = vector.extract_strided_slice %max3A_775 {offsets = [4], sizes = [1], strides = [1]} : vector<16xf32> to vector<1xf32>
      %squeeze3A_785 = vector.extract %slice3A_784[0] : f32 from vector<1xf32>
      %slice3A_786 = vector.extract_strided_slice %max3A_775 {offsets = [5], sizes = [1], strides = [1]} : vector<16xf32> to vector<1xf32>
      %squeeze3A_787 = vector.extract %slice3A_786[0] : f32 from vector<1xf32>
      %slice3A_788 = vector.extract_strided_slice %max3A_775 {offsets = [6], sizes = [1], strides = [1]} : vector<16xf32> to vector<1xf32>
      %squeeze3A_789 = vector.extract %slice3A_788[0] : f32 from vector<1xf32>
      %slice3A_790 = vector.extract_strided_slice %max3A_775 {offsets = [7], sizes = [1], strides = [1]} : vector<16xf32> to vector<1xf32>
      %squeeze3A_791 = vector.extract %slice3A_790[0] : f32 from vector<1xf32>
      %slice3A_792 = vector.extract_strided_slice %max3A_775 {offsets = [8], sizes = [1], strides = [1]} : vector<16xf32> to vector<1xf32>
      %squeeze3A_793 = vector.extract %slice3A_792[0] : f32 from vector<1xf32>
      %slice3A_794 = vector.extract_strided_slice %max3A_775 {offsets = [9], sizes = [1], strides = [1]} : vector<16xf32> to vector<1xf32>
      %squeeze3A_795 = vector.extract %slice3A_794[0] : f32 from vector<1xf32>
      %slice3A_796 = vector.extract_strided_slice %max3A_775 {offsets = [10], sizes = [1], strides = [1]} : vector<16xf32> to vector<1xf32>
      %squeeze3A_797 = vector.extract %slice3A_796[0] : f32 from vector<1xf32>
      %slice3A_798 = vector.extract_strided_slice %max3A_775 {offsets = [11], sizes = [1], strides = [1]} : vector<16xf32> to vector<1xf32>
      %squeeze3A_799 = vector.extract %slice3A_798[0] : f32 from vector<1xf32>
      %slice3A_800 = vector.extract_strided_slice %max3A_775 {offsets = [12], sizes = [1], strides = [1]} : vector<16xf32> to vector<1xf32>
      %squeeze3A_801 = vector.extract %slice3A_800[0] : f32 from vector<1xf32>
      %slice3A_802 = vector.extract_strided_slice %max3A_775 {offsets = [13], sizes = [1], strides = [1]} : vector<16xf32> to vector<1xf32>
      %squeeze3A_803 = vector.extract %slice3A_802[0] : f32 from vector<1xf32>
      %slice3A_804 = vector.extract_strided_slice %max3A_775 {offsets = [14], sizes = [1], strides = [1]} : vector<16xf32> to vector<1xf32>
      %squeeze3A_805 = vector.extract %slice3A_804[0] : f32 from vector<1xf32>
      %slice3A_806 = vector.extract_strided_slice %max3A_775 {offsets = [15], sizes = [1], strides = [1]} : vector<16xf32> to vector<1xf32>
      %squeeze3A_807 = vector.extract %slice3A_806[0] : f32 from vector<1xf32>
      %max3A_808 = arith.maximumf %squeeze3A_777, %squeeze3A_779 : f32
      %max3A_809 = arith.maximumf %squeeze3A_781, %squeeze3A_783 : f32
      %max3A_810 = arith.maximumf %squeeze3A_785, %squeeze3A_787 : f32
      %max3A_811 = arith.maximumf %squeeze3A_789, %squeeze3A_791 : f32
      %max3A_812 = arith.maximumf %squeeze3A_793, %squeeze3A_795 : f32
      %max3A_813 = arith.maximumf %squeeze3A_797, %squeeze3A_799 : f32
      %max3A_814 = arith.maximumf %squeeze3A_801, %squeeze3A_803 : f32
      %max3A_815 = arith.maximumf %squeeze3A_805, %squeeze3A_807 : f32
      %max3A_816 = arith.maximumf %max3A_808, %max3A_809 : f32
      %max3A_817 = arith.maximumf %max3A_810, %max3A_811 : f32
      %max3A_818 = arith.maximumf %max3A_812, %max3A_813 : f32
      %max3A_819 = arith.maximumf %max3A_814, %max3A_815 : f32
      %max3A_820 = arith.maximumf %max3A_816, %max3A_817 : f32
      %max3A_821 = arith.maximumf %max3A_818, %max3A_819 : f32
      %max3A_822 = arith.maximumf %max3A_820, %max3A_821 : f32
      %broadcast_in_dim3A_823 = vector.broadcast %max3A_822 : f32 to vector<16xf32>
      %gt3A_824 = arith.constant 0.000000e+00 : f32
      %gt3A_825 = vector.broadcast %gt3A_824 : f32 to vector<16xf32>
      %gt3A_826 = arith.cmpf ogt, %broadcast_in_dim3A_823, %gt3A_825 : vector<16xf32>
      %jit3A_827 = arith.constant 1.000000e+00 : f32
      %broadcast_in_dim3A_828 = vector.broadcast %jit3A_827 : f32 to vector<16xf32>
      %select_n3A_829 = arith.select %gt3A_826, %broadcast_in_dim3A_823, %broadcast_in_dim3A_828 : vector<16xi1>, vector<16xf32>
      %mul3A_830 = arith.constant 0.166666672 : f32
      %mul3A_831 = vector.broadcast %mul3A_830 : f32 to vector<16xf32>
      %mul3A_832 = arith.mulf %select_n3A_829, %mul3A_831 : vector<16xf32>
      %div3A_833 = arith.constant 2.400000e+01 : f32
      %div3A_834 = vector.broadcast %div3A_833 : f32 to vector<16xf32>
      %div3A_835 = arith.divf %div3A_834, %select_n3A_829 : vector<16xf32>
      %get3A_836 = arith.constant 0 : index
      %get3A_837 = tpu.vector_load %arg7[%get3A_836] {strides = array<i32>} : memref<64xf32, #tpu.memory_space<vmem>>, vector<16xf32>,
      %mul3A_838 = arith.mulf %get3A_837, %mul3A_832 : vector<16xf32>
      %swap3A_839 = arith.constant 0 : index
      %swap3A_840 = tpu.vector_load %arg8[%swap3A_839] {strides = array<i32>} : memref<64xf32, #tpu.memory_space<vmem>>, vector<16xf32>,
      tpu.vector_store %arg8[%swap3A_839], %mul3A_838 {strides = array<i32>} : memref<64xf32, #tpu.memory_space<vmem>>, vector<16xf32>,
      %get3A_841 = arith.constant 16 : index
      %get3A_842 = tpu.vector_load %arg7[%get3A_841] {strides = array<i32>} : memref<64xf32, #tpu.memory_space<vmem>>, vector<16xf32>,
      %mul3A_843 = arith.mulf %get3A_842, %mul3A_832 : vector<16xf32>
      %swap3A_844 = arith.constant 16 : index
      %swap3A_845 = tpu.vector_load %arg8[%swap3A_844] {strides = array<i32>} : memref<64xf32, #tpu.memory_space<vmem>>, vector<16xf32>,
      tpu.vector_store %arg8[%swap3A_844], %mul3A_843 {strides = array<i32>} : memref<64xf32, #tpu.memory_space<vmem>>, vector<16xf32>,
      %get3A_846 = arith.constant 32 : index
      %get3A_847 = tpu.vector_load %arg7[%get3A_846] {strides = array<i32>} : memref<64xf32, #tpu.memory_space<vmem>>, vector<16xf32>,
      %mul3A_848 = arith.mulf %get3A_847, %mul3A_832 : vector<16xf32>
      %swap3A_849 = arith.constant 32 : index
      %swap3A_850 = tpu.vector_load %arg8[%swap3A_849] {strides = array<i32>} : memref<64xf32, #tpu.memory_space<vmem>>, vector<16xf32>,
      tpu.vector_store %arg8[%swap3A_849], %mul3A_848 {strides = array<i32>} : memref<64xf32, #tpu.memory_space<vmem>>, vector<16xf32>,
      %get3A_851 = arith.constant 48 : index
      %get3A_852 = tpu.vector_load %arg7[%get3A_851] {strides = array<i32>} : memref<64xf32, #tpu.memory_space<vmem>>, vector<16xf32>,
      %mul3A_853 = arith.mulf %get3A_852, %mul3A_832 : vector<16xf32>
      %swap3A_854 = arith.constant 48 : index
      %swap3A_855 = tpu.vector_load %arg8[%swap3A_854] {strides = array<i32>} : memref<64xf32, #tpu.memory_space<vmem>>, vector<16xf32>,
      tpu.vector_store %arg8[%swap3A_854], %mul3A_853 {strides = array<i32>} : memref<64xf32, #tpu.memory_space<vmem>>, vector<16xf32>,
      %parallel_loop3A_856 = arith.constant 0 : i32
      %parallel_loop3A_857 = arith.constant 4096 : i32
      %parallel_loop3A_858 = arith.constant 16 : i32
      scf.for %parallel_loop3A_882 = %parallel_loop3A_856 to %parallel_loop3A_857 step %parallel_loop3A_858  : i32 {
        %parallel_loop3A_883 = arith.constant 1 : i32
        %parallel_loop3A_884 = arith.constant 3 : i32
        %parallel_loop3A_885 = arith.index_cast %parallel_loop3A_883 : i32 to index
        %parallel_loop3A_886 = arith.index_cast %parallel_loop3A_884 : i32 to index
        %parallel_loop3A_887 = arith.index_cast %parallel_loop3A_882 : i32 to index
        %parallel_loop3A_888 = tpu.vector_load %arg5[%parallel_loop3A_885, %parallel_loop3A_886, %parallel_loop3A_887] {strides = array<i32>} : memref<2x4x4096xf32, #tpu.memory_space<vmem>>, vector<16xf32>,
        %parallel_loop3A_889 = arith.mulf %parallel_loop3A_888, %div3A_835 : vector<16xf32>
        %parallel_loop3A_890 = arith.constant 2.400000e+01 : f32
        %parallel_loop3A_891 = vector.broadcast %parallel_loop3A_890 : f32 to vector<16xf32>
        %parallel_loop3A_892 = arith.addf %parallel_loop3A_889, %parallel_loop3A_891 : vector<16xf32>
        %parallel_loop3A_893 = arith.fptosi %parallel_loop3A_892 : vector<16xf32> to vector<16xi32>
        %parallel_loop3A_894 = tpu.vector_load_idx %arg8[%parallel_loop3A_893] : memref<64xf32, #tpu.memory_space<vmem>>[vector<16xi32>], vector<16xf32>,
        %parallel_loop3A_895 = arith.constant 1 : i32
        %parallel_loop3A_896 = arith.constant 3 : i32
        %parallel_loop3A_897 = arith.index_cast %parallel_loop3A_895 : i32 to index
        %parallel_loop3A_898 = arith.index_cast %parallel_loop3A_896 : i32 to index
        %parallel_loop3A_899 = arith.index_cast %parallel_loop3A_882 : i32 to index
        %parallel_loop3A_900 = tpu.vector_load %arg6[%parallel_loop3A_897, %parallel_loop3A_898, %parallel_loop3A_899] {strides = array<i32>} : memref<2x4x4096xf32, #tpu.memory_space<vmem>>, vector<16xf32>,
        tpu.vector_store %arg6[%parallel_loop3A_897, %parallel_loop3A_898, %parallel_loop3A_899], %parallel_loop3A_894 {strides = array<i32>} : memref<2x4x4096xf32, #tpu.memory_space<vmem>>, vector<16xf32>,
      } {sc.loop_unroll_factor = 8 : i64, sc.parallel_access}
      %mul3A_859 = arith.constant 4 : i32
      %mul3A_860 = arith.muli %add3A_470, %mul3A_859 : i32
      %add3A_861 = arith.addi %mul3A_2, %mul3A_860 : i32
      %dma_start3A_862 = arith.constant 1 : i32
      %dma_start3A_863 = arith.constant 0 : i32
      %dma_start3A_864 = arith.constant 0 : i32
      %dma_start3A_865 = tpu.memref_slice %arg6[%dma_start3A_862, %dma_start3A_863, %dma_start3A_864] : memref<2x4x4096xf32, #tpu.memory_space<vmem>> -> memref<1x4x4096xf32, #tpu.memory_space<vmem>>
      %dma_start3A_866 = tpu.memref_squeeze %dma_start3A_865 : memref<1x4x4096xf32, #tpu.memory_space<vmem>> -> memref<4x4096xf32, #tpu.memory_space<vmem>>
      %dma_start3A_867 = arith.constant 0 : i32
      %dma_start3A_868 = tpu.memref_slice %arg4[%add3A_861, %dma_start3A_867] : memref<4096x4096xf32, #tpu.memory_space<hbm>> -> memref<4x4096xf32, #tpu.memory_space<hbm>>
      %dma_start3A_869 = arith.constant 0 : i32
      %dma_start3A_870 = tpu.memref_slice %arg4[%add3A_861, %dma_start3A_869] : memref<4096x4096xf32, #tpu.memory_space<hbm>> -> memref<4x4096xf32, #tpu.memory_space<hbm>>
      %dma_start3A_871 = arith.constant 0 : i32
      %dma_start3A_872 = arith.constant 0 : i32
      %dma_start3A_873 = tpu.memref_slice %arg6[%dma_start3A_862, %dma_start3A_871, %dma_start3A_872] : memref<2x4x4096xf32, #tpu.memory_space<vmem>> -> memref<1x4x4096xf32, #tpu.memory_space<vmem>>
      %dma_start3A_874 = tpu.memref_squeeze %dma_start3A_873 : memref<1x4x4096xf32, #tpu.memory_space<vmem>> -> memref<4x4096xf32, #tpu.memory_space<vmem>>
      tpu.enqueue_dma source(%dma_start3A_874 : memref<4x4096xf32, #tpu.memory_space<vmem>>) target(%dma_start3A_870 : memref<4x4096xf32, #tpu.memory_space<hbm>>) target_semaphore(%arg12 : memref<!tpu.dma_semaphore, #tpu.memory_space<semaphore_mem>>)
      %add3A_875 = arith.constant 2 : i32
      %add3A_876 = arith.addi %add3A_470, %add3A_875 : i32
      %lt3A_877 = arith.constant 32 : i32
      %lt3A_878 = arith.cmpi slt, %add3A_876, %lt3A_877 : i32
      %convert_element_type3A_879 = arith.extui %lt3A_878 : i1 to i32
      %cond3A_880 = arith.constant 0 : i32
      %cond3A_881 = arith.cmpi ne, %convert_element_type3A_879, %cond3A_880 : i32
      scf.if %cond3A_881 {
        %add3A_882 = arith.constant 2 : i32
        %add3A_883 = arith.addi %add3A_470, %add3A_882 : i32
        %mul3A_884 = arith.constant 4 : i32
        %mul3A_885 = arith.muli %add3A_883, %mul3A_884 : i32
        %add3A_886 = arith.addi %mul3A_2, %mul3A_885 : i32
        %dma_start3A_887 = arith.constant 1 : i32
        %dma_start3A_888 = arith.constant 0 : i32
        %dma_start3A_889 = arith.constant 0 : i32
        %dma_start3A_890 = tpu.memref_slice %arg5[%dma_start3A_887, %dma_start3A_888, %dma_start3A_889] : memref<2x4x4096xf32, #tpu.memory_space<vmem>> -> memref<1x4x4096xf32, #tpu.memory_space<vmem>>
        %dma_start3A_891 = tpu.memref_squeeze %dma_start3A_890 : memref<1x4x4096xf32, #tpu.memory_space<vmem>> -> memref<4x4096xf32, #tpu.memory_space<vmem>>
        %dma_start3A_892 = arith.constant 0 : i32
        %dma_start3A_893 = tpu.memref_slice %arg2[%add3A_886, %dma_start3A_892] : memref<4096x4096xf32, #tpu.memory_space<hbm>> -> memref<4x4096xf32, #tpu.memory_space<hbm>>
        %dma_start3A_894 = arith.constant 0 : i32
        %dma_start3A_895 = arith.constant 0 : i32
        %dma_start3A_896 = tpu.memref_slice %arg5[%dma_start3A_887, %dma_start3A_894, %dma_start3A_895] : memref<2x4x4096xf32, #tpu.memory_space<vmem>> -> memref<1x4x4096xf32, #tpu.memory_space<vmem>>
        %dma_start3A_897 = tpu.memref_squeeze %dma_start3A_896 : memref<1x4x4096xf32, #tpu.memory_space<vmem>> -> memref<4x4096xf32, #tpu.memory_space<vmem>>
        %dma_start3A_898 = arith.constant 0 : i32
        %dma_start3A_899 = tpu.memref_slice %arg2[%add3A_886, %dma_start3A_898] : memref<4096x4096xf32, #tpu.memory_space<hbm>> -> memref<4x4096xf32, #tpu.memory_space<hbm>>
        tpu.enqueue_dma source(%dma_start3A_899 : memref<4x4096xf32, #tpu.memory_space<hbm>>) target(%dma_start3A_897 : memref<4x4096xf32, #tpu.memory_space<vmem>>) target_semaphore(%arg10 : memref<!tpu.dma_semaphore, #tpu.memory_space<semaphore_mem>>)
      } else {
      }
    }
    %scan3A_36 = arith.constant 16 : i32
    %dma_wait3A = arith.constant 0 : i32
    %dma_wait3A_37 = arith.constant 0 : i32
    %dma_wait3A_38 = arith.constant 0 : i32
    %dma_wait3A_39 = tpu.memref_slice %arg6[%dma_wait3A, %dma_wait3A_37, %dma_wait3A_38] : memref<2x4x4096xf32, #tpu.memory_space<vmem>> -> memref<1x4x4096xf32, #tpu.memory_space<vmem>>
    %dma_wait3A_40 = tpu.memref_squeeze %dma_wait3A_39 : memref<1x4x4096xf32, #tpu.memory_space<vmem>> -> memref<4x4096xf32, #tpu.memory_space<vmem>>
    %dma_wait3A_41 = arith.constant 0 : i32
    %dma_wait3A_42 = arith.constant 0 : i32
    %dma_wait3A_43 = tpu.memref_slice %arg4[%dma_wait3A_41, %dma_wait3A_42] : memref<4096x4096xf32, #tpu.memory_space<hbm>> -> memref<4x4096xf32, #tpu.memory_space<hbm>>
    %dma_wait3A_44 = arith.constant 0 : i32
    %dma_wait3A_45 = arith.constant 0 : i32
    %dma_wait3A_46 = tpu.memref_slice %arg4[%dma_wait3A_44, %dma_wait3A_45] : memref<4096x4096xf32, #tpu.memory_space<hbm>> -> memref<4x4096xf32, #tpu.memory_space<hbm>>
    %dma_wait3A_47 = arith.constant 0 : i32
    %dma_wait3A_48 = arith.constant 0 : i32
    %dma_wait3A_49 = tpu.memref_slice %arg6[%dma_wait3A, %dma_wait3A_47, %dma_wait3A_48] : memref<2x4x4096xf32, #tpu.memory_space<vmem>> -> memref<1x4x4096xf32, #tpu.memory_space<vmem>>
    %dma_wait3A_50 = tpu.memref_squeeze %dma_wait3A_49 : memref<1x4x4096xf32, #tpu.memory_space<vmem>> -> memref<4x4096xf32, #tpu.memory_space<vmem>>
    tpu.wait_dma2 semaphore(%arg11 : memref<!tpu.dma_semaphore, #tpu.memory_space<semaphore_mem>>) src(%dma_wait3A_50 : memref<4x4096xf32, #tpu.memory_space<vmem>>) dst(%dma_wait3A_46 : memref<4x4096xf32, #tpu.memory_space<hbm>>)
    %dma_wait3A_51 = arith.constant 1 : i32
    %dma_wait3A_52 = arith.constant 0 : i32
    %dma_wait3A_53 = arith.constant 0 : i32
    %dma_wait3A_54 = tpu.memref_slice %arg6[%dma_wait3A_51, %dma_wait3A_52, %dma_wait3A_53] : memref<2x4x4096xf32, #tpu.memory_space<vmem>> -> memref<1x4x4096xf32, #tpu.memory_space<vmem>>
    %dma_wait3A_55 = tpu.memref_squeeze %dma_wait3A_54 : memref<1x4x4096xf32, #tpu.memory_space<vmem>> -> memref<4x4096xf32, #tpu.memory_space<vmem>>
    %dma_wait3A_56 = arith.constant 0 : i32
    %dma_wait3A_57 = arith.constant 0 : i32
    %dma_wait3A_58 = tpu.memref_slice %arg4[%dma_wait3A_56, %dma_wait3A_57] : memref<4096x4096xf32, #tpu.memory_space<hbm>> -> memref<4x4096xf32, #tpu.memory_space<hbm>>
    %dma_wait3A_59 = arith.constant 0 : i32
    %dma_wait3A_60 = arith.constant 0 : i32
    %dma_wait3A_61 = tpu.memref_slice %arg4[%dma_wait3A_59, %dma_wait3A_60] : memref<4096x4096xf32, #tpu.memory_space<hbm>> -> memref<4x4096xf32, #tpu.memory_space<hbm>>
    %dma_wait3A_62 = arith.constant 0 : i32
    %dma_wait3A_63 = arith.constant 0 : i32
    %dma_wait3A_64 = tpu.memref_slice %arg6[%dma_wait3A_51, %dma_wait3A_62, %dma_wait3A_63] : memref<2x4x4096xf32, #tpu.memory_space<vmem>> -> memref<1x4x4096xf32, #tpu.memory_space<vmem>>
    %dma_wait3A_65 = tpu.memref_squeeze %dma_wait3A_64 : memref<1x4x4096xf32, #tpu.memory_space<vmem>> -> memref<4x4096xf32, #tpu.memory_space<vmem>>
    tpu.wait_dma2 semaphore(%arg12 : memref<!tpu.dma_semaphore, #tpu.memory_space<semaphore_mem>>) src(%dma_wait3A_65 : memref<4x4096xf32, #tpu.memory_space<vmem>>) dst(%dma_wait3A_61 : memref<4x4096xf32, #tpu.memory_space<hbm>>)
    return
  }
}

</mosaic_0001>

<sc_bundles>
// kernel: kernel.3.cloned.1.call-start
scs
__scs_entry_jumppad:
0x0: {  	(pc) =	sbr.rel $0x88, $3  }
0x1: {  	(tag) =	ssettag $0x0;
	lr =	simm.s32 $0x1  }
0x2: {  	[smem:$0x3FA0] =	sst lr;
	_ =	strace $0xD0000000  }
0x3: {  	_ = 	snop  }
0x4: {  	_ = 	snop  }
0x5: {  	_ = 	snop  }
0x6: {  	_ = 	snop  }
0x7: {  	_ = 	snop  }
__scs_overlays_trampoline_lowered:
0x8: {  	[smem:$0x3FAF] =	sst s0  }
0x9: {  	[smem:$0x3FB0] =	sst s1  }
0xa: {  	[smem:$0x3FB1] =	sst s2  }
0xb: {  	[smem:$0x3FB2] =	sst s3  }
0xc: {  	[smem:$0x3FB3] =	sst s4  }
0xd: {  	[smem:$0x3FB4] =	sst s5  }
0xe: {  	[smem:$0x3FB5] =	sst s6  }
0xf: {  	[smem:$0x3FB6] =	sst s7  }
0x10: {  	[smem:$0x3FB7] =	sst s8  }
0x11: {  	[smem:$0x3FB8] =	sst s9;
	s0 =	simm.s32 @!p0 $0x0  }
0x12: {  	s1 =	sld [smem:$0x3F9E];
	s0 =	simm.s32 @p0 $0x1  }
0x13: {  	[smem:$0x3FB9] =	sst s0;
	s0 =	simm.s32 @!p1 $0x0  }
0x14: {  	s2 =	sld [smem:$0x3F9D];
	s0 =	simm.s32 @p1 $0x1  }
0x15: {  	[smem:$0x3FBA] =	sst s0;
	s0 =	simm.s32 @!p2 $0x0  }
0x16: {  	s3 =	sld [smem:$0x3FDB];
	s0 =	simm.s32 @p2 $0x1  }
0x17: {  	s4 =	simm.s32 $0x1BF5;
	[smem:$0x3FBC] =	sst s0  }
0x18: {  	s0 =	sld [smem:$0x3F9F];
	_ =	swait.ge [sflag:s4], $0x0  }
0x19: {  	s7 =	sld [smem:$0x3FA0]  }
0x1a: {  	s8 =	sadd.s32 $0xFFFFE003, lr  }
0x1b: {  	s9 =	sadd.s32 $0xFFFFFEF7, lr;
	s5 =	simm.s32 $0xFFFFFFFF;
	p2 =	slt.u32 s8, $0xFFFFF086  }
0x1c: {  	p1 =	slt.u32 s9, $0xF7A;
	s5 =	simm.s32 @!p2 $0x0  }
0x1d: {  	s5 =	simm.s32 @p1 $0x1;
	p0 =	seq.s32 s7, s2  }
0x1e: {  	s7 =	smul.u32 @!p0 $0xF7A, s2;
	p2 =	seq.s32 @!p0 s5, $0x0  }
0x1f: {  	s9 =	smul.u32 $0xF7A, s1;
	s8 =	simm.s32 @!p0 $0x1BF5;
	p2 =	por !p2, p0  }
0x20: {  	[sflag:s8] =	ssyncset.s32 @!p0 $0xFFFFF086;
	s6 =	sadd.s32 @!p0 s3, s7;
	s7 =	simm.s32 @!p0 $0x108  }
0x21: {  	s3 =	sadd.s32 s3, s9;
	s6 =	sadd.s32 @!p0 $0x88, s6;
	s7 =	simm.s32 @p2 $0x1082  }
0x22: {  	[simem:s7], [sflag:s8] =	dma.local @!p0 [hbm:s6], $0xF7A  }
0x23: {  	s9 =	sor.u32 $0xD0000000, s2;
	s6 =	simm.s32 $0x108;
	_ =	swait.ge @!p0 [sflag:s8], $0x0  }
0x24: {  	s3 =	sadd.s32 $0x88, s3;
	s6 =	simm.s32 @!p1 $0x1082;
	[sflag:s4] =	ssyncset.s32 $0xFFFFF086  }
0x25: {  	[simem:s6], [sflag:s4] =	dma.local [hbm:s3], $0xF7A  }
0x26: {  	[smem:$0x3FA0] =	sst s1;
	(tag) =	ssettag s2;
	_ =	strace s9  }
0x27: {  	s1 =	sld [smem:$0x3FB0]  }
0x28: {  	s2 =	sld [smem:$0x3FB1]  }
0x29: {  	s4 =	sld [smem:$0x3FB3]  }
0x2a: {  	p0 =	seq.s32 s5, $0x0;
	s5 =	sld [smem:$0x3FB4]  }
0x2b: {  	s6 =	sld [smem:$0x3FB5]  }
0x2c: {  	s7 =	sld [smem:$0x3FB6]  }
0x2d: {  	s3 =	simm.s32 $0x108;
	s8 =	sld [smem:$0x3FB7]  }
0x2e: {  	s3 =	simm.s32 @!p0 $0x1082;
	s9 =	sld [smem:$0x3FB8]  }
0x2f: {  	lr =	sadd.s32 s0, s3;
	s0 =	sld [smem:$0x3FAF]  }
0x30: {  	s3 =	sld [smem:$0x3FB2]  }
0x31: {  	[smem:$0x3FBB] =	sst s10  }
0x32: {  	s10 =	sld [smem:$0x3FB9];
	_ =	sdelay $0x3  }
0x33: {  	p0 =	seq.s32 s10, $0x1;
	s10 =	sld [smem:$0x3FBB];
	_ =	sdelay $0x3  }
0x34: {  	[smem:$0x3FBB] =	sst s10  }
0x35: {  	s10 =	sld [smem:$0x3FBA];
	_ =	sdelay $0x3  }
0x36: {  	p1 =	seq.s32 s10, $0x1;
	s10 =	sld [smem:$0x3FBB];
	_ =	sdelay $0x3  }
0x37: {  	[smem:$0x3FBB] =	sst s10  }
0x38: {  	s10 =	sld [smem:$0x3FBC]  }
0x39: {  	_ = 	snop;
	(pc) =	sbr.ind lr, $3  }
0x3a: {  	_ = 	snop  }
0x3b: {  	_ = 	snop  }
0x3c: {  	p2 =	seq.s32 s10, $0x1;
	s10 =	sld [smem:$0x3FBB]  }
0x3d: {  	_ =	shalt  }
0x3e: {  	_ =	shalt  }
0x3f: {  	_ =	shalt  }
0x40: {  	_ =	shalt  }
0x41: {  	_ =	shalt  }
0x42: {  	_ =	shalt  }
0x43: {  	_ =	shalt  }
0x44: {  	_ =	shalt  }
0x45: {  	_ =	shalt  }
0x46: {  	_ =	shalt  }
0x47: {  	_ =	shalt  }
0x48: {  	_ =	shalt  }
0x49: {  	_ =	shalt  }
0x4a: {  	_ =	shalt  }
0x4b: {  	_ =	shalt  }
0x4c: {  	_ =	shalt  }
0x4d: {  	_ =	shalt  }
0x4e: {  	_ =	shalt  }
0x4f: {  	_ =	shalt  }
0x50: {  	_ =	shalt  }
0x51: {  	_ =	shalt  }
0x52: {  	_ =	shalt  }
0x53: {  	_ =	shalt  }
0x54: {  	_ =	shalt  }
0x55: {  	_ =	shalt  }
0x56: {  	_ =	shalt  }
0x57: {  	_ =	shalt  }
0x58: {  	_ =	shalt  }
0x59: {  	_ =	shalt  }
0x5a: {  	_ =	shalt  }
0x5b: {  	_ =	shalt  }
0x5c: {  	_ =	shalt  }
0x5d: {  	_ =	shalt  }
0x5e: {  	_ =	shalt  }
0x5f: {  	_ =	shalt  }
0x60: {  	_ =	shalt  }
0x61: {  	_ =	shalt  }
0x62: {  	_ =	shalt  }
0x63: {  	_ =	shalt  }
0x64: {  	_ =	shalt  }
0x65: {  	_ =	shalt  }
0x66: {  	_ =	shalt  }
0x67: {  	_ =	shalt  }
0x68: {  	_ =	shalt  }
0x69: {  	_ =	shalt  }
0x6a: {  	_ =	shalt  }
0x6b: {  	_ =	shalt  }
0x6c: {  	_ =	shalt  }
0x6d: {  	_ =	shalt  }
0x6e: {  	_ =	shalt  }
0x6f: {  	_ =	shalt  }
0x70: {  	_ =	shalt  }
0x71: {  	_ =	shalt  }
0x72: {  	_ =	shalt  }
0x73: {  	_ =	shalt  }
0x74: {  	_ =	shalt  }
0x75: {  	_ =	shalt  }
0x76: {  	_ =	shalt  }
0x77: {  	_ =	shalt  }
0x78: {  	_ =	shalt  }
0x79: {  	_ =	shalt  }
0x7a: {  	_ =	shalt  }
0x7b: {  	_ =	shalt  }
0x7c: {  	_ =	shalt  }
0x7d: {  	_ =	shalt  }
0x7e: {  	_ =	shalt  }
0x7f: {  	_ =	shalt  }
0x80: {  	_ =	shalt  }
0x81: {  	_ =	shalt  }
0x82: {  	_ =	shalt  }
0x83: {  	_ =	shalt  }
0x84: {  	_ =	shalt  }
0x85: {  	_ =	shalt  }
0x86: {  	_ =	shalt  }
0x87: {  	_ =	shalt  }
.Lfunc_end0:
.L_simem_size_0:
called_computation_lowered:
.L_overlay_start_0:
0x88: {  	s2 =	sld [smem:$0x3FD9]  }
0x89: {  	s3 =	sld [smem:$0x3FFE];
	_ =	sdelay $0x1  }
0x8a: {  	s1 =	srdreg.scid  }
0x8b: {  	s0 =	sand.u32 $0x1, s1  }
0x8c: {  	s17 =	sshll.u32 s0, $0xA;
	s2 =	sadd.s32 s3, s2  }
0x8d: {  	s2 =	sadd.s32 s2, s17  }
0x8e: {  	[smem:$0x3FC7] =	sst s2  }
0x8f: {  	_ = 	snop  }
0x90: {  	s2 =	sld [smem:$0x3FC9]  }
0x91: {  	s18 =	sld [smem:$0x3FD0];
	(tm) =	ssettm $0x1  }
0x92: {  	s4 =	sld [smem:$0x3FFB];
	_ =	sdelay $0x3  }
0x93: {  	_ =	strace s4  }
0x94: {  	s4 =	sld [smem:$0x3FFC];
	_ =	sdelay $0x3  }
0x95: {  	_ =	strace s4  }
0x96: {  	s4 =	sld [smem:$0x3FFD];
	_ =	sdelay $0x3  }
0x97: {  	_ =	strace s4  }
0x98: {  	_ =	strace $0x8FFFFFFF  }
0x99: {  	s19 =	sld [smem:$0x3FDB];
	_ =	sdelay $0x1  }
0x9a: {  	s5 =	simm.s32 $_scs_section_size  }
0x9b: {  	s6 =	simm.s32 $_size__tile_overlayer_lowered;
	s7 =	simm.s32 $_tile_overlayer_lowered  }
0x9c: {  	s22 =	simm.s32 $0x1BFF;
	s21 =	sshll.u32 s7, $0x1;
	s4 =	sadd.s32 s5, s19  }
0x9d: {  	s8 =	simm.s32 $0x0;
	s20 =	sshll.u32 s6, $0x1;
	s6 =	sadd.s32 s21, s4  }
0x9e: {  	[timem:s8], [sflag:s22] =	dma.local [hbm:s6], s20  }
0x9f: {  	_ =	swait.ge [sflag:s22], s20  }
0xa0: {  	s5 =	ssub.s32 $0x0, s20;
	[sflag:s22] =	ssyncset.done $0x0  }
0xa1: {  	[sflag:s22] =	ssyncadd.s32 s5;
	_ =	sdelay $0x1  }
0xa2: {  	s23 =	simm.s32 $0x1B8B  }
0xa3: {  	_ =	swait.ge [sflag:s23], $0x1  }
0xa4: {  	[sflag:s23] =	ssyncset.done $0x0  }
0xa5: {  	s25 =	simm.s32 $0x1B8E;
	s24 =	sld [smem:$0x3FFE];
	[sflag:s23] =	ssyncadd.s32 $0xFFFFFFFF  }
0xa6: {  	s26 =	simm.s32 $execute0_lowered;
	[smem:$0x3FD2] =	sst s25  }
0xa7: {  	s6 =	sshll.u32 s26, $0x1;
	_ =	strace $0x80000046;
	[dreg:$0x1] =	wrdreg $0xFFFFFFFF  }
0xa8: {  	s28 =	simm.s32 $_size_execute0_lowered;
	s4 =	sadd.s32 s4, s6;
	[dreg:$0x0] =	wrdreg $0x0  }
0xa9: {  	s6 =	sshll.u32 s28, $0x1;
	[dreg:$0x2] =	wrdreg s4  }
0xaa: {  	[dreg:$0x3] =	wrdreg s6  }
0xab: {  	[dreg:$0x4] =	wrdreg $0xC0  }
0xac: {  	_ =	task [dreg:s8], $0x5FFFF  }
0xad: {  	[dreg:$0x1] =	wrdreg $0xFFFFFFFF  }
0xae: {  	[dreg:$0x0] =	wrdreg $0x60  }
0xaf: {  	[dreg:$0x2] =	wrdreg s2  }
0xb0: {  	[dreg:$0x3] =	wrdreg s24  }
0xb1: {  	[dreg:$0x4] =	wrdreg s18  }
0xb2: {  	[dreg:$0x5] =	wrdreg $0x9  }
0xb3: {  	_ =	task.clear_ibuf [dreg:s8], $0x6FFFF;
	_ =	strace $0x90000046  }
0xb4: {  	s29 =	simm.s32 $0x9;
	_ =	strace $0x80000048  }
0xb5: {  	_ =	swait.ge [sflag:s29], $0x1  }
0xb6: {  	[sflag:s29] =	ssyncadd.s32 $0xFFFFFFFF  }
0xb7: {  	_ =	strace $0x90000048  }
0xb8: {  	_ =	sfence  }
0xb9: {  	s30 =	sld [smem:$0x0];
	_ =	sdelay $0x2  }
0xba: {  	s31 =	sshll.u32 s1, $0xD;
	s1 =	sshrl.u32 s1, $0x2  }
0xbb: {  	s3 =	sand.u32 $0x4000, s31;
	s1 =	sadd.s32 s1, s30  }
0xbc: {  	s0 =	sor.u32 s3, s0;
	s1 =	sshll.u32 s1, $0x11  }
0xbd: {  	s0 =	sor.u32 s1, s0  }
0xbe: {  	s0 =	sadd.s32 $0x8F2B, s0  }
0xbf: {  	[sflag:s0] =	ssyncadd.remote.s32 $0x1  }
0xc0: {  	_ =	sfence.sel $0xFFFF  }
0xc1: {  	[dreg:$0x0] =	wrdreg $0xFFFFFFFF;
	(pc) =	sbr.abs _section_cstart, $3  }
0xc2: {  	[dreg:$0x1] =	wrdreg $0xFFFFFFFF  }
0xc3: {  	_ =	task.clear_ibuf [dreg:s8], $0x2FFFF;
	_ =	strace $0x9FFFFFFF  }
0xc4: {  	(tm) =	ssettm $0x7FFFFFFF  }
0xc5: {  	_ =	shalt  }
tec
execute0_lowered:
.L_overlay_start_1:
0x0: {  	(tag) =	ssettag $0x1  }
0x1: {  	s0 =	rddreg [dreg:$0x0];
	s1 =	srdreg.scid  }
0x2: {  	s6 =	rddreg [dreg:$0x1];
	s2 =	stileid.u32  }
0x3: {  	s3 =	rddreg [dreg:$0x2];
	s25 =	simm.s32 $0x0;
	s15 =	simm.s32 $0x200  }
0x4: {  	s16 =	simm.s32 $0x400;
	s18 =	simm.s32 $0x1;
	s19 =	simm.s32 $0x10080  }
0x5: {  	s20 =	simm.s32 $0x8000;
	s21 =	simm.s32 $0x2;
	s22 =	simm.s32 $0x4  }
0x6: {  	s23 =	simm.s32 $0xC000;
	s1 =	sand.u32 $0x1, s1;
	s4 =	sshll.u32 s2, $0x8  }
0x7: {  	[smem:$0x7FF] =	sst s25;
	s28 =	sadd.s32 $0x400, s6;
	s5 =	sshll.u32 s1, $0x7  }
0x8: {  	s1 =	ssub.s32 $0x2, s1;
	_ =	strace $0x80000047;
	s8 =	sor.u32 s5, s4  }
0x9: {  	[dreg:$0x5] =	wrdreg s28;
	s7 =	sshrl.u32 s1, $0x1;
	s4 =	sshll.u32 s8, $0x9  }
.Ltmp0:
0xa: {  	s29 =	ssub.s32 s1, s7;
	s26 =	sadd.s32 s0, s4;
	(pc) =	sbr.rel .LBB2_1-.Ltmp0, $4  }
0xb: {  	s17 =	smov.u32 s3;
	s0 =	smax.u32 s29, $0x1;
	[dreg:$0x4] =	wrdreg s26  }
0xc: {  	s10 =	sadd.s32 $0x40, s3;
	s30 =	sadd.s32 $0x40, s26;
	[dreg:$0x8] =	wrdreg s0  }
0xd: {  	s8 =	sshrl.u32 s8, $0x3;
	s31 =	sadd.s32 $0x1000, s26;
	[dreg:$0x6] =	wrdreg s30  }
0xe: {  	s1 =	simm.s32 $0x0;
	s11 =	sadd.s32 $0x1040, s26;
	[dreg:$0x7] =	wrdreg s31  }
.LBB2_40:
0xf: {  	s0 =	simm.s32 $0x3  }
0x10: {  	_ =	swait.ge [sflag:s0], $0x4000  }
0x11: {  	[sflag:s0] =	ssyncset.done $0x0  }
0x12: {  	[sflag:s0] =	ssyncadd.s32 $0xFFFFC000  }
0x13: {  	_ =	swait.ge [sflag:s22], $0x4000  }
0x14: {  	s1 =	rddreg [dreg:$0x9]  }
0x15: {  	s31 =	rddreg [dreg:$0x8];
	s1 =	sadd.s32 $0x1, s1  }
0x16: {  	p0 =	sne.s32 s1, s31  }
.Ltmp1:
0x17: {  	_ = 	snop;
	(pc) =	sbr.rel @!p0 .LBB2_41-.Ltmp1, $3  }
0x18: {  	_ =	sdelay $0x1  }
0x19: {  	[sflag:s22] =	ssyncset.done $0x0  }
0x1a: {  	[sflag:s22] =	ssyncadd.s32 $0xFFFFC000  }
.LBB2_1:
0x1b: {  	[dreg:$0x9] =	wrdreg s1;
	s0 =	simm.s32 $0x0  }
0x1c: {  	s26 =	rddreg [dreg:$0x5];
	s2 =	simm.s32 $0x10000;
	s28 =	simm.s32 $0x5  }
0x1d: {  	[tilespmem:s2], [sflag:$0x5] =	stream.linear.gather [hbm4b:s26+s0], $0x80, $0x38;
	[tilespmem:$0x10100] =	vst v63  }
0x1e: {  	_ =	swait.ge [sflag:s28], $0x80  }
0x1f: {  	[sflag:s28] =	ssyncset.done $0x0  }
0x20: {  	s29 =	rddreg [dreg:$0x4];
	[sflag:s28] =	ssyncadd.s32 $0xFFFFFF80  }
0x21: {  	[tilespmem:s0], [sflag:$0x1] =	stream.strided.gather [hbm4b:s29+s15], $0x4000, s16, s15, $0x38;
	[tilespmem:$0x10100] =	vst v63  }
0x22: {  	s31 =	simm.s32 $0x4000;
	s26 =	simm.s32 $0x0;
	s30 =	rddreg [dreg:$0x6]  }
0x23: {  	[tilespmem:s31], [sflag:$0x2] =	stream.strided.gather [hbm4b:s30+s15], $0x4000, s16, s15, $0x38;
	[tilespmem:$0x10100] =	vst v63  }
.LBB2_2:
0x24: {  	_ =	swait.ge [sflag:s18], $0x4000  }
0x25: {  	p0 =	seq.s32 s26, $0x0;
	[sflag:s18] =	ssyncset.done $0x0  }
0x26: {  	s0 =	simm.s32 @!p0 $0x3;
	[sflag:s18] =	ssyncadd.s32 $0xFFFFC000  }
0x27: {  	_ =	swait.ge @!p0 [sflag:s0], $0x4000  }
0x28: {  	[sflag:s0] =	ssyncset.done @!p0 $0x0  }
0x29: {  	s1 =	simm.s32 $0x40;
	[sflag:s0] =	ssyncadd.s32 @!p0 $0xFFFFC000  }
0x2a: {  	v2 =	vld [tilespmem:s1+$0xFFFFFFE0]  }
0x2b: {  	v0 =	vld [tilespmem:s1+$0x30]  }
0x2c: {  	v3 =	vld [tilespmem:s1+$0x10]  }
0x2d: {  	v1 =	vld [tilespmem:s1+$0x0]  }
0x2e: {  	v10 =	vld [tilespmem:s1+$0xFFFFFFC0]  }
0x2f: {  	v7 =	vld [tilespmem:s1+$0xFFFFFFD0]  }
0x30: {  	v4 =	vimm.f32 $0.0e+00;
	v9 =	vld [tilespmem:s1+$0xFFFFFFF0];
	v2 =	vand.u32 $0x7FFFFFFF, v2  }
0x31: {  	s28 =	sshll.u32 s26, $0xC;
	v8 =	vimm.f32 $0.0e+00;
	v6 =	vimm.f32 $0.0e+00;
	s0 =	simm.s32 $0x0;
	v5 =	vld [tilespmem:s1+$0x20];
	s1 =	simm.s32 $0x240;
	v2 =	vmax.f32 v4, v2  }
.LBB2_3:
0x32: {  	v11 =	vld [tilespmem:s1+$0xFFFFFFE0];
	s0 =	sadd.s32 $0x80, s0  }
0x33: {  	v12 =	vand.u32 $0x7FFFFFFF, v3;
	v13 =	vand.u32 $0x7FFFFFFF, v0;
	p1 =	slt.u32 s0, $0xF80;
	v10 =	vand.u32 $0x7FFFFFFF, v10;
	v0 =	vld [tilespmem:s1+$0x30]  }
0x34: {  	v3 =	vld [tilespmem:s1+$0x10];
	v4 =	vmax.f32 v4, v10;
	v7 =	vand.u32 $0x7FFFFFFF, v7;
	v10 =	vand.u32 $0x7FFFFFFF, v1  }
.Ltmp2:
0x35: {  	v1 =	vld [tilespmem:s1+$0x0];
	v7 =	vmax.f32 v8, v7;
	v8 =	vand.u32 $0x7FFFFFFF, v9;
	v4 =	vmax.f32 v4, v10;
	(pc) =	sbr.rel @p1 .LBB2_3-.Ltmp2, $4  }
0x36: {  	v10 =	vld [tilespmem:s1+$0xFFFFFFC0];
	v6 =	vmax.f32 v6, v8;
	v8 =	vmax.f32 v7, v12;
	v5 =	vand.u32 $0x7FFFFFFF, v5  }
0x37: {  	v7 =	vld [tilespmem:s1+$0xFFFFFFD0];
	v9 =	vand.u32 $0x7FFFFFFF, v11;
	v2 =	vmax.f32 v2, v5;
	v6 =	vmax.f32 v6, v13  }
0x38: {  	v2 =	vmax.f32 v2, v9;
	v9 =	vld [tilespmem:s1+$0xFFFFFFF0]  }
0x39: {  	v5 =	vld [tilespmem:s1+$0x20];
	s1 =	sadd.s32 $0x200, s1  }
0x3a: {  	_ = 	snop  }
0x3b: {  	v3 =	vand.u32 $0x7FFFFFFF, v3;
	v0 =	vand.u32 $0x7FFFFFFF, v0  }
0x3c: {  	v1 =	vand.u32 $0x7FFFFFFF, v1;
	v10 =	vand.u32 $0x7FFFFFFF, v10;
	v7 =	vand.u32 $0x7FFFFFFF, v7  }
0x3d: {  	v4 =	vmax.f32 v4, v10;
	v7 =	vmax.f32 v8, v7;
	v8 =	vand.u32 $0x7FFFFFFF, v9  }
0x3e: {  	v1 =	vmax.f32 v4, v1;
	v4 =	vmax.f32 v6, v8;
	v5 =	vand.u32 $0x7FFFFFFF, v5  }
0x3f: {  	v3 =	vmax.f32 v7, v3;
	v2 =	vmax.f32 v2, v5;
	v0 =	vmax.f32 v4, v0  }
0x40: {  	v1 =	vmax.f32 v1, v3;
	v0 =	vmax.f32 v2, v0  }
0x41: {  	v0 =	vmax.f32 v1, v0  }
0x42: {  	(v2sf) =	vpush v0, $0x0  }
0x43: {  	(v2sf) =	vpush v0, $0x1  }
0x44: {  	(v2sf) =	vpush v0, $0x2  }
0x45: {  	(v2sf) =	vpush v0, $0x3  }
0x46: {  	(v2sf) =	vpush v0, $0x4  }
0x47: {  	(v2sf) =	vpush v0, $0x5  }
0x48: {  	(v2sf) =	vpush v0, $0x6  }
0x49: {  	(v2sf) =	vpush v0, $0x7  }
0x4a: {  	(v2sf) =	vpush v0, $0x8  }
0x4b: {  	(v2sf) =	vpush v0, $0x9  }
0x4c: {  	(v2sf) =	vpush v0, $0xA  }
0x4d: {  	(v2sf) =	vpush v0, $0xB  }
0x4e: {  	(v2sf) =	vpush v0, $0xC  }
0x4f: {  	(v2sf) =	vpush v0, $0xD  }
0x50: {  	(v2sf) =	vpush v0, $0xE  }
0x51: {  	s0 =	spop (v2sf);
	(v2sf) =	vpush v0, $0xF  }
0x52: {  	s1 =	spop (v2sf)  }
0x53: {  	s29 =	spop (v2sf)  }
0x54: {  	s30 =	spop (v2sf)  }
0x55: {  	s31 =	spop (v2sf)  }
0x56: {  	s13 =	spop (v2sf)  }
0x57: {  	s6 =	spop (v2sf)  }
0x58: {  	s7 =	spop (v2sf)  }
0x59: {  	s0 =	smax.f32 s0, s1;
	s12 =	spop (v2sf)  }
0x5a: {  	s1 =	smax.f32 s29, s30;
	s5 =	spop (v2sf)  }
0x5b: {  	s0 =	smax.f32 s0, s1;
	s14 =	spop (v2sf)  }
0x5c: {  	s13 =	smax.f32 s31, s13;
	s24 =	spop (v2sf)  }
0x5d: {  	s6 =	smax.f32 s6, s7;
	s25 =	spop (v2sf)  }
0x5e: {  	s5 =	smax.f32 s12, s5;
	s3 =	spop (v2sf)  }
0x5f: {  	s12 =	smax.f32 s14, s24;
	s2 =	spop (v2sf)  }
0x60: {  	s14 =	smax.f32 s13, s6;
	s9 =	spop (v2sf)  }
0x61: {  	s3 =	smax.f32 s25, s3;
	s2 =	smax.f32 s2, s9  }
0x62: {  	s5 =	smax.f32 s5, s12;
	s2 =	smax.f32 s3, s2  }
0x63: {  	s0 =	smax.f32 s0, s14;
	s24 =	smax.f32 s5, s2  }
0x64: {  	s0 =	smax.f32 s0, s24  }
0x65: {  	v1 =	vld [tilespmem:$0x10000];
	v0 =	vmov s0  }
0x66: {  	v2 =	vld [tilespmem:$0x10010];
	vm0 =	vgt.f32 v0, $0.0e+00  }
0x67: {  	v3 =	vld [tilespmem:$0x10020];
	v0 =	vnsel vm0, $0x3F800000, v0  }
0x68: {  	v5 =	vld [tilespmem:$0x10030];
	v4 =	vmul.f32 $1.666666720e-01, v0;
	_ =	sdelay $0x1  }
0x69: {  	(erf) = vrcp.f32 v0;
	v0 =	vmul.f32 v1, v4  }
0x6a: {  	v1 =	vmul.f32 v2, v4  }
0x6b: {  	[tilespmem:$0x10080] =	vst v0;
	v0 =	vmul.f32 v3, v4  }
0x6c: {  	[tilespmem:$0x10090] =	vst v1;
	v1 =	vmul.f32 v5, v4  }
0x6d: {  	[tilespmem:$0x100A0] =	vst v0  }
0x6e: {  	s25 =	simm.s32 $0x40;
	[tilespmem:$0x100B0] =	vst v1  }
0x6f: {  	v1 =	vld [tilespmem:s25+$0x30]  }
0x70: {  	v2 =	vld [tilespmem:s25+$0xFFFFFFD0]  }
0x71: {  	v3 =	vld [tilespmem:s25+$0xFFFFFFE0]  }
0x72: {  	v4 =	vld [tilespmem:s25+$0xFFFFFFF0]  }
0x73: {  	v5 =	vld [tilespmem:s25+$0xFFFFFFC0]  }
0x74: {  	v6 =	vld [tilespmem:s25+$0x0]  }
0x75: {  	v7 =	vld [tilespmem:s25+$0x10];
	v0 =	vpop (erf)  }
0x76: {  	s31 =	simm.s32 $0x240;
	v8 =	vld [tilespmem:s25+$0x20];
	v0 =	vmul.f32 $2.400000000e+01, v0  }
0x77: {  	v11 =	vld [tilespmem:s31+$0xFFFFFFE0]  }
0x78: {  	v12 =	vld [tilespmem:s31+$0xFFFFFFF0];
	v1 =	vmul.f32 v1, v0;
	v2 =	vmul.f32 v2, v0  }
0x79: {  	v3 =	vmul.f32 v3, v0;
	v4 =	vmul.f32 v4, v0  }
0x7a: {  	v5 =	vmul.f32 v5, v0;
	v6 =	vmul.f32 v6, v0  }
0x7b: {  	v7 =	vmul.f32 v7, v0;
	v8 =	vmul.f32 v8, v0;
	v1 =	vadd.f32 $2.400000000e+01, v1  }
0x7c: {  	v11 =	vmul.f32 v11, v0;
	v2 =	vadd.f32 $2.400000000e+01, v2;
	v3 =	vadd.f32 $2.400000000e+01, v3  }
0x7d: {  	v12 =	vmul.f32 v12, v0;
	v5 =	vadd.f32 $2.400000000e+01, v5;
	v1 =	vtrunc.f32 v1  }
0x7e: {  	v9 =	vld [tilespmem:s31+$0x30];
	v4 =	vadd.f32 $2.400000000e+01, v4;
	v2 =	vtrunc.f32 v2;
	v3 =	vtrunc.f32 v3  }
0x7f: {  	v10 =	vld [tilespmem:s31+$0xFFFFFFD0];
	v6 =	vadd.f32 $2.400000000e+01, v6;
	v5 =	vtrunc.f32 v5;
	v1 =	vcvt.f32.s32 v1  }
0x80: {  	v4 =	vtrunc.f32 v4;
	v5 =	vcvt.f32.s32 v5  }
0x81: {  	v15 =	vld [tilespmem:s31+$0x10];
	v6 =	vtrunc.f32 v6;
	v2 =	vcvt.f32.s32 v2  }
0x82: {  	v13 =	vld [tilespmem:s31+$0x0];
	v7 =	vadd.f32 $2.400000000e+01, v7;
	v3 =	vcvt.f32.s32 v3;
	v14 =	vcvt.f32.s32 v4  }
0x83: {  	v16 =	vld [tilespmem:s31+$0xFFFFFFC0];
	v8 =	vadd.f32 $2.400000000e+01, v8;
	v4 =	vmul.f32 v9, v0;
	v6 =	vcvt.f32.s32 v6  }
0x84: {  	v7 =	vtrunc.f32 v7;
	v9 =	vmul.f32 v10, v0;
	v10 =	vld [tilespmem:s31+$0x20]  }
0x85: {  	v8 =	vtrunc.f32 v8;
	v7 =	vcvt.f32.s32 v7;
	v4 =	vadd.f32 $2.400000000e+01, v4;
	v1 =	vld.idx.msk [tilespmem:v1+s19+$0x0], $0xffff  }
0x86: {  	v15 =	vmul.f32 v15, v0;
	v8 =	vcvt.f32.s32 v8;
	v17 =	vld.idx.msk [tilespmem:v5+s19+$0x0], $0xffff  }
0x87: {  	v11 =	vadd.f32 $2.400000000e+01, v11;
	v5 =	vmul.f32 v13, v0;
	v13 =	vtrunc.f32 v4;
	v4 =	vld.idx.msk [tilespmem:v2+s19+$0x0], $0xffff  }
0x88: {  	v12 =	vadd.f32 $2.400000000e+01, v12;
	v9 =	vadd.f32 $2.400000000e+01, v9;
	v3 =	vld.idx.msk [tilespmem:v3+s19+$0x0], $0xffff;
	v2 =	vcvt.f32.s32 v13  }
0x89: {  	v15 =	vadd.f32 $2.400000000e+01, v15;
	v11 =	vtrunc.f32 v11;
	v10 =	vmul.f32 v10, v0;
	v6 =	vld.idx.msk [tilespmem:v6+s19+$0x0], $0xffff  }
0x8a: {  	s30 =	simm.s32 $0x8040;
	v18 =	vtrunc.f32 v9;
	v9 =	vadd.f32 $2.400000000e+01, v5;
	v5 =	vld.idx.msk [tilespmem:v14+s19+$0x0], $0xffff;
	v14 =	vmul.f32 v16, v0  }
0x8b: {  	v12 =	vtrunc.f32 v12;
	v7 =	vld.idx.msk [tilespmem:v7+s19+$0x0], $0xffff;
	v13 =	vadd.f32 $2.400000000e+01, v10;
	v10 =	vtrunc.f32 v15;
	[tilespmem:s30+$0x30] =	vst v1  }
0x8c: {  	s29 =	simm.s32 $0x0;
	s1 =	simm.s32 $0x80;
	s0 =	simm.s32 $0x440;
	v8 =	vld.idx.msk [tilespmem:v8+s19+$0x0], $0xffff;
	v9 =	vtrunc.f32 v9;
	v14 =	vadd.f32 $2.400000000e+01, v14;
	v1 =	vcvt.f32.s32 v18;
	[tilespmem:s30+$0xFFFFFFC0] =	vst v17  }
.LBB2_5:
0x8d: {  	v15 =	vld [tilespmem:s0+$0x30];
	v11 =	vcvt.f32.s32 v11;
	v13 =	vtrunc.f32 v13;
	[tilespmem:s30+$0xFFFFFFD0] =	vst v4  }
0x8e: {  	s1 =	sadd.s32 $0x80, s1;
	v12 =	vcvt.f32.s32 v12;
	v4 =	vtrunc.f32 v14;
	v2 =	vld.idx.msk [tilespmem:v2+s19+$0x0], $0xffff;
	[tilespmem:s30+$0xFFFFFFE0] =	vst v3  }
0x8f: {  	v9 =	vcvt.f32.s32 v9;
	p1 =	slt.u32 s1, $0xF80;
	v3 =	vld [tilespmem:s0+$0xFFFFFFD0];
	v4 =	vcvt.f32.s32 v4;
	[tilespmem:s30+$0xFFFFFFF0] =	vst v5  }
0x90: {  	v10 =	vcvt.f32.s32 v10;
	v16 =	vcvt.f32.s32 v13;
	v5 =	vld [tilespmem:s0+$0xFFFFFFE0];
	[tilespmem:s30+$0x0] =	vst v6  }
0x91: {  	v6 =	vld [tilespmem:s0+$0xFFFFFFF0];
	[tilespmem:s30+$0x10] =	vst v7  }
0x92: {  	v7 =	vld [tilespmem:s0+$0x0];
	[tilespmem:s30+$0x20] =	vst v8  }
0x93: {  	v13 =	vmul.f32 v15, v0;
	s30 =	sadd.s32 $0x200, s30;
	v8 =	vld [tilespmem:s0+$0x10]  }
0x94: {  	v3 =	vmul.f32 v3, v0;
	v14 =	vld [tilespmem:s0+$0x20];
	[tilespmem:s30+$0x30] =	vst v2  }
0x95: {  	v15 =	vld [tilespmem:s0+$0xFFFFFFC0];
	v2 =	vmul.f32 v5, v0;
	v5 =	vadd.f32 $2.400000000e+01, v13  }
0x96: {  	v13 =	vadd.f32 $2.400000000e+01, v3;
	v3 =	vmul.f32 v6, v0;
	v17 =	vld.idx.msk [tilespmem:v4+s19+$0x0], $0xffff  }
0x97: {  	v6 =	vadd.f32 $2.400000000e+01, v2;
	v7 =	vmul.f32 v7, v0;
	v2 =	vtrunc.f32 v5;
	v4 =	vld.idx.msk [tilespmem:v1+s19+$0x0], $0xffff  }
.Ltmp3:
0x98: {  	v1 =	vadd.f32 $2.400000000e+01, v3;
	v8 =	vmul.f32 v8, v0;
	v2 =	vcvt.f32.s32 v2;
	v3 =	vld.idx.msk [tilespmem:v11+s19+$0x0], $0xffff;
	(pc) =	sbr.rel @p1 .LBB2_5-.Ltmp3, $4  }
0x99: {  	v18 =	vtrunc.f32 v13;
	v7 =	vadd.f32 $2.400000000e+01, v7;
	v13 =	vmul.f32 v14, v0;
	v5 =	vld.idx.msk [tilespmem:v12+s19+$0x0], $0xffff  }
0x9a: {  	v11 =	vtrunc.f32 v6;
	v14 =	vmul.f32 v15, v0;
	v8 =	vadd.f32 $2.400000000e+01, v8;
	v6 =	vld.idx.msk [tilespmem:v9+s19+$0x0], $0xffff  }
0x9b: {  	v12 =	vtrunc.f32 v1;
	v9 =	vtrunc.f32 v7;
	v13 =	vadd.f32 $2.400000000e+01, v13;
	v7 =	vld.idx.msk [tilespmem:v10+s19+$0x0], $0xffff  }
0x9c: {  	s0 =	sadd.s32 $0x200, s0;
	v1 =	vcvt.f32.s32 v18;
	v14 =	vadd.f32 $2.400000000e+01, v14;
	v10 =	vtrunc.f32 v8;
	[tilespmem:s30+$0xFFFFFFC0] =	vst v17;
	v8 =	vld.idx.msk [tilespmem:v16+s19+$0x0], $0xffff  }
0x9d: {  	_ = 	snop  }
0x9e: {  	v0 =	vtrunc.f32 v14  }
0x9f: {  	v0 =	vcvt.f32.s32 v0  }
0xa0: {  	v11 =	vcvt.f32.s32 v11  }
0xa1: {  	v12 =	vcvt.f32.s32 v12  }
0xa2: {  	[tilespmem:s30+$0xFFFFFFD0] =	vst v4;
	v4 =	vcvt.f32.s32 v9  }
0xa3: {  	v9 =	vtrunc.f32 v13;
	v2 =	vld.idx.msk [tilespmem:v2+s19+$0x0], $0xffff;
	[tilespmem:s30+$0xFFFFFFE0] =	vst v3;
	v3 =	vcvt.f32.s32 v10  }
0xa4: {  	[tilespmem:s30+$0xFFFFFFF0] =	vst v5;
	v5 =	vcvt.f32.s32 v9;
	v1 =	vld.idx.msk [tilespmem:v1+s19+$0x0], $0xffff  }
0xa5: {  	[tilespmem:s30+$0x0] =	vst v6;
	v0 =	vld.idx.msk [tilespmem:v0+s19+$0x0], $0xffff  }
0xa6: {  	[tilespmem:s30+$0x10] =	vst v7;
	v6 =	vld.idx.msk [tilespmem:v11+s19+$0x0], $0xffff  }
0xa7: {  	s0 =	sadd.s32 $0x200, s30;
	[tilespmem:s30+$0x20] =	vst v8;
	v7 =	vld.idx.msk [tilespmem:v12+s19+$0x0], $0xffff  }
0xa8: {  	[tilespmem:s0+$0x30] =	vst v2;
	v2 =	vld.idx.msk [tilespmem:v4+s19+$0x0], $0xffff  }
0xa9: {  	v3 =	vld.idx.msk [tilespmem:v3+s19+$0x0], $0xffff;
	[tilespmem:s0+$0xFFFFFFD0] =	vst v1  }
0xaa: {  	[tilespmem:s0+$0xFFFFFFC0] =	vst v0;
	v0 =	vld.idx.msk [tilespmem:v5+s19+$0x0], $0xffff  }
0xab: {  	[tilespmem:s0+$0xFFFFFFE0] =	vst v6  }
0xac: {  	[tilespmem:s0+$0xFFFFFFF0] =	vst v7  }
0xad: {  	[tilespmem:s0+$0x0] =	vst v2  }
0xae: {  	[tilespmem:s0+$0x10] =	vst v3  }
0xaf: {  	s1 =	simm.s32 $0xF0;
	[tilespmem:s0+$0x20] =	vst v0  }
0xb0: {  	v2 =	vld [tilespmem:s1+$0xFFFFFFB0]  }
0xb1: {  	v0 =	vld [tilespmem:s1+$0x0]  }
0xb2: {  	v3 =	vld [tilespmem:s1+$0xFFFFFFE0]  }
0xb3: {  	v1 =	vld [tilespmem:s1+$0xFFFFFFD0]  }
0xb4: {  	v10 =	vld [tilespmem:s1+$0xFFFFFF90]  }
0xb5: {  	v8 =	vld [tilespmem:s1+$0xFFFFFFA0]  }
0xb6: {  	v4 =	vimm.f32 $0.0e+00;
	v9 =	vld [tilespmem:s1+$0xFFFFFFC0];
	v2 =	vand.u32 $0x7FFFFFFF, v2  }
0xb7: {  	v7 =	vimm.f32 $0.0e+00;
	v6 =	vimm.f32 $0.0e+00;
	s0 =	simm.s32 $0x2F0;
	v5 =	vld [tilespmem:s1+$0xFFFFFFF0];
	v2 =	vmax.f32 v4, v2  }
.LBB2_7:
0xb8: {  	v11 =	vld [tilespmem:s0+$0xFFFFFFB0];
	s29 =	sadd.s32 $0x80, s29  }
0xb9: {  	v12 =	vand.u32 $0x7FFFFFFF, v3;
	v13 =	vand.u32 $0x7FFFFFFF, v0;
	p1 =	slt.u32 s29, $0xF80;
	v10 =	vand.u32 $0x7FFFFFFF, v10;
	v0 =	vld [tilespmem:s0+$0x0]  }
0xba: {  	v3 =	vld [tilespmem:s0+$0xFFFFFFE0];
	v4 =	vmax.f32 v4, v10;
	v8 =	vand.u32 $0x7FFFFFFF, v8;
	v10 =	vand.u32 $0x7FFFFFFF, v1  }
.Ltmp4:
0xbb: {  	v1 =	vld [tilespmem:s0+$0xFFFFFFD0];
	v7 =	vmax.f32 v7, v8;
	v8 =	vand.u32 $0x7FFFFFFF, v9;
	v4 =	vmax.f32 v4, v10;
	(pc) =	sbr.rel @p1 .LBB2_7-.Ltmp4, $4  }
0xbc: {  	v10 =	vld [tilespmem:s0+$0xFFFFFF90];
	v6 =	vmax.f32 v6, v8;
	v7 =	vmax.f32 v7, v12;
	v5 =	vand.u32 $0x7FFFFFFF, v5  }
0xbd: {  	v8 =	vld [tilespmem:s0+$0xFFFFFFA0];
	v9 =	vand.u32 $0x7FFFFFFF, v11;
	v2 =	vmax.f32 v2, v5;
	v6 =	vmax.f32 v6, v13  }
0xbe: {  	v2 =	vmax.f32 v2, v9;
	v9 =	vld [tilespmem:s0+$0xFFFFFFC0]  }
0xbf: {  	v5 =	vld [tilespmem:s0+$0xFFFFFFF0];
	s0 =	sadd.s32 $0x200, s0  }
0xc0: {  	_ = 	snop  }
0xc1: {  	v3 =	vand.u32 $0x7FFFFFFF, v3;
	v0 =	vand.u32 $0x7FFFFFFF, v0  }
0xc2: {  	v1 =	vand.u32 $0x7FFFFFFF, v1;
	v10 =	vand.u32 $0x7FFFFFFF, v10;
	v8 =	vand.u32 $0x7FFFFFFF, v8  }
0xc3: {  	v4 =	vmax.f32 v4, v10;
	v7 =	vmax.f32 v7, v8;
	v8 =	vand.u32 $0x7FFFFFFF, v9  }
0xc4: {  	v1 =	vmax.f32 v4, v1;
	v4 =	vmax.f32 v6, v8;
	v5 =	vand.u32 $0x7FFFFFFF, v5  }
0xc5: {  	v3 =	vmax.f32 v7, v3;
	v2 =	vmax.f32 v2, v5;
	v0 =	vmax.f32 v4, v0  }
0xc6: {  	v1 =	vmax.f32 v1, v3;
	v0 =	vmax.f32 v2, v0  }
0xc7: {  	v0 =	vmax.f32 v1, v0  }
0xc8: {  	(v2sf) =	vpush v0, $0x0  }
0xc9: {  	(v2sf) =	vpush v0, $0x1  }
0xca: {  	(v2sf) =	vpush v0, $0x2  }
0xcb: {  	(v2sf) =	vpush v0, $0x3  }
0xcc: {  	(v2sf) =	vpush v0, $0x4  }
0xcd: {  	(v2sf) =	vpush v0, $0x5  }
0xce: {  	(v2sf) =	vpush v0, $0x6  }
0xcf: {  	(v2sf) =	vpush v0, $0x7  }
0xd0: {  	(v2sf) =	vpush v0, $0x8  }
0xd1: {  	(v2sf) =	vpush v0, $0x9  }
0xd2: {  	(v2sf) =	vpush v0, $0xA  }
0xd3: {  	(v2sf) =	vpush v0, $0xB  }
0xd4: {  	(v2sf) =	vpush v0, $0xC  }
0xd5: {  	(v2sf) =	vpush v0, $0xD  }
0xd6: {  	(v2sf) =	vpush v0, $0xE  }
0xd7: {  	s0 =	spop (v2sf);
	(v2sf) =	vpush v0, $0xF  }
0xd8: {  	s1 =	spop (v2sf)  }
0xd9: {  	s2 =	spop (v2sf)  }
0xda: {  	s3 =	spop (v2sf)  }
0xdb: {  	s5 =	spop (v2sf)  }
0xdc: {  	s6 =	spop (v2sf)  }
0xdd: {  	s7 =	spop (v2sf)  }
0xde: {  	s9 =	spop (v2sf)  }
0xdf: {  	s0 =	smax.f32 s0, s1;
	s12 =	spop (v2sf)  }
0xe0: {  	s3 =	smax.f32 s2, s3;
	s13 =	spop (v2sf)  }
0xe1: {  	s0 =	smax.f32 s0, s3;
	s14 =	spop (v2sf)  }
0xe2: {  	s6 =	smax.f32 s5, s6;
	s24 =	spop (v2sf)  }
0xe3: {  	s9 =	smax.f32 s7, s9;
	s25 =	spop (v2sf)  }
0xe4: {  	s13 =	smax.f32 s12, s13;
	s29 =	spop (v2sf)  }
0xe5: {  	s12 =	smax.f32 s6, s9;
	s30 =	spop (v2sf)  }
0xe6: {  	s24 =	smax.f32 s14, s24;
	s31 =	spop (v2sf)  }
0xe7: {  	s25 =	smax.f32 s25, s29;
	s31 =	smax.f32 s30, s31  }
0xe8: {  	s13 =	smax.f32 s13, s24;
	s14 =	smax.f32 s25, s31  }
0xe9: {  	s0 =	smax.f32 s0, s12;
	s24 =	smax.f32 s13, s14  }
0xea: {  	s0 =	smax.f32 s0, s24  }
0xeb: {  	v1 =	vld [tilespmem:$0x10000];
	v0 =	vmov s0  }
0xec: {  	v2 =	vld [tilespmem:$0x10010];
	vm0 =	vgt.f32 v0, $0.0e+00  }
0xed: {  	v3 =	vld [tilespmem:$0x10020];
	v0 =	vnsel vm0, $0x3F800000, v0  }
0xee: {  	v5 =	vld [tilespmem:$0x10030];
	v4 =	vmul.f32 $1.666666720e-01, v0;
	_ =	sdelay $0x1  }
0xef: {  	(erf) = vrcp.f32 v0;
	v0 =	vmul.f32 v1, v4  }
0xf0: {  	v1 =	vmul.f32 v2, v4  }
0xf1: {  	[tilespmem:$0x10080] =	vst v0;
	v0 =	vmul.f32 v3, v4  }
0xf2: {  	[tilespmem:$0x10090] =	vst v1;
	v1 =	vmul.f32 v5, v4  }
0xf3: {  	[tilespmem:$0x100A0] =	vst v0  }
0xf4: {  	s25 =	simm.s32 $0xF0;
	[tilespmem:$0x100B0] =	vst v1  }
0xf5: {  	v1 =	vld [tilespmem:s25+$0x0]  }
0xf6: {  	v2 =	vld [tilespmem:s25+$0xFFFFFFA0]  }
0xf7: {  	v3 =	vld [tilespmem:s25+$0xFFFFFFB0]  }
0xf8: {  	v4 =	vld [tilespmem:s25+$0xFFFFFFC0]  }
0xf9: {  	v5 =	vld [tilespmem:s25+$0xFFFFFF90]  }
0xfa: {  	v6 =	vld [tilespmem:s25+$0xFFFFFFD0]  }
0xfb: {  	v7 =	vld [tilespmem:s25+$0xFFFFFFE0];
	v0 =	vpop (erf)  }
0xfc: {  	s31 =	simm.s32 $0x2F0;
	v8 =	vld [tilespmem:s25+$0xFFFFFFF0];
	v0 =	vmul.f32 $2.400000000e+01, v0  }
0xfd: {  	v11 =	vld [tilespmem:s31+$0xFFFFFFB0]  }
0xfe: {  	v12 =	vld [tilespmem:s31+$0xFFFFFFC0];
	v1 =	vmul.f32 v1, v0;
	v2 =	vmul.f32 v2, v0  }
0xff: {  	v3 =	vmul.f32 v3, v0;
	v4 =	vmul.f32 v4, v0  }
0x100: {  	v5 =	vmul.f32 v5, v0;
	v6 =	vmul.f32 v6, v0  }
0x101: {  	v7 =	vmul.f32 v7, v0;
	v8 =	vmul.f32 v8, v0;
	v1 =	vadd.f32 $2.400000000e+01, v1  }
0x102: {  	v11 =	vmul.f32 v11, v0;
	v2 =	vadd.f32 $2.400000000e+01, v2;
	v3 =	vadd.f32 $2.400000000e+01, v3  }
0x103: {  	v12 =	vmul.f32 v12, v0;
	v5 =	vadd.f32 $2.400000000e+01, v5;
	v1 =	vtrunc.f32 v1  }
0x104: {  	v9 =	vld [tilespmem:s31+$0x0];
	v4 =	vadd.f32 $2.400000000e+01, v4;
	v2 =	vtrunc.f32 v2;
	v3 =	vtrunc.f32 v3  }
0x105: {  	v10 =	vld [tilespmem:s31+$0xFFFFFFA0];
	v6 =	vadd.f32 $2.400000000e+01, v6;
	v5 =	vtrunc.f32 v5;
	v1 =	vcvt.f32.s32 v1  }
0x106: {  	v4 =	vtrunc.f32 v4;
	v5 =	vcvt.f32.s32 v5  }
0x107: {  	v15 =	vld [tilespmem:s31+$0xFFFFFFE0];
	v6 =	vtrunc.f32 v6;
	v2 =	vcvt.f32.s32 v2  }
0x108: {  	v13 =	vld [tilespmem:s31+$0xFFFFFFD0];
	v7 =	vadd.f32 $2.400000000e+01, v7;
	v3 =	vcvt.f32.s32 v3;
	v14 =	vcvt.f32.s32 v4  }
0x109: {  	v16 =	vld [tilespmem:s31+$0xFFFFFF90];
	v8 =	vadd.f32 $2.400000000e+01, v8;
	v4 =	vmul.f32 v9, v0;
	v6 =	vcvt.f32.s32 v6  }
0x10a: {  	v7 =	vtrunc.f32 v7;
	v9 =	vmul.f32 v10, v0;
	v10 =	vld [tilespmem:s31+$0xFFFFFFF0]  }
0x10b: {  	v8 =	vtrunc.f32 v8;
	v7 =	vcvt.f32.s32 v7;
	v4 =	vadd.f32 $2.400000000e+01, v4;
	v1 =	vld.idx.msk [tilespmem:v1+s19+$0x0], $0xffff  }
0x10c: {  	v15 =	vmul.f32 v15, v0;
	v8 =	vcvt.f32.s32 v8;
	v17 =	vld.idx.msk [tilespmem:v5+s19+$0x0], $0xffff  }
0x10d: {  	v11 =	vadd.f32 $2.400000000e+01, v11;
	v5 =	vmul.f32 v13, v0;
	v13 =	vtrunc.f32 v4;
	v4 =	vld.idx.msk [tilespmem:v2+s19+$0x0], $0xffff  }
0x10e: {  	v12 =	vadd.f32 $2.400000000e+01, v12;
	v9 =	vadd.f32 $2.400000000e+01, v9;
	v3 =	vld.idx.msk [tilespmem:v3+s19+$0x0], $0xffff;
	v2 =	vcvt.f32.s32 v13  }
0x10f: {  	v15 =	vadd.f32 $2.400000000e+01, v15;
	v11 =	vtrunc.f32 v11;
	v10 =	vmul.f32 v10, v0;
	v6 =	vld.idx.msk [tilespmem:v6+s19+$0x0], $0xffff  }
0x110: {  	s30 =	simm.s32 $0x80F0;
	v18 =	vtrunc.f32 v9;
	v9 =	vadd.f32 $2.400000000e+01, v5;
	v5 =	vld.idx.msk [tilespmem:v14+s19+$0x0], $0xffff;
	v14 =	vmul.f32 v16, v0  }
0x111: {  	v12 =	vtrunc.f32 v12;
	v7 =	vld.idx.msk [tilespmem:v7+s19+$0x0], $0xffff;
	v13 =	vadd.f32 $2.400000000e+01, v10;
	v10 =	vtrunc.f32 v15;
	[tilespmem:s30+$0x0] =	vst v1  }
0x112: {  	s1 =	simm.s32 $0x80;
	s29 =	simm.s32 $0x0;
	s0 =	simm.s32 $0x4F0;
	v8 =	vld.idx.msk [tilespmem:v8+s19+$0x0], $0xffff;
	v9 =	vtrunc.f32 v9;
	v14 =	vadd.f32 $2.400000000e+01, v14;
	v1 =	vcvt.f32.s32 v18;
	[tilespmem:s30+$0xFFFFFF90] =	vst v17  }
.LBB2_9:
0x113: {  	v15 =	vld [tilespmem:s0+$0x0];
	v11 =	vcvt.f32.s32 v11;
	v13 =	vtrunc.f32 v13;
	[tilespmem:s30+$0xFFFFFFA0] =	vst v4  }
0x114: {  	s1 =	sadd.s32 $0x80, s1;
	v12 =	vcvt.f32.s32 v12;
	v4 =	vtrunc.f32 v14;
	v2 =	vld.idx.msk [tilespmem:v2+s19+$0x0], $0xffff;
	[tilespmem:s30+$0xFFFFFFB0] =	vst v3  }
0x115: {  	v9 =	vcvt.f32.s32 v9;
	p1 =	slt.u32 s1, $0xF80;
	v3 =	vld [tilespmem:s0+$0xFFFFFFA0];
	v4 =	vcvt.f32.s32 v4;
	[tilespmem:s30+$0xFFFFFFC0] =	vst v5  }
0x116: {  	v10 =	vcvt.f32.s32 v10;
	v16 =	vcvt.f32.s32 v13;
	v5 =	vld [tilespmem:s0+$0xFFFFFFB0];
	[tilespmem:s30+$0xFFFFFFD0] =	vst v6  }
0x117: {  	v6 =	vld [tilespmem:s0+$0xFFFFFFC0];
	[tilespmem:s30+$0xFFFFFFE0] =	vst v7  }
0x118: {  	v7 =	vld [tilespmem:s0+$0xFFFFFFD0];
	[tilespmem:s30+$0xFFFFFFF0] =	vst v8  }
0x119: {  	v13 =	vmul.f32 v15, v0;
	s30 =	sadd.s32 $0x200, s30;
	v8 =	vld [tilespmem:s0+$0xFFFFFFE0]  }
0x11a: {  	v3 =	vmul.f32 v3, v0;
	v14 =	vld [tilespmem:s0+$0xFFFFFFF0];
	[tilespmem:s30+$0x0] =	vst v2  }
0x11b: {  	v15 =	vld [tilespmem:s0+$0xFFFFFF90];
	v2 =	vmul.f32 v5, v0;
	v5 =	vadd.f32 $2.400000000e+01, v13  }
0x11c: {  	v13 =	vadd.f32 $2.400000000e+01, v3;
	v3 =	vmul.f32 v6, v0;
	v17 =	vld.idx.msk [tilespmem:v4+s19+$0x0], $0xffff  }
0x11d: {  	v6 =	vadd.f32 $2.400000000e+01, v2;
	v7 =	vmul.f32 v7, v0;
	v2 =	vtrunc.f32 v5;
	v4 =	vld.idx.msk [tilespmem:v1+s19+$0x0], $0xffff  }
.Ltmp5:
0x11e: {  	v1 =	vadd.f32 $2.400000000e+01, v3;
	v8 =	vmul.f32 v8, v0;
	v2 =	vcvt.f32.s32 v2;
	v3 =	vld.idx.msk [tilespmem:v11+s19+$0x0], $0xffff;
	(pc) =	sbr.rel @p1 .LBB2_9-.Ltmp5, $4  }
0x11f: {  	v18 =	vtrunc.f32 v13;
	v7 =	vadd.f32 $2.400000000e+01, v7;
	v13 =	vmul.f32 v14, v0;
	v5 =	vld.idx.msk [tilespmem:v12+s19+$0x0], $0xffff  }
0x120: {  	v11 =	vtrunc.f32 v6;
	v14 =	vmul.f32 v15, v0;
	v8 =	vadd.f32 $2.400000000e+01, v8;
	v6 =	vld.idx.msk [tilespmem:v9+s19+$0x0], $0xffff  }
0x121: {  	v12 =	vtrunc.f32 v1;
	v9 =	vtrunc.f32 v7;
	v13 =	vadd.f32 $2.400000000e+01, v13;
	v7 =	vld.idx.msk [tilespmem:v10+s19+$0x0], $0xffff  }
0x122: {  	s0 =	sadd.s32 $0x200, s0;
	v1 =	vcvt.f32.s32 v18;
	v14 =	vadd.f32 $2.400000000e+01, v14;
	v10 =	vtrunc.f32 v8;
	[tilespmem:s30+$0xFFFFFF90] =	vst v17;
	v8 =	vld.idx.msk [tilespmem:v16+s19+$0x0], $0xffff  }
0x123: {  	_ = 	snop  }
0x124: {  	v0 =	vtrunc.f32 v14  }
0x125: {  	v0 =	vcvt.f32.s32 v0  }
0x126: {  	v11 =	vcvt.f32.s32 v11  }
0x127: {  	v12 =	vcvt.f32.s32 v12  }
0x128: {  	[tilespmem:s30+$0xFFFFFFA0] =	vst v4;
	v4 =	vcvt.f32.s32 v9  }
0x129: {  	v9 =	vtrunc.f32 v13;
	v2 =	vld.idx.msk [tilespmem:v2+s19+$0x0], $0xffff;
	[tilespmem:s30+$0xFFFFFFB0] =	vst v3;
	v3 =	vcvt.f32.s32 v10  }
0x12a: {  	[tilespmem:s30+$0xFFFFFFC0] =	vst v5;
	v5 =	vcvt.f32.s32 v9;
	v1 =	vld.idx.msk [tilespmem:v1+s19+$0x0], $0xffff  }
0x12b: {  	[tilespmem:s30+$0xFFFFFFD0] =	vst v6;
	v0 =	vld.idx.msk [tilespmem:v0+s19+$0x0], $0xffff  }
0x12c: {  	[tilespmem:s30+$0xFFFFFFE0] =	vst v7;
	v6 =	vld.idx.msk [tilespmem:v11+s19+$0x0], $0xffff  }
0x12d: {  	s0 =	sadd.s32 $0x200, s30;
	[tilespmem:s30+$0xFFFFFFF0] =	vst v8;
	v7 =	vld.idx.msk [tilespmem:v12+s19+$0x0], $0xffff  }
0x12e: {  	[tilespmem:s0+$0x0] =	vst v2;
	v2 =	vld.idx.msk [tilespmem:v4+s19+$0x0], $0xffff  }
0x12f: {  	v3 =	vld.idx.msk [tilespmem:v3+s19+$0x0], $0xffff;
	[tilespmem:s0+$0xFFFFFFA0] =	vst v1  }
0x130: {  	[tilespmem:s0+$0xFFFFFF90] =	vst v0;
	v0 =	vld.idx.msk [tilespmem:v5+s19+$0x0], $0xffff  }
0x131: {  	[tilespmem:s0+$0xFFFFFFB0] =	vst v6  }
0x132: {  	[tilespmem:s0+$0xFFFFFFC0] =	vst v7  }
0x133: {  	[tilespmem:s0+$0xFFFFFFD0] =	vst v2  }
0x134: {  	[tilespmem:s0+$0xFFFFFFE0] =	vst v3  }
0x135: {  	s1 =	simm.s32 $0x170;
	[tilespmem:s0+$0xFFFFFFF0] =	vst v0  }
0x136: {  	v2 =	vld [tilespmem:s1+$0xFFFFFFB0]  }
0x137: {  	v0 =	vld [tilespmem:s1+$0x0]  }
0x138: {  	v3 =	vld [tilespmem:s1+$0xFFFFFFE0]  }
0x139: {  	v1 =	vld [tilespmem:s1+$0xFFFFFFD0]  }
0x13a: {  	v10 =	vld [tilespmem:s1+$0xFFFFFF90]  }
0x13b: {  	v8 =	vld [tilespmem:s1+$0xFFFFFFA0]  }
0x13c: {  	v4 =	vimm.f32 $0.0e+00;
	v9 =	vld [tilespmem:s1+$0xFFFFFFC0];
	v2 =	vand.u32 $0x7FFFFFFF, v2  }
0x13d: {  	v7 =	vimm.f32 $0.0e+00;
	v6 =	vimm.f32 $0.0e+00;
	s0 =	simm.s32 $0x370;
	v5 =	vld [tilespmem:s1+$0xFFFFFFF0];
	v2 =	vmax.f32 v4, v2  }
.LBB2_11:
0x13e: {  	v11 =	vld [tilespmem:s0+$0xFFFFFFB0];
	s29 =	sadd.s32 $0x80, s29  }
0x13f: {  	v12 =	vand.u32 $0x7FFFFFFF, v3;
	v13 =	vand.u32 $0x7FFFFFFF, v0;
	p1 =	slt.u32 s29, $0xF80;
	v10 =	vand.u32 $0x7FFFFFFF, v10;
	v0 =	vld [tilespmem:s0+$0x0]  }
0x140: {  	v3 =	vld [tilespmem:s0+$0xFFFFFFE0];
	v4 =	vmax.f32 v4, v10;
	v8 =	vand.u32 $0x7FFFFFFF, v8;
	v10 =	vand.u32 $0x7FFFFFFF, v1  }
.Ltmp6:
0x141: {  	v1 =	vld [tilespmem:s0+$0xFFFFFFD0];
	v7 =	vmax.f32 v7, v8;
	v8 =	vand.u32 $0x7FFFFFFF, v9;
	v4 =	vmax.f32 v4, v10;
	(pc) =	sbr.rel @p1 .LBB2_11-.Ltmp6, $4  }
0x142: {  	v10 =	vld [tilespmem:s0+$0xFFFFFF90];
	v6 =	vmax.f32 v6, v8;
	v7 =	vmax.f32 v7, v12;
	v5 =	vand.u32 $0x7FFFFFFF, v5  }
0x143: {  	v8 =	vld [tilespmem:s0+$0xFFFFFFA0];
	v9 =	vand.u32 $0x7FFFFFFF, v11;
	v2 =	vmax.f32 v2, v5;
	v6 =	vmax.f32 v6, v13  }
0x144: {  	v2 =	vmax.f32 v2, v9;
	v9 =	vld [tilespmem:s0+$0xFFFFFFC0]  }
0x145: {  	v5 =	vld [tilespmem:s0+$0xFFFFFFF0];
	s0 =	sadd.s32 $0x200, s0  }
0x146: {  	_ = 	snop  }
0x147: {  	v3 =	vand.u32 $0x7FFFFFFF, v3;
	v0 =	vand.u32 $0x7FFFFFFF, v0  }
0x148: {  	v1 =	vand.u32 $0x7FFFFFFF, v1;
	v10 =	vand.u32 $0x7FFFFFFF, v10;
	v8 =	vand.u32 $0x7FFFFFFF, v8  }
0x149: {  	v4 =	vmax.f32 v4, v10;
	v7 =	vmax.f32 v7, v8;
	v8 =	vand.u32 $0x7FFFFFFF, v9  }
0x14a: {  	v1 =	vmax.f32 v4, v1;
	v4 =	vmax.f32 v6, v8;
	v5 =	vand.u32 $0x7FFFFFFF, v5  }
0x14b: {  	v3 =	vmax.f32 v7, v3;
	v2 =	vmax.f32 v2, v5;
	v0 =	vmax.f32 v4, v0  }
0x14c: {  	v1 =	vmax.f32 v1, v3;
	v0 =	vmax.f32 v2, v0  }
0x14d: {  	v0 =	vmax.f32 v1, v0  }
0x14e: {  	(v2sf) =	vpush v0, $0x0  }
0x14f: {  	(v2sf) =	vpush v0, $0x1  }
0x150: {  	(v2sf) =	vpush v0, $0x2  }
0x151: {  	(v2sf) =	vpush v0, $0x3  }
0x152: {  	(v2sf) =	vpush v0, $0x4  }
0x153: {  	(v2sf) =	vpush v0, $0x5  }
0x154: {  	(v2sf) =	vpush v0, $0x6  }
0x155: {  	(v2sf) =	vpush v0, $0x7  }
0x156: {  	(v2sf) =	vpush v0, $0x8  }
0x157: {  	(v2sf) =	vpush v0, $0x9  }
0x158: {  	(v2sf) =	vpush v0, $0xA  }
0x159: {  	(v2sf) =	vpush v0, $0xB  }
0x15a: {  	(v2sf) =	vpush v0, $0xC  }
0x15b: {  	(v2sf) =	vpush v0, $0xD  }
0x15c: {  	(v2sf) =	vpush v0, $0xE  }
0x15d: {  	s0 =	spop (v2sf);
	(v2sf) =	vpush v0, $0xF  }
0x15e: {  	s1 =	spop (v2sf)  }
0x15f: {  	s2 =	spop (v2sf)  }
0x160: {  	s3 =	spop (v2sf)  }
0x161: {  	s5 =	spop (v2sf)  }
0x162: {  	s6 =	spop (v2sf)  }
0x163: {  	s7 =	spop (v2sf)  }
0x164: {  	s9 =	spop (v2sf)  }
0x165: {  	s0 =	smax.f32 s0, s1;
	s12 =	spop (v2sf)  }
0x166: {  	s3 =	smax.f32 s2, s3;
	s13 =	spop (v2sf)  }
0x167: {  	s0 =	smax.f32 s0, s3;
	s14 =	spop (v2sf)  }
0x168: {  	s6 =	smax.f32 s5, s6;
	s24 =	spop (v2sf)  }
0x169: {  	s9 =	smax.f32 s7, s9;
	s25 =	spop (v2sf)  }
0x16a: {  	s13 =	smax.f32 s12, s13;
	s29 =	spop (v2sf)  }
0x16b: {  	s12 =	smax.f32 s6, s9;
	s30 =	spop (v2sf)  }
0x16c: {  	s24 =	smax.f32 s14, s24;
	s31 =	spop (v2sf)  }
0x16d: {  	s25 =	smax.f32 s25, s29;
	s31 =	smax.f32 s30, s31  }
0x16e: {  	s13 =	smax.f32 s13, s24;
	s14 =	smax.f32 s25, s31  }
0x16f: {  	s0 =	smax.f32 s0, s12;
	s24 =	smax.f32 s13, s14  }
0x170: {  	s0 =	smax.f32 s0, s24  }
0x171: {  	v1 =	vld [tilespmem:$0x10000];
	v0 =	vmov s0  }
0x172: {  	v2 =	vld [tilespmem:$0x10010];
	vm0 =	vgt.f32 v0, $0.0e+00  }
0x173: {  	v3 =	vld [tilespmem:$0x10020];
	v0 =	vnsel vm0, $0x3F800000, v0  }
0x174: {  	v5 =	vld [tilespmem:$0x10030];
	v4 =	vmul.f32 $1.666666720e-01, v0;
	_ =	sdelay $0x1  }
0x175: {  	(erf) = vrcp.f32 v0;
	v0 =	vmul.f32 v1, v4  }
0x176: {  	v1 =	vmul.f32 v2, v4  }
0x177: {  	[tilespmem:$0x10080] =	vst v0;
	v0 =	vmul.f32 v3, v4  }
0x178: {  	[tilespmem:$0x10090] =	vst v1;
	v1 =	vmul.f32 v5, v4  }
0x179: {  	[tilespmem:$0x100A0] =	vst v0  }
0x17a: {  	s25 =	simm.s32 $0x170;
	[tilespmem:$0x100B0] =	vst v1  }
0x17b: {  	v1 =	vld [tilespmem:s25+$0x0]  }
0x17c: {  	v2 =	vld [tilespmem:s25+$0xFFFFFFA0]  }
0x17d: {  	v3 =	vld [tilespmem:s25+$0xFFFFFFB0]  }
0x17e: {  	v4 =	vld [tilespmem:s25+$0xFFFFFFC0]  }
0x17f: {  	v5 =	vld [tilespmem:s25+$0xFFFFFF90]  }
0x180: {  	v6 =	vld [tilespmem:s25+$0xFFFFFFD0]  }
0x181: {  	v7 =	vld [tilespmem:s25+$0xFFFFFFE0];
	v0 =	vpop (erf)  }
0x182: {  	s31 =	simm.s32 $0x370;
	v8 =	vld [tilespmem:s25+$0xFFFFFFF0];
	v0 =	vmul.f32 $2.400000000e+01, v0  }
0x183: {  	v11 =	vld [tilespmem:s31+$0xFFFFFFB0]  }
0x184: {  	v12 =	vld [tilespmem:s31+$0xFFFFFFC0];
	v1 =	vmul.f32 v1, v0;
	v2 =	vmul.f32 v2, v0  }
0x185: {  	v3 =	vmul.f32 v3, v0;
	v4 =	vmul.f32 v4, v0  }
0x186: {  	v5 =	vmul.f32 v5, v0;
	v6 =	vmul.f32 v6, v0  }
0x187: {  	v7 =	vmul.f32 v7, v0;
	v8 =	vmul.f32 v8, v0;
	v1 =	vadd.f32 $2.400000000e+01, v1  }
0x188: {  	v11 =	vmul.f32 v11, v0;
	v2 =	vadd.f32 $2.400000000e+01, v2;
	v3 =	vadd.f32 $2.400000000e+01, v3  }
0x189: {  	v12 =	vmul.f32 v12, v0;
	v5 =	vadd.f32 $2.400000000e+01, v5;
	v1 =	vtrunc.f32 v1  }
0x18a: {  	v9 =	vld [tilespmem:s31+$0x0];
	v4 =	vadd.f32 $2.400000000e+01, v4;
	v2 =	vtrunc.f32 v2;
	v3 =	vtrunc.f32 v3  }
0x18b: {  	v10 =	vld [tilespmem:s31+$0xFFFFFFA0];
	v6 =	vadd.f32 $2.400000000e+01, v6;
	v5 =	vtrunc.f32 v5;
	v1 =	vcvt.f32.s32 v1  }
0x18c: {  	v4 =	vtrunc.f32 v4;
	v5 =	vcvt.f32.s32 v5  }
0x18d: {  	v15 =	vld [tilespmem:s31+$0xFFFFFFE0];
	v6 =	vtrunc.f32 v6;
	v2 =	vcvt.f32.s32 v2  }
0x18e: {  	v13 =	vld [tilespmem:s31+$0xFFFFFFD0];
	v7 =	vadd.f32 $2.400000000e+01, v7;
	v3 =	vcvt.f32.s32 v3;
	v14 =	vcvt.f32.s32 v4  }
0x18f: {  	v16 =	vld [tilespmem:s31+$0xFFFFFF90];
	v8 =	vadd.f32 $2.400000000e+01, v8;
	v4 =	vmul.f32 v9, v0;
	v6 =	vcvt.f32.s32 v6  }
0x190: {  	v7 =	vtrunc.f32 v7;
	v9 =	vmul.f32 v10, v0;
	v10 =	vld [tilespmem:s31+$0xFFFFFFF0]  }
0x191: {  	v8 =	vtrunc.f32 v8;
	v7 =	vcvt.f32.s32 v7;
	v4 =	vadd.f32 $2.400000000e+01, v4;
	v1 =	vld.idx.msk [tilespmem:v1+s19+$0x0], $0xffff  }
0x192: {  	v15 =	vmul.f32 v15, v0;
	v8 =	vcvt.f32.s32 v8;
	v17 =	vld.idx.msk [tilespmem:v5+s19+$0x0], $0xffff  }
0x193: {  	v11 =	vadd.f32 $2.400000000e+01, v11;
	v5 =	vmul.f32 v13, v0;
	v13 =	vtrunc.f32 v4;
	v4 =	vld.idx.msk [tilespmem:v2+s19+$0x0], $0xffff  }
0x194: {  	v12 =	vadd.f32 $2.400000000e+01, v12;
	v9 =	vadd.f32 $2.400000000e+01, v9;
	v3 =	vld.idx.msk [tilespmem:v3+s19+$0x0], $0xffff;
	v2 =	vcvt.f32.s32 v13  }
0x195: {  	v15 =	vadd.f32 $2.400000000e+01, v15;
	v11 =	vtrunc.f32 v11;
	v10 =	vmul.f32 v10, v0;
	v6 =	vld.idx.msk [tilespmem:v6+s19+$0x0], $0xffff  }
0x196: {  	s30 =	simm.s32 $0x8170;
	v18 =	vtrunc.f32 v9;
	v9 =	vadd.f32 $2.400000000e+01, v5;
	v5 =	vld.idx.msk [tilespmem:v14+s19+$0x0], $0xffff;
	v14 =	vmul.f32 v16, v0  }
0x197: {  	v12 =	vtrunc.f32 v12;
	v7 =	vld.idx.msk [tilespmem:v7+s19+$0x0], $0xffff;
	v13 =	vadd.f32 $2.400000000e+01, v10;
	v10 =	vtrunc.f32 v15;
	[tilespmem:s30+$0x0] =	vst v1  }
0x198: {  	s1 =	simm.s32 $0x80;
	s29 =	simm.s32 $0x0;
	s0 =	simm.s32 $0x570;
	v8 =	vld.idx.msk [tilespmem:v8+s19+$0x0], $0xffff;
	v9 =	vtrunc.f32 v9;
	v14 =	vadd.f32 $2.400000000e+01, v14;
	v1 =	vcvt.f32.s32 v18;
	[tilespmem:s30+$0xFFFFFF90] =	vst v17  }
.LBB2_13:
0x199: {  	v15 =	vld [tilespmem:s0+$0x0];
	v11 =	vcvt.f32.s32 v11;
	v13 =	vtrunc.f32 v13;
	[tilespmem:s30+$0xFFFFFFA0] =	vst v4  }
0x19a: {  	s1 =	sadd.s32 $0x80, s1;
	v12 =	vcvt.f32.s32 v12;
	v4 =	vtrunc.f32 v14;
	v2 =	vld.idx.msk [tilespmem:v2+s19+$0x0], $0xffff;
	[tilespmem:s30+$0xFFFFFFB0] =	vst v3  }
0x19b: {  	v9 =	vcvt.f32.s32 v9;
	p1 =	slt.u32 s1, $0xF80;
	v3 =	vld [tilespmem:s0+$0xFFFFFFA0];
	v4 =	vcvt.f32.s32 v4;
	[tilespmem:s30+$0xFFFFFFC0] =	vst v5  }
0x19c: {  	v10 =	vcvt.f32.s32 v10;
	v16 =	vcvt.f32.s32 v13;
	v5 =	vld [tilespmem:s0+$0xFFFFFFB0];
	[tilespmem:s30+$0xFFFFFFD0] =	vst v6  }
0x19d: {  	v6 =	vld [tilespmem:s0+$0xFFFFFFC0];
	[tilespmem:s30+$0xFFFFFFE0] =	vst v7  }
0x19e: {  	v7 =	vld [tilespmem:s0+$0xFFFFFFD0];
	[tilespmem:s30+$0xFFFFFFF0] =	vst v8  }
0x19f: {  	v13 =	vmul.f32 v15, v0;
	s30 =	sadd.s32 $0x200, s30;
	v8 =	vld [tilespmem:s0+$0xFFFFFFE0]  }
0x1a0: {  	v3 =	vmul.f32 v3, v0;
	v14 =	vld [tilespmem:s0+$0xFFFFFFF0];
	[tilespmem:s30+$0x0] =	vst v2  }
0x1a1: {  	v15 =	vld [tilespmem:s0+$0xFFFFFF90];
	v2 =	vmul.f32 v5, v0;
	v5 =	vadd.f32 $2.400000000e+01, v13  }
0x1a2: {  	v13 =	vadd.f32 $2.400000000e+01, v3;
	v3 =	vmul.f32 v6, v0;
	v17 =	vld.idx.msk [tilespmem:v4+s19+$0x0], $0xffff  }
0x1a3: {  	v6 =	vadd.f32 $2.400000000e+01, v2;
	v7 =	vmul.f32 v7, v0;
	v2 =	vtrunc.f32 v5;
	v4 =	vld.idx.msk [tilespmem:v1+s19+$0x0], $0xffff  }
.Ltmp7:
0x1a4: {  	v1 =	vadd.f32 $2.400000000e+01, v3;
	v8 =	vmul.f32 v8, v0;
	v2 =	vcvt.f32.s32 v2;
	v3 =	vld.idx.msk [tilespmem:v11+s19+$0x0], $0xffff;
	(pc) =	sbr.rel @p1 .LBB2_13-.Ltmp7, $4  }
0x1a5: {  	v18 =	vtrunc.f32 v13;
	v7 =	vadd.f32 $2.400000000e+01, v7;
	v13 =	vmul.f32 v14, v0;
	v5 =	vld.idx.msk [tilespmem:v12+s19+$0x0], $0xffff  }
0x1a6: {  	v11 =	vtrunc.f32 v6;
	v14 =	vmul.f32 v15, v0;
	v8 =	vadd.f32 $2.400000000e+01, v8;
	v6 =	vld.idx.msk [tilespmem:v9+s19+$0x0], $0xffff  }
0x1a7: {  	v12 =	vtrunc.f32 v1;
	v9 =	vtrunc.f32 v7;
	v13 =	vadd.f32 $2.400000000e+01, v13;
	v7 =	vld.idx.msk [tilespmem:v10+s19+$0x0], $0xffff  }
0x1a8: {  	s0 =	sadd.s32 $0x200, s0;
	v1 =	vcvt.f32.s32 v18;
	v14 =	vadd.f32 $2.400000000e+01, v14;
	v10 =	vtrunc.f32 v8;
	[tilespmem:s30+$0xFFFFFF90] =	vst v17;
	v8 =	vld.idx.msk [tilespmem:v16+s19+$0x0], $0xffff  }
0x1a9: {  	_ = 	snop  }
0x1aa: {  	v0 =	vtrunc.f32 v14  }
0x1ab: {  	v0 =	vcvt.f32.s32 v0  }
0x1ac: {  	v11 =	vcvt.f32.s32 v11  }
0x1ad: {  	v12 =	vcvt.f32.s32 v12  }
0x1ae: {  	[tilespmem:s30+$0xFFFFFFA0] =	vst v4;
	v4 =	vcvt.f32.s32 v9  }
0x1af: {  	v9 =	vtrunc.f32 v13;
	v2 =	vld.idx.msk [tilespmem:v2+s19+$0x0], $0xffff;
	[tilespmem:s30+$0xFFFFFFB0] =	vst v3;
	v3 =	vcvt.f32.s32 v10  }
0x1b0: {  	[tilespmem:s30+$0xFFFFFFC0] =	vst v5;
	v5 =	vcvt.f32.s32 v9;
	v1 =	vld.idx.msk [tilespmem:v1+s19+$0x0], $0xffff  }
0x1b1: {  	[tilespmem:s30+$0xFFFFFFD0] =	vst v6;
	v0 =	vld.idx.msk [tilespmem:v0+s19+$0x0], $0xffff  }
0x1b2: {  	[tilespmem:s30+$0xFFFFFFE0] =	vst v7;
	v6 =	vld.idx.msk [tilespmem:v11+s19+$0x0], $0xffff  }
0x1b3: {  	s0 =	sadd.s32 $0x200, s30;
	[tilespmem:s30+$0xFFFFFFF0] =	vst v8;
	v7 =	vld.idx.msk [tilespmem:v12+s19+$0x0], $0xffff  }
0x1b4: {  	[tilespmem:s0+$0x0] =	vst v2;
	v2 =	vld.idx.msk [tilespmem:v4+s19+$0x0], $0xffff  }
0x1b5: {  	v3 =	vld.idx.msk [tilespmem:v3+s19+$0x0], $0xffff;
	[tilespmem:s0+$0xFFFFFFA0] =	vst v1  }
0x1b6: {  	[tilespmem:s0+$0xFFFFFF90] =	vst v0;
	v0 =	vld.idx.msk [tilespmem:v5+s19+$0x0], $0xffff  }
0x1b7: {  	[tilespmem:s0+$0xFFFFFFB0] =	vst v6  }
0x1b8: {  	[tilespmem:s0+$0xFFFFFFC0] =	vst v7  }
0x1b9: {  	[tilespmem:s0+$0xFFFFFFD0] =	vst v2  }
0x1ba: {  	[tilespmem:s0+$0xFFFFFFE0] =	vst v3  }
0x1bb: {  	s1 =	simm.s32 $0x1F0;
	[tilespmem:s0+$0xFFFFFFF0] =	vst v0  }
0x1bc: {  	v2 =	vld [tilespmem:s1+$0xFFFFFFB0]  }
0x1bd: {  	v0 =	vld [tilespmem:s1+$0x0]  }
0x1be: {  	v3 =	vld [tilespmem:s1+$0xFFFFFFE0]  }
0x1bf: {  	v1 =	vld [tilespmem:s1+$0xFFFFFFD0]  }
0x1c0: {  	v10 =	vld [tilespmem:s1+$0xFFFFFF90]  }
0x1c1: {  	v8 =	vld [tilespmem:s1+$0xFFFFFFA0]  }
0x1c2: {  	v4 =	vimm.f32 $0.0e+00;
	v9 =	vld [tilespmem:s1+$0xFFFFFFC0];
	v2 =	vand.u32 $0x7FFFFFFF, v2  }
0x1c3: {  	v7 =	vimm.f32 $0.0e+00;
	v6 =	vimm.f32 $0.0e+00;
	s0 =	simm.s32 $0x3F0;
	v5 =	vld [tilespmem:s1+$0xFFFFFFF0];
	v2 =	vmax.f32 v4, v2  }
.LBB2_15:
0x1c4: {  	v11 =	vld [tilespmem:s0+$0xFFFFFFB0];
	s29 =	sadd.s32 $0x80, s29  }
0x1c5: {  	v12 =	vand.u32 $0x7FFFFFFF, v3;
	v13 =	vand.u32 $0x7FFFFFFF, v0;
	p1 =	slt.u32 s29, $0xF80;
	v10 =	vand.u32 $0x7FFFFFFF, v10;
	v0 =	vld [tilespmem:s0+$0x0]  }
0x1c6: {  	v3 =	vld [tilespmem:s0+$0xFFFFFFE0];
	v4 =	vmax.f32 v4, v10;
	v8 =	vand.u32 $0x7FFFFFFF, v8;
	v10 =	vand.u32 $0x7FFFFFFF, v1  }
.Ltmp8:
0x1c7: {  	v1 =	vld [tilespmem:s0+$0xFFFFFFD0];
	v7 =	vmax.f32 v7, v8;
	v8 =	vand.u32 $0x7FFFFFFF, v9;
	v4 =	vmax.f32 v4, v10;
	(pc) =	sbr.rel @p1 .LBB2_15-.Ltmp8, $4  }
0x1c8: {  	v10 =	vld [tilespmem:s0+$0xFFFFFF90];
	v6 =	vmax.f32 v6, v8;
	v7 =	vmax.f32 v7, v12;
	v5 =	vand.u32 $0x7FFFFFFF, v5  }
0x1c9: {  	v8 =	vld [tilespmem:s0+$0xFFFFFFA0];
	v9 =	vand.u32 $0x7FFFFFFF, v11;
	v2 =	vmax.f32 v2, v5;
	v6 =	vmax.f32 v6, v13  }
0x1ca: {  	v2 =	vmax.f32 v2, v9;
	v9 =	vld [tilespmem:s0+$0xFFFFFFC0]  }
0x1cb: {  	v5 =	vld [tilespmem:s0+$0xFFFFFFF0];
	s0 =	sadd.s32 $0x200, s0  }
0x1cc: {  	_ = 	snop  }
0x1cd: {  	v3 =	vand.u32 $0x7FFFFFFF, v3;
	v0 =	vand.u32 $0x7FFFFFFF, v0  }
0x1ce: {  	v1 =	vand.u32 $0x7FFFFFFF, v1;
	v10 =	vand.u32 $0x7FFFFFFF, v10;
	v8 =	vand.u32 $0x7FFFFFFF, v8  }
0x1cf: {  	v4 =	vmax.f32 v4, v10;
	v7 =	vmax.f32 v7, v8;
	v8 =	vand.u32 $0x7FFFFFFF, v9  }
0x1d0: {  	v1 =	vmax.f32 v4, v1;
	v4 =	vmax.f32 v6, v8;
	v5 =	vand.u32 $0x7FFFFFFF, v5  }
0x1d1: {  	v3 =	vmax.f32 v7, v3;
	v2 =	vmax.f32 v2, v5;
	v0 =	vmax.f32 v4, v0  }
0x1d2: {  	v1 =	vmax.f32 v1, v3;
	v0 =	vmax.f32 v2, v0  }
0x1d3: {  	v0 =	vmax.f32 v1, v0  }
0x1d4: {  	(v2sf) =	vpush v0, $0x0  }
0x1d5: {  	(v2sf) =	vpush v0, $0x1  }
0x1d6: {  	(v2sf) =	vpush v0, $0x2  }
0x1d7: {  	(v2sf) =	vpush v0, $0x3  }
0x1d8: {  	(v2sf) =	vpush v0, $0x4  }
0x1d9: {  	(v2sf) =	vpush v0, $0x5  }
0x1da: {  	(v2sf) =	vpush v0, $0x6  }
0x1db: {  	(v2sf) =	vpush v0, $0x7  }
0x1dc: {  	(v2sf) =	vpush v0, $0x8  }
0x1dd: {  	(v2sf) =	vpush v0, $0x9  }
0x1de: {  	(v2sf) =	vpush v0, $0xA  }
0x1df: {  	(v2sf) =	vpush v0, $0xB  }
0x1e0: {  	(v2sf) =	vpush v0, $0xC  }
0x1e1: {  	(v2sf) =	vpush v0, $0xD  }
0x1e2: {  	(v2sf) =	vpush v0, $0xE  }
0x1e3: {  	s0 =	spop (v2sf);
	(v2sf) =	vpush v0, $0xF  }
0x1e4: {  	s1 =	spop (v2sf)  }
0x1e5: {  	s2 =	spop (v2sf)  }
0x1e6: {  	s3 =	spop (v2sf)  }
0x1e7: {  	s5 =	spop (v2sf)  }
0x1e8: {  	s6 =	spop (v2sf)  }
0x1e9: {  	s7 =	spop (v2sf)  }
0x1ea: {  	s9 =	spop (v2sf)  }
0x1eb: {  	s0 =	smax.f32 s0, s1;
	s12 =	spop (v2sf)  }
0x1ec: {  	s2 =	smax.f32 s2, s3;
	s13 =	spop (v2sf)  }
0x1ed: {  	s0 =	smax.f32 s0, s2;
	s14 =	spop (v2sf)  }
0x1ee: {  	s3 =	smax.f32 s5, s6;
	s24 =	spop (v2sf)  }
0x1ef: {  	s5 =	smax.f32 s7, s9;
	s25 =	spop (v2sf)  }
0x1f0: {  	s6 =	smax.f32 s12, s13;
	s29 =	spop (v2sf)  }
0x1f1: {  	s13 =	smax.f32 s3, s5;
	s30 =	spop (v2sf)  }
0x1f2: {  	s7 =	smax.f32 s14, s24;
	s31 =	spop (v2sf)  }
0x1f3: {  	s9 =	smax.f32 s25, s29;
	s12 =	smax.f32 s30, s31  }
0x1f4: {  	s14 =	smax.f32 s6, s7;
	s24 =	smax.f32 s9, s12  }
0x1f5: {  	s0 =	smax.f32 s0, s13;
	s25 =	smax.f32 s14, s24  }
0x1f6: {  	s0 =	smax.f32 s0, s25  }
0x1f7: {  	v1 =	vld [tilespmem:$0x10000];
	v0 =	vmov s0  }
0x1f8: {  	v2 =	vld [tilespmem:$0x10010];
	vm0 =	vgt.f32 v0, $0.0e+00  }
0x1f9: {  	v3 =	vld [tilespmem:$0x10020];
	v0 =	vnsel vm0, $0x3F800000, v0  }
0x1fa: {  	v5 =	vld [tilespmem:$0x10030];
	v4 =	vmul.f32 $1.666666720e-01, v0;
	_ =	sdelay $0x1  }
0x1fb: {  	(erf) = vrcp.f32 v0;
	v0 =	vmul.f32 v1, v4  }
0x1fc: {  	v1 =	vmul.f32 v2, v4  }
0x1fd: {  	[tilespmem:$0x10080] =	vst v0;
	v0 =	vmul.f32 v3, v4  }
0x1fe: {  	[tilespmem:$0x10090] =	vst v1;
	v1 =	vmul.f32 v5, v4  }
0x1ff: {  	[tilespmem:$0x100A0] =	vst v0  }
0x200: {  	s30 =	simm.s32 $0x1F0;
	[tilespmem:$0x100B0] =	vst v1  }
0x201: {  	v1 =	vld [tilespmem:s30+$0x0]  }
0x202: {  	v2 =	vld [tilespmem:s30+$0xFFFFFFA0]  }
0x203: {  	v3 =	vld [tilespmem:s30+$0xFFFFFFB0]  }
0x204: {  	v4 =	vld [tilespmem:s30+$0xFFFFFFC0]  }
0x205: {  	v5 =	vld [tilespmem:s30+$0xFFFFFF90]  }
0x206: {  	v6 =	vld [tilespmem:s30+$0xFFFFFFD0]  }
0x207: {  	v7 =	vld [tilespmem:s30+$0xFFFFFFE0];
	v0 =	vpop (erf)  }
0x208: {  	s31 =	simm.s32 $0x3F0;
	v8 =	vld [tilespmem:s30+$0xFFFFFFF0];
	v0 =	vmul.f32 $2.400000000e+01, v0  }
0x209: {  	v11 =	vld [tilespmem:s31+$0xFFFFFFB0]  }
0x20a: {  	v12 =	vld [tilespmem:s31+$0xFFFFFFC0];
	v1 =	vmul.f32 v1, v0;
	v2 =	vmul.f32 v2, v0  }
0x20b: {  	v3 =	vmul.f32 v3, v0;
	v4 =	vmul.f32 v4, v0  }
0x20c: {  	v5 =	vmul.f32 v5, v0;
	v6 =	vmul.f32 v6, v0  }
0x20d: {  	v7 =	vmul.f32 v7, v0;
	v8 =	vmul.f32 v8, v0;
	v1 =	vadd.f32 $2.400000000e+01, v1  }
0x20e: {  	v11 =	vmul.f32 v11, v0;
	v2 =	vadd.f32 $2.400000000e+01, v2;
	v3 =	vadd.f32 $2.400000000e+01, v3  }
0x20f: {  	v12 =	vmul.f32 v12, v0;
	v5 =	vadd.f32 $2.400000000e+01, v5;
	v1 =	vtrunc.f32 v1  }
0x210: {  	v9 =	vld [tilespmem:s31+$0x0];
	v4 =	vadd.f32 $2.400000000e+01, v4;
	v2 =	vtrunc.f32 v2;
	v3 =	vtrunc.f32 v3  }
0x211: {  	v10 =	vld [tilespmem:s31+$0xFFFFFFA0];
	v6 =	vadd.f32 $2.400000000e+01, v6;
	v5 =	vtrunc.f32 v5;
	v1 =	vcvt.f32.s32 v1  }
0x212: {  	v4 =	vtrunc.f32 v4;
	v5 =	vcvt.f32.s32 v5  }
0x213: {  	v15 =	vld [tilespmem:s31+$0xFFFFFFE0];
	v6 =	vtrunc.f32 v6;
	v2 =	vcvt.f32.s32 v2  }
0x214: {  	v13 =	vld [tilespmem:s31+$0xFFFFFFD0];
	v7 =	vadd.f32 $2.400000000e+01, v7;
	v3 =	vcvt.f32.s32 v3;
	v14 =	vcvt.f32.s32 v4  }
0x215: {  	v16 =	vld [tilespmem:s31+$0xFFFFFF90];
	v8 =	vadd.f32 $2.400000000e+01, v8;
	v4 =	vmul.f32 v9, v0;
	v6 =	vcvt.f32.s32 v6  }
0x216: {  	v7 =	vtrunc.f32 v7;
	v9 =	vmul.f32 v10, v0;
	v10 =	vld [tilespmem:s31+$0xFFFFFFF0]  }
0x217: {  	v8 =	vtrunc.f32 v8;
	v7 =	vcvt.f32.s32 v7;
	v4 =	vadd.f32 $2.400000000e+01, v4;
	v1 =	vld.idx.msk [tilespmem:v1+s19+$0x0], $0xffff  }
0x218: {  	v15 =	vmul.f32 v15, v0;
	v8 =	vcvt.f32.s32 v8;
	v17 =	vld.idx.msk [tilespmem:v5+s19+$0x0], $0xffff  }
0x219: {  	v11 =	vadd.f32 $2.400000000e+01, v11;
	v5 =	vmul.f32 v13, v0;
	v13 =	vtrunc.f32 v4;
	v4 =	vld.idx.msk [tilespmem:v2+s19+$0x0], $0xffff  }
0x21a: {  	v12 =	vadd.f32 $2.400000000e+01, v12;
	v9 =	vadd.f32 $2.400000000e+01, v9;
	v3 =	vld.idx.msk [tilespmem:v3+s19+$0x0], $0xffff;
	v2 =	vcvt.f32.s32 v13  }
0x21b: {  	v15 =	vadd.f32 $2.400000000e+01, v15;
	v11 =	vtrunc.f32 v11;
	v10 =	vmul.f32 v10, v0;
	v6 =	vld.idx.msk [tilespmem:v6+s19+$0x0], $0xffff  }
0x21c: {  	s29 =	simm.s32 $0x81F0;
	v18 =	vtrunc.f32 v9;
	v9 =	vadd.f32 $2.400000000e+01, v5;
	v5 =	vld.idx.msk [tilespmem:v14+s19+$0x0], $0xffff;
	v14 =	vmul.f32 v16, v0  }
0x21d: {  	v12 =	vtrunc.f32 v12;
	v7 =	vld.idx.msk [tilespmem:v7+s19+$0x0], $0xffff;
	v13 =	vadd.f32 $2.400000000e+01, v10;
	v10 =	vtrunc.f32 v15;
	[tilespmem:s29+$0x0] =	vst v1  }
0x21e: {  	s1 =	simm.s32 $0x80;
	s0 =	simm.s32 $0x5F0;
	v8 =	vld.idx.msk [tilespmem:v8+s19+$0x0], $0xffff;
	v9 =	vtrunc.f32 v9;
	v14 =	vadd.f32 $2.400000000e+01, v14;
	v1 =	vcvt.f32.s32 v18;
	[tilespmem:s29+$0xFFFFFF90] =	vst v17  }
.LBB2_17:
0x21f: {  	v15 =	vld [tilespmem:s0+$0x0];
	v11 =	vcvt.f32.s32 v11;
	v13 =	vtrunc.f32 v13;
	[tilespmem:s29+$0xFFFFFFA0] =	vst v4  }
0x220: {  	s1 =	sadd.s32 $0x80, s1;
	v12 =	vcvt.f32.s32 v12;
	v4 =	vtrunc.f32 v14;
	v2 =	vld.idx.msk [tilespmem:v2+s19+$0x0], $0xffff;
	[tilespmem:s29+$0xFFFFFFB0] =	vst v3  }
0x221: {  	v9 =	vcvt.f32.s32 v9;
	p1 =	slt.u32 s1, $0xF80;
	v3 =	vld [tilespmem:s0+$0xFFFFFFA0];
	v4 =	vcvt.f32.s32 v4;
	[tilespmem:s29+$0xFFFFFFC0] =	vst v5  }
0x222: {  	v10 =	vcvt.f32.s32 v10;
	v16 =	vcvt.f32.s32 v13;
	v5 =	vld [tilespmem:s0+$0xFFFFFFB0];
	[tilespmem:s29+$0xFFFFFFD0] =	vst v6  }
0x223: {  	v6 =	vld [tilespmem:s0+$0xFFFFFFC0];
	[tilespmem:s29+$0xFFFFFFE0] =	vst v7  }
0x224: {  	v7 =	vld [tilespmem:s0+$0xFFFFFFD0];
	[tilespmem:s29+$0xFFFFFFF0] =	vst v8  }
0x225: {  	v13 =	vmul.f32 v15, v0;
	s29 =	sadd.s32 $0x200, s29;
	v8 =	vld [tilespmem:s0+$0xFFFFFFE0]  }
0x226: {  	v3 =	vmul.f32 v3, v0;
	v14 =	vld [tilespmem:s0+$0xFFFFFFF0];
	[tilespmem:s29+$0x0] =	vst v2  }
0x227: {  	v15 =	vld [tilespmem:s0+$0xFFFFFF90];
	v2 =	vmul.f32 v5, v0;
	v5 =	vadd.f32 $2.400000000e+01, v13  }
0x228: {  	v13 =	vadd.f32 $2.400000000e+01, v3;
	v3 =	vmul.f32 v6, v0;
	v17 =	vld.idx.msk [tilespmem:v4+s19+$0x0], $0xffff  }
0x229: {  	v6 =	vadd.f32 $2.400000000e+01, v2;
	v7 =	vmul.f32 v7, v0;
	v2 =	vtrunc.f32 v5;
	v4 =	vld.idx.msk [tilespmem:v1+s19+$0x0], $0xffff  }
.Ltmp9:
0x22a: {  	v1 =	vadd.f32 $2.400000000e+01, v3;
	v8 =	vmul.f32 v8, v0;
	v2 =	vcvt.f32.s32 v2;
	v3 =	vld.idx.msk [tilespmem:v11+s19+$0x0], $0xffff;
	(pc) =	sbr.rel @p1 .LBB2_17-.Ltmp9, $4  }
0x22b: {  	v18 =	vtrunc.f32 v13;
	v7 =	vadd.f32 $2.400000000e+01, v7;
	v13 =	vmul.f32 v14, v0;
	v5 =	vld.idx.msk [tilespmem:v12+s19+$0x0], $0xffff  }
0x22c: {  	v11 =	vtrunc.f32 v6;
	v14 =	vmul.f32 v15, v0;
	v8 =	vadd.f32 $2.400000000e+01, v8;
	v6 =	vld.idx.msk [tilespmem:v9+s19+$0x0], $0xffff  }
0x22d: {  	v12 =	vtrunc.f32 v1;
	v9 =	vtrunc.f32 v7;
	v13 =	vadd.f32 $2.400000000e+01, v13;
	v7 =	vld.idx.msk [tilespmem:v10+s19+$0x0], $0xffff  }
0x22e: {  	s0 =	sadd.s32 $0x200, s0;
	v1 =	vcvt.f32.s32 v18;
	v14 =	vadd.f32 $2.400000000e+01, v14;
	v10 =	vtrunc.f32 v8;
	[tilespmem:s29+$0xFFFFFF90] =	vst v17;
	v8 =	vld.idx.msk [tilespmem:v16+s19+$0x0], $0xffff  }
0x22f: {  	v11 =	vcvt.f32.s32 v11  }
0x230: {  	v12 =	vcvt.f32.s32 v12  }
0x231: {  	v56 =	vcvt.f32.s32 v9  }
0x232: {  	[tilespmem:s29+$0xFFFFFFA0] =	vst v4;
	v57 =	vtrunc.f32 v13;
	v58 =	vcvt.f32.s32 v10  }
0x233: {  	v2 =	vld.idx.msk [tilespmem:v2+s19+$0x0], $0xffff;
	[tilespmem:s29+$0xFFFFFFB0] =	vst v3;
	v0 =	vtrunc.f32 v14;
	v59 =	vcvt.f32.s32 v57  }
0x234: {  	[tilespmem:s29+$0xFFFFFFC0] =	vst v5;
	v1 =	vld.idx.msk [tilespmem:v1+s19+$0x0], $0xffff;
	v0 =	vcvt.f32.s32 v0  }
0x235: {  	[tilespmem:s29+$0xFFFFFFD0] =	vst v6;
	v60 =	vld.idx.msk [tilespmem:v11+s19+$0x0], $0xffff  }
0x236: {  	[tilespmem:s29+$0xFFFFFFE0] =	vst v7;
	v61 =	vld.idx.msk [tilespmem:v12+s19+$0x0], $0xffff  }
0x237: {  	s0 =	sadd.s32 $0x200, s29;
	[tilespmem:s29+$0xFFFFFFF0] =	vst v8;
	v62 =	vld.idx.msk [tilespmem:v56+s19+$0x0], $0xffff  }
0x238: {  	[tilespmem:s0+$0x0] =	vst v2;
	v3 =	vld.idx.msk [tilespmem:v58+s19+$0x0], $0xffff  }
0x239: {  	[tilespmem:s0+$0xFFFFFFA0] =	vst v1;
	v63 =	vld.idx.msk [tilespmem:v59+s19+$0x0], $0xffff  }
0x23a: {  	v0 =	vld.idx.msk [tilespmem:v0+s19+$0x0], $0xffff;
	[tilespmem:s0+$0xFFFFFFB0] =	vst v60  }
0x23b: {  	p1 =	sne.s32 s26, $0xF;
	[tilespmem:s0+$0xFFFFFFC0] =	vst v61  }
.Ltmp10:
0x23c: {  	[tilespmem:s0+$0xFFFFFFD0] =	vst v62;
	(pc) =	sbr.rel @p1 .LBB2_20-.Ltmp10, $4  }
0x23d: {  	s1 =	sadd.s32 s8, s26;
	[tilespmem:s0+$0xFFFFFFE0] =	vst v3  }
0x23e: {  	s1 =	sshll.u32 s1, $0xC;
	[tilespmem:s0+$0xFFFFFFF0] =	vst v63  }
0x23f: {  	s31 =	sadd.s32 s17, s1;
	[tilespmem:s0+$0xFFFFFF90] =	vst v0  }
0x240: {  	[hbm4b:s31+s15] =	stream.strided.scatter [tilespmem:s20], [sflag:$0x3], $0x4000, s16, s15, $0x38;
	[tilespmem:$0x10100] =	vst v63  }
.Ltmp11:
0x241: {  	(pc) =	sbr.rel .LBB2_21-.Ltmp11, $4  }
0x242: {  	_ = 	snop  }
0x243: {  	_ =	swait.ge [sflag:s21], $0x4000  }
0x244: {  	[sflag:s21] =	ssyncset.done $0x0  }
0x245: {  	[sflag:s21] =	ssyncadd.s32 $0xFFFFC000  }
.LBB2_20:
0x246: {  	s0 =	rddreg [dreg:$0x7]  }
.Ltmp12:
0x247: {  	s1 =	simm.s32 $0x0;
	s0 =	sadd.s32 s28, s0;
	(pc) =	sbr.rel @p0 .LBB2_22-.Ltmp12, $4  }
0x248: {  	[tilespmem:s1], [sflag:$0x1] =	stream.strided.gather [hbm4b:s0+s15], $0x4000, s16, s15, $0x38;
	[tilespmem:$0x10100] =	vst v63  }
0x249: {  	_ =	swait.ge [sflag:s21], $0x4000  }
0x24a: {  	[sflag:s21] =	ssyncset.done $0x0  }
0x24b: {  	[sflag:s21] =	ssyncadd.s32 $0xFFFFC000  }
.LBB2_21:
0x24c: {  	_ =	swait.ge [sflag:s22], $0x4000  }
0x24d: {  	[sflag:s22] =	ssyncset.done $0x0  }
0x24e: {  	[sflag:s22] =	ssyncadd.s32 $0xFFFFC000  }
.LBB2_22:
0x24f: {  	s1 =	simm.s32 $0x4070  }
0x250: {  	v2 =	vld [tilespmem:s1+$0xFFFFFFB0]  }
0x251: {  	v0 =	vld [tilespmem:s1+$0x0]  }
0x252: {  	v3 =	vld [tilespmem:s1+$0xFFFFFFE0]  }
0x253: {  	v1 =	vld [tilespmem:s1+$0xFFFFFFD0]  }
0x254: {  	v10 =	vld [tilespmem:s1+$0xFFFFFF90]  }
0x255: {  	v8 =	vld [tilespmem:s1+$0xFFFFFFA0]  }
0x256: {  	v4 =	vimm.f32 $0.0e+00;
	v9 =	vld [tilespmem:s1+$0xFFFFFFC0];
	v2 =	vand.u32 $0x7FFFFFFF, v2  }
0x257: {  	s0 =	simm.s32 $0x0;
	v7 =	vimm.f32 $0.0e+00;
	v6 =	vimm.f32 $0.0e+00;
	v5 =	vld [tilespmem:s1+$0xFFFFFFF0];
	s1 =	simm.s32 $0x4270;
	v2 =	vmax.f32 v4, v2  }
.LBB2_23:
0x258: {  	v11 =	vld [tilespmem:s1+$0xFFFFFFB0];
	s0 =	sadd.s32 $0x80, s0  }
0x259: {  	v12 =	vand.u32 $0x7FFFFFFF, v3;
	v13 =	vand.u32 $0x7FFFFFFF, v0;
	p0 =	slt.u32 s0, $0xF80;
	v10 =	vand.u32 $0x7FFFFFFF, v10;
	v0 =	vld [tilespmem:s1+$0x0]  }
0x25a: {  	v3 =	vld [tilespmem:s1+$0xFFFFFFE0];
	v4 =	vmax.f32 v4, v10;
	v8 =	vand.u32 $0x7FFFFFFF, v8;
	v10 =	vand.u32 $0x7FFFFFFF, v1  }
.Ltmp13:
0x25b: {  	v1 =	vld [tilespmem:s1+$0xFFFFFFD0];
	v7 =	vmax.f32 v7, v8;
	v8 =	vand.u32 $0x7FFFFFFF, v9;
	v4 =	vmax.f32 v4, v10;
	(pc) =	sbr.rel @p0 .LBB2_23-.Ltmp13, $4  }
0x25c: {  	v10 =	vld [tilespmem:s1+$0xFFFFFF90];
	v6 =	vmax.f32 v6, v8;
	v7 =	vmax.f32 v7, v12;
	v5 =	vand.u32 $0x7FFFFFFF, v5  }
0x25d: {  	v8 =	vld [tilespmem:s1+$0xFFFFFFA0];
	v9 =	vand.u32 $0x7FFFFFFF, v11;
	v2 =	vmax.f32 v2, v5;
	v6 =	vmax.f32 v6, v13  }
0x25e: {  	v2 =	vmax.f32 v2, v9;
	v9 =	vld [tilespmem:s1+$0xFFFFFFC0]  }
0x25f: {  	v5 =	vld [tilespmem:s1+$0xFFFFFFF0];
	s1 =	sadd.s32 $0x200, s1  }
0x260: {  	_ = 	snop  }
0x261: {  	v3 =	vand.u32 $0x7FFFFFFF, v3;
	v0 =	vand.u32 $0x7FFFFFFF, v0  }
0x262: {  	v1 =	vand.u32 $0x7FFFFFFF, v1;
	v10 =	vand.u32 $0x7FFFFFFF, v10;
	v8 =	vand.u32 $0x7FFFFFFF, v8  }
0x263: {  	v4 =	vmax.f32 v4, v10;
	v7 =	vmax.f32 v7, v8;
	v8 =	vand.u32 $0x7FFFFFFF, v9  }
0x264: {  	v1 =	vmax.f32 v4, v1;
	v4 =	vmax.f32 v6, v8;
	v5 =	vand.u32 $0x7FFFFFFF, v5  }
0x265: {  	v3 =	vmax.f32 v7, v3;
	v2 =	vmax.f32 v2, v5;
	v0 =	vmax.f32 v4, v0  }
0x266: {  	v1 =	vmax.f32 v1, v3;
	v0 =	vmax.f32 v2, v0  }
0x267: {  	v0 =	vmax.f32 v1, v0  }
0x268: {  	(v2sf) =	vpush v0, $0x0  }
0x269: {  	(v2sf) =	vpush v0, $0x1  }
0x26a: {  	(v2sf) =	vpush v0, $0x2  }
0x26b: {  	(v2sf) =	vpush v0, $0x3  }
0x26c: {  	(v2sf) =	vpush v0, $0x4  }
0x26d: {  	(v2sf) =	vpush v0, $0x5  }
0x26e: {  	(v2sf) =	vpush v0, $0x6  }
0x26f: {  	(v2sf) =	vpush v0, $0x7  }
0x270: {  	(v2sf) =	vpush v0, $0x8  }
0x271: {  	(v2sf) =	vpush v0, $0x9  }
0x272: {  	(v2sf) =	vpush v0, $0xA  }
0x273: {  	(v2sf) =	vpush v0, $0xB  }
0x274: {  	(v2sf) =	vpush v0, $0xC  }
0x275: {  	(v2sf) =	vpush v0, $0xD  }
0x276: {  	(v2sf) =	vpush v0, $0xE  }
0x277: {  	s0 =	spop (v2sf);
	(v2sf) =	vpush v0, $0xF  }
0x278: {  	s1 =	spop (v2sf)  }
0x279: {  	s2 =	spop (v2sf)  }
0x27a: {  	s3 =	spop (v2sf)  }
0x27b: {  	s5 =	spop (v2sf)  }
0x27c: {  	s6 =	spop (v2sf)  }
0x27d: {  	s7 =	spop (v2sf)  }
0x27e: {  	s9 =	spop (v2sf)  }
0x27f: {  	s0 =	smax.f32 s0, s1;
	s12 =	spop (v2sf)  }
0x280: {  	s2 =	smax.f32 s2, s3;
	s13 =	spop (v2sf)  }
0x281: {  	s0 =	smax.f32 s0, s2;
	s14 =	spop (v2sf)  }
0x282: {  	s3 =	smax.f32 s5, s6;
	s24 =	spop (v2sf)  }
0x283: {  	s5 =	smax.f32 s7, s9;
	s25 =	spop (v2sf)  }
0x284: {  	s6 =	smax.f32 s12, s13;
	s29 =	spop (v2sf)  }
0x285: {  	s13 =	smax.f32 s3, s5;
	s30 =	spop (v2sf)  }
0x286: {  	s7 =	smax.f32 s14, s24;
	s31 =	spop (v2sf)  }
0x287: {  	s9 =	smax.f32 s25, s29;
	s12 =	smax.f32 s30, s31  }
0x288: {  	s14 =	smax.f32 s6, s7;
	s24 =	smax.f32 s9, s12  }
0x289: {  	s0 =	smax.f32 s0, s13;
	s25 =	smax.f32 s14, s24  }
0x28a: {  	s0 =	smax.f32 s0, s25  }
0x28b: {  	v1 =	vld [tilespmem:$0x10000];
	v0 =	vmov s0  }
0x28c: {  	v2 =	vld [tilespmem:$0x10010];
	vm0 =	vgt.f32 v0, $0.0e+00  }
0x28d: {  	v3 =	vld [tilespmem:$0x10020];
	v0 =	vnsel vm0, $0x3F800000, v0  }
0x28e: {  	v5 =	vld [tilespmem:$0x10030];
	v4 =	vmul.f32 $1.666666720e-01, v0  }
0x28f: {  	(erf) = vrcp.f32 v0  }
0x290: {  	v0 =	vmul.f32 v1, v4  }
0x291: {  	v1 =	vmul.f32 v2, v4  }
0x292: {  	[tilespmem:$0x10080] =	vst v0;
	v0 =	vmul.f32 v3, v4  }
0x293: {  	[tilespmem:$0x10090] =	vst v1;
	v1 =	vmul.f32 v5, v4  }
0x294: {  	[tilespmem:$0x100A0] =	vst v0  }
0x295: {  	s29 =	simm.s32 $0x0;
	[tilespmem:$0x100B0] =	vst v1  }
0x296: {  	v1 =	vld [tilespmem:s29+$0x4070];
	_ =	sdelay $0x1  }
0x297: {  	v0 =	vpop (erf)  }
0x298: {  	v2 =	vld [tilespmem:s29+$0x4000];
	v0 =	vmul.f32 $2.400000000e+01, v0  }
0x299: {  	v3 =	vld [tilespmem:s29+$0x4010]  }
0x29a: {  	v4 =	vld [tilespmem:s29+$0x4020];
	v1 =	vmul.f32 v1, v0  }
0x29b: {  	v5 =	vld [tilespmem:s29+$0x4030]  }
0x29c: {  	v6 =	vld [tilespmem:s29+$0x4040];
	v1 =	vadd.f32 $2.400000000e+01, v1  }
0x29d: {  	v7 =	vld [tilespmem:s29+$0x4050]  }
0x29e: {  	v8 =	vld [tilespmem:s29+$0x4060];
	v1 =	vtrunc.f32 v1  }
0x29f: {  	v1 =	vcvt.f32.s32 v1  }
0x2a0: {  	v2 =	vmul.f32 v2, v0;
	v3 =	vmul.f32 v3, v0  }
0x2a1: {  	v4 =	vmul.f32 v4, v0;
	v6 =	vmul.f32 v6, v0  }
0x2a2: {  	v5 =	vmul.f32 v5, v0;
	v7 =	vmul.f32 v7, v0;
	v2 =	vadd.f32 $2.400000000e+01, v2  }
0x2a3: {  	s30 =	simm.s32 $0x200;
	v8 =	vmul.f32 v8, v0;
	v3 =	vadd.f32 $2.400000000e+01, v3;
	v6 =	vadd.f32 $2.400000000e+01, v6  }
0x2a4: {  	v9 =	vld [tilespmem:s30+$0x4070];
	v4 =	vadd.f32 $2.400000000e+01, v4;
	v5 =	vadd.f32 $2.400000000e+01, v5;
	v2 =	vtrunc.f32 v2  }
0x2a5: {  	v8 =	vadd.f32 $2.400000000e+01, v8;
	v3 =	vtrunc.f32 v3;
	v6 =	vtrunc.f32 v6;
	v12 =	vld.idx.msk [tilespmem:v1+s19+$0x0], $0xffff  }
0x2a6: {  	v1 =	vtrunc.f32 v4;
	v4 =	vtrunc.f32 v5;
	v5 =	vadd.f32 $2.400000000e+01, v7;
	v7 =	vld [tilespmem:s30+$0x4000]  }
0x2a7: {  	v10 =	vld [tilespmem:s30+$0x4010];
	v2 =	vcvt.f32.s32 v2;
	v3 =	vcvt.f32.s32 v3  }
0x2a8: {  	v11 =	vld [tilespmem:s30+$0x4020];
	v13 =	vcvt.f32.s32 v1;
	v1 =	vtrunc.f32 v8  }
0x2a9: {  	v8 =	vld [tilespmem:s30+$0x4030];
	v14 =	vcvt.f32.s32 v4;
	v4 =	vmul.f32 v9, v0  }
0x2aa: {  	v15 =	vld [tilespmem:s30+$0x4040];
	v9 =	vcvt.f32.s32 v6;
	v5 =	vtrunc.f32 v5  }
0x2ab: {  	v16 =	vcvt.f32.s32 v5;
	v6 =	vmul.f32 v7, v0;
	v7 =	vld [tilespmem:s30+$0x4050]  }
0x2ac: {  	v17 =	vld [tilespmem:s30+$0x4060];
	v5 =	vmul.f32 v10, v0;
	v4 =	vadd.f32 $2.400000000e+01, v4  }
0x2ad: {  	v11 =	vmul.f32 v11, v0;
	v1 =	vcvt.f32.s32 v1;
	v10 =	vadd.f32 $2.400000000e+01, v6;
	v6 =	vld.idx.msk [tilespmem:v2+s19+$0x0], $0xffff  }
0x2ae: {  	v18 =	vadd.f32 $2.400000000e+01, v5;
	v5 =	vmul.f32 v8, v0;
	v2 =	vtrunc.f32 v4;
	v4 =	vld.idx.msk [tilespmem:v3+s19+$0x0], $0xffff  }
0x2af: {  	v15 =	vmul.f32 v15, v0;
	v8 =	vadd.f32 $2.400000000e+01, v11;
	v3 =	vld.idx.msk [tilespmem:v13+s19+$0x0], $0xffff;
	v2 =	vcvt.f32.s32 v2  }
0x2b0: {  	v11 =	vtrunc.f32 v18;
	v19 =	vadd.f32 $2.400000000e+01, v5;
	v5 =	vld.idx.msk [tilespmem:v14+s19+$0x0], $0xffff;
	v20 =	vmul.f32 v7, v0  }
0x2b1: {  	[tilespmem:s29+$0xC070] =	vst v12;
	v13 =	vadd.f32 $2.400000000e+01, v15;
	v14 =	vmul.f32 v17, v0;
	v12 =	vtrunc.f32 v8;
	v8 =	vld.idx.msk [tilespmem:v16+s19+$0x0], $0xffff  }
0x2b2: {  	s1 =	simm.s32 $0x80;
	s31 =	simm.s32 $0x0;
	s0 =	simm.s32 $0x1000;
	v10 =	vtrunc.f32 v10;
	v7 =	vld.idx.msk [tilespmem:v9+s19+$0x0], $0xffff;
	v9 =	vtrunc.f32 v19;
	v15 =	vadd.f32 $2.400000000e+01, v20  }
.LBB2_25:
0x2b3: {  	s2 =	sshra.s32 s0, $0x2;
	v10 =	vcvt.f32.s32 v10;
	v13 =	vtrunc.f32 v13;
	v14 =	vadd.f32 $2.400000000e+01, v14;
	[tilespmem:s29+$0xC000] =	vst v6;
	v6 =	vld.idx.msk [tilespmem:v1+s19+$0x0], $0xffff  }
0x2b4: {  	s1 =	sadd.s32 $0x80, s1;
	v11 =	vcvt.f32.s32 v11;
	v16 =	vld [tilespmem:s2+$0x4070];
	v1 =	vtrunc.f32 v15;
	[tilespmem:s29+$0xC010] =	vst v4  }
0x2b5: {  	v12 =	vcvt.f32.s32 v12;
	p0 =	slt.u32 s1, $0xF80;
	v4 =	vtrunc.f32 v14;
	v2 =	vld.idx.msk [tilespmem:v2+s19+$0x0], $0xffff;
	[tilespmem:s29+$0xC020] =	vst v3  }
0x2b6: {  	v9 =	vcvt.f32.s32 v9;
	v15 =	vcvt.f32.s32 v13;
	v3 =	vld [tilespmem:s2+$0x4000];
	[tilespmem:s29+$0xC030] =	vst v5  }
0x2b7: {  	v17 =	vcvt.f32.s32 v1;
	v1 =	vcvt.f32.s32 v4;
	v5 =	vld [tilespmem:s2+$0x4010];
	[tilespmem:s29+$0xC040] =	vst v7  }
0x2b8: {  	v4 =	vld [tilespmem:s2+$0x4020];
	[tilespmem:s29+$0xC050] =	vst v8  }
0x2b9: {  	v7 =	vld [tilespmem:s2+$0x4030];
	[tilespmem:s29+$0xC060] =	vst v6;
	s29 =	smov.u32 s30;
	s30 =	smov.u32 s2  }
0x2ba: {  	v6 =	vmul.f32 v16, v0;
	v8 =	vld [tilespmem:s30+$0x4040]  }
0x2bb: {  	v3 =	vmul.f32 v3, v0;
	v13 =	vld [tilespmem:s30+$0x4050];
	[tilespmem:s29+$0xC070] =	vst v2  }
0x2bc: {  	v2 =	vmul.f32 v5, v0;
	v14 =	vld [tilespmem:s30+$0x4060];
	v5 =	vadd.f32 $2.400000000e+01, v6  }
0x2bd: {  	v16 =	vadd.f32 $2.400000000e+01, v3;
	v3 =	vmul.f32 v4, v0;
	v6 =	vld.idx.msk [tilespmem:v10+s19+$0x0], $0xffff  }
.Ltmp14:
0x2be: {  	v18 =	vadd.f32 $2.400000000e+01, v2;
	v7 =	vmul.f32 v7, v0;
	v2 =	vtrunc.f32 v5;
	v4 =	vld.idx.msk [tilespmem:v11+s19+$0x0], $0xffff;
	(pc) =	sbr.rel @p0 .LBB2_25-.Ltmp14, $4  }
0x2bf: {  	v19 =	vadd.f32 $2.400000000e+01, v3;
	v8 =	vmul.f32 v8, v0;
	v2 =	vcvt.f32.s32 v2;
	v3 =	vld.idx.msk [tilespmem:v12+s19+$0x0], $0xffff  }
0x2c0: {  	v10 =	vtrunc.f32 v16;
	v16 =	vadd.f32 $2.400000000e+01, v7;
	v20 =	vmul.f32 v13, v0;
	v5 =	vld.idx.msk [tilespmem:v9+s19+$0x0], $0xffff  }
0x2c1: {  	v11 =	vtrunc.f32 v18;
	v13 =	vadd.f32 $2.400000000e+01, v8;
	v14 =	vmul.f32 v14, v0;
	v7 =	vld.idx.msk [tilespmem:v15+s19+$0x0], $0xffff  }
0x2c2: {  	s0 =	sadd.s32 $0x800, s0;
	v12 =	vtrunc.f32 v19;
	v9 =	vtrunc.f32 v16;
	v15 =	vadd.f32 $2.400000000e+01, v20;
	v8 =	vld.idx.msk [tilespmem:v17+s19+$0x0], $0xffff  }
0x2c3: {  	v0 =	vcvt.f32.s32 v10  }
0x2c4: {  	v10 =	vcvt.f32.s32 v11  }
0x2c5: {  	v11 =	vcvt.f32.s32 v12  }
0x2c6: {  	v61 =	vtrunc.f32 v13;
	v62 =	vadd.f32 $2.400000000e+01, v14;
	[tilespmem:s29+$0xC000] =	vst v6;
	v6 =	vcvt.f32.s32 v9  }
0x2c7: {  	v1 =	vld.idx.msk [tilespmem:v1+s19+$0x0], $0xffff;
	[tilespmem:s29+$0xC010] =	vst v4;
	v9 =	vtrunc.f32 v15;
	v4 =	vcvt.f32.s32 v61  }
0x2c8: {  	v2 =	vld.idx.msk [tilespmem:v2+s19+$0x0], $0xffff;
	[tilespmem:s29+$0xC020] =	vst v3;
	v63 =	vtrunc.f32 v62;
	v3 =	vcvt.f32.s32 v9  }
0x2c9: {  	[tilespmem:s29+$0xC030] =	vst v5;
	v5 =	vcvt.f32.s32 v63;
	v0 =	vld.idx.msk [tilespmem:v0+s19+$0x0], $0xffff  }
0x2ca: {  	[tilespmem:s29+$0xC040] =	vst v7;
	v7 =	vld.idx.msk [tilespmem:v10+s19+$0x0], $0xffff  }
0x2cb: {  	[tilespmem:s29+$0xC050] =	vst v8;
	v8 =	vld.idx.msk [tilespmem:v11+s19+$0x0], $0xffff  }
0x2cc: {  	[tilespmem:s29+$0xC060] =	vst v1;
	v1 =	vld.idx.msk [tilespmem:v6+s19+$0x0], $0xffff  }
0x2cd: {  	[tilespmem:s30+$0xC070] =	vst v2;
	v2 =	vld.idx.msk [tilespmem:v4+s19+$0x0], $0xffff  }
0x2ce: {  	v3 =	vld.idx.msk [tilespmem:v3+s19+$0x0], $0xffff;
	[tilespmem:s30+$0xC000] =	vst v0  }
0x2cf: {  	v0 =	vld.idx.msk [tilespmem:v5+s19+$0x0], $0xffff;
	[tilespmem:s30+$0xC010] =	vst v7  }
0x2d0: {  	[tilespmem:s30+$0xC020] =	vst v8  }
0x2d1: {  	[tilespmem:s30+$0xC030] =	vst v1  }
0x2d2: {  	[tilespmem:s30+$0xC040] =	vst v2  }
0x2d3: {  	[tilespmem:s30+$0xC050] =	vst v3  }
0x2d4: {  	s0 =	simm.s32 $0x40F0;
	[tilespmem:s30+$0xC060] =	vst v0  }
0x2d5: {  	v2 =	vld [tilespmem:s0+$0xFFFFFFB0]  }
0x2d6: {  	v0 =	vld [tilespmem:s0+$0x0]  }
0x2d7: {  	v3 =	vld [tilespmem:s0+$0xFFFFFFE0]  }
0x2d8: {  	v1 =	vld [tilespmem:s0+$0xFFFFFFD0]  }
0x2d9: {  	v10 =	vld [tilespmem:s0+$0xFFFFFF90]  }
0x2da: {  	v8 =	vld [tilespmem:s0+$0xFFFFFFA0]  }
0x2db: {  	v4 =	vimm.f32 $0.0e+00;
	v9 =	vld [tilespmem:s0+$0xFFFFFFC0];
	v2 =	vand.u32 $0x7FFFFFFF, v2  }
0x2dc: {  	v6 =	vimm.f32 $0.0e+00;
	v7 =	vimm.f32 $0.0e+00;
	v5 =	vld [tilespmem:s0+$0xFFFFFFF0];
	s0 =	simm.s32 $0x42F0;
	v2 =	vmax.f32 v4, v2  }
.LBB2_27:
0x2dd: {  	v11 =	vld [tilespmem:s0+$0xFFFFFFB0];
	s31 =	sadd.s32 $0x80, s31  }
0x2de: {  	v12 =	vand.u32 $0x7FFFFFFF, v3;
	v13 =	vand.u32 $0x7FFFFFFF, v0;
	p0 =	slt.u32 s31, $0xF80;
	v10 =	vand.u32 $0x7FFFFFFF, v10;
	v0 =	vld [tilespmem:s0+$0x0]  }
0x2df: {  	v3 =	vld [tilespmem:s0+$0xFFFFFFE0];
	v4 =	vmax.f32 v4, v10;
	v8 =	vand.u32 $0x7FFFFFFF, v8;
	v10 =	vand.u32 $0x7FFFFFFF, v1  }
.Ltmp15:
0x2e0: {  	v1 =	vld [tilespmem:s0+$0xFFFFFFD0];
	v7 =	vmax.f32 v7, v8;
	v8 =	vand.u32 $0x7FFFFFFF, v9;
	v4 =	vmax.f32 v4, v10;
	(pc) =	sbr.rel @p0 .LBB2_27-.Ltmp15, $4  }
0x2e1: {  	v10 =	vld [tilespmem:s0+$0xFFFFFF90];
	v6 =	vmax.f32 v6, v8;
	v7 =	vmax.f32 v7, v12;
	v5 =	vand.u32 $0x7FFFFFFF, v5  }
0x2e2: {  	v8 =	vld [tilespmem:s0+$0xFFFFFFA0];
	v9 =	vand.u32 $0x7FFFFFFF, v11;
	v2 =	vmax.f32 v2, v5;
	v6 =	vmax.f32 v6, v13  }
0x2e3: {  	v2 =	vmax.f32 v2, v9;
	v9 =	vld [tilespmem:s0+$0xFFFFFFC0]  }
0x2e4: {  	v5 =	vld [tilespmem:s0+$0xFFFFFFF0];
	s0 =	sadd.s32 $0x200, s0  }
0x2e5: {  	_ = 	snop  }
0x2e6: {  	v3 =	vand.u32 $0x7FFFFFFF, v3;
	v0 =	vand.u32 $0x7FFFFFFF, v0  }
0x2e7: {  	v1 =	vand.u32 $0x7FFFFFFF, v1;
	v10 =	vand.u32 $0x7FFFFFFF, v10;
	v8 =	vand.u32 $0x7FFFFFFF, v8  }
0x2e8: {  	v4 =	vmax.f32 v4, v10;
	v7 =	vmax.f32 v7, v8;
	v8 =	vand.u32 $0x7FFFFFFF, v9  }
0x2e9: {  	v1 =	vmax.f32 v4, v1;
	v4 =	vmax.f32 v6, v8;
	v5 =	vand.u32 $0x7FFFFFFF, v5  }
0x2ea: {  	v3 =	vmax.f32 v7, v3;
	v2 =	vmax.f32 v2, v5;
	v0 =	vmax.f32 v4, v0  }
0x2eb: {  	v1 =	vmax.f32 v1, v3;
	v0 =	vmax.f32 v2, v0  }
0x2ec: {  	v0 =	vmax.f32 v1, v0  }
0x2ed: {  	(v2sf) =	vpush v0, $0x0  }
0x2ee: {  	(v2sf) =	vpush v0, $0x1  }
0x2ef: {  	(v2sf) =	vpush v0, $0x2  }
0x2f0: {  	(v2sf) =	vpush v0, $0x3  }
0x2f1: {  	(v2sf) =	vpush v0, $0x4  }
0x2f2: {  	(v2sf) =	vpush v0, $0x5  }
0x2f3: {  	(v2sf) =	vpush v0, $0x6  }
0x2f4: {  	(v2sf) =	vpush v0, $0x7  }
0x2f5: {  	(v2sf) =	vpush v0, $0x8  }
0x2f6: {  	(v2sf) =	vpush v0, $0x9  }
0x2f7: {  	(v2sf) =	vpush v0, $0xA  }
0x2f8: {  	(v2sf) =	vpush v0, $0xB  }
0x2f9: {  	(v2sf) =	vpush v0, $0xC  }
0x2fa: {  	(v2sf) =	vpush v0, $0xD  }
0x2fb: {  	(v2sf) =	vpush v0, $0xE  }
0x2fc: {  	s0 =	spop (v2sf);
	(v2sf) =	vpush v0, $0xF  }
0x2fd: {  	s1 =	spop (v2sf)  }
0x2fe: {  	s2 =	spop (v2sf)  }
0x2ff: {  	s3 =	spop (v2sf)  }
0x300: {  	s5 =	spop (v2sf)  }
0x301: {  	s6 =	spop (v2sf)  }
0x302: {  	s7 =	spop (v2sf)  }
0x303: {  	s9 =	spop (v2sf)  }
0x304: {  	s0 =	smax.f32 s0, s1;
	s12 =	spop (v2sf)  }
0x305: {  	s2 =	smax.f32 s2, s3;
	s13 =	spop (v2sf)  }
0x306: {  	s0 =	smax.f32 s0, s2;
	s14 =	spop (v2sf)  }
0x307: {  	s3 =	smax.f32 s5, s6;
	s24 =	spop (v2sf)  }
0x308: {  	s5 =	smax.f32 s7, s9;
	s25 =	spop (v2sf)  }
0x309: {  	s6 =	smax.f32 s12, s13;
	s29 =	spop (v2sf)  }
0x30a: {  	s13 =	smax.f32 s3, s5;
	s30 =	spop (v2sf)  }
0x30b: {  	s7 =	smax.f32 s14, s24;
	s31 =	spop (v2sf)  }
0x30c: {  	s9 =	smax.f32 s25, s29;
	s12 =	smax.f32 s30, s31  }
0x30d: {  	s14 =	smax.f32 s6, s7;
	s24 =	smax.f32 s9, s12  }
0x30e: {  	s0 =	smax.f32 s0, s13;
	s25 =	smax.f32 s14, s24  }
0x30f: {  	s0 =	smax.f32 s0, s25  }
0x310: {  	v1 =	vld [tilespmem:$0x10000];
	v0 =	vmov s0  }
0x311: {  	v2 =	vld [tilespmem:$0x10010];
	vm0 =	vgt.f32 v0, $0.0e+00  }
0x312: {  	v3 =	vld [tilespmem:$0x10020];
	v0 =	vnsel vm0, $0x3F800000, v0  }
0x313: {  	v5 =	vld [tilespmem:$0x10030];
	v4 =	vmul.f32 $1.666666720e-01, v0  }
0x314: {  	(erf) = vrcp.f32 v0  }
0x315: {  	v0 =	vmul.f32 v1, v4  }
0x316: {  	v1 =	vmul.f32 v2, v4  }
0x317: {  	[tilespmem:$0x10080] =	vst v0;
	v0 =	vmul.f32 v3, v4  }
0x318: {  	[tilespmem:$0x10090] =	vst v1;
	v1 =	vmul.f32 v5, v4  }
0x319: {  	[tilespmem:$0x100A0] =	vst v0  }
0x31a: {  	s29 =	simm.s32 $0x0;
	[tilespmem:$0x100B0] =	vst v1  }
0x31b: {  	v1 =	vld [tilespmem:s29+$0x40F0];
	_ =	sdelay $0x1  }
0x31c: {  	v0 =	vpop (erf)  }
0x31d: {  	v2 =	vld [tilespmem:s29+$0x4080];
	v0 =	vmul.f32 $2.400000000e+01, v0  }
0x31e: {  	v3 =	vld [tilespmem:s29+$0x4090]  }
0x31f: {  	v4 =	vld [tilespmem:s29+$0x40A0];
	v1 =	vmul.f32 v1, v0  }
0x320: {  	v5 =	vld [tilespmem:s29+$0x40B0]  }
0x321: {  	v6 =	vld [tilespmem:s29+$0x40C0];
	v1 =	vadd.f32 $2.400000000e+01, v1  }
0x322: {  	v7 =	vld [tilespmem:s29+$0x40D0]  }
0x323: {  	v8 =	vld [tilespmem:s29+$0x40E0];
	v1 =	vtrunc.f32 v1  }
0x324: {  	v1 =	vcvt.f32.s32 v1  }
0x325: {  	v2 =	vmul.f32 v2, v0;
	v3 =	vmul.f32 v3, v0  }
0x326: {  	v4 =	vmul.f32 v4, v0;
	v6 =	vmul.f32 v6, v0  }
0x327: {  	v5 =	vmul.f32 v5, v0;
	v7 =	vmul.f32 v7, v0;
	v2 =	vadd.f32 $2.400000000e+01, v2  }
0x328: {  	s30 =	simm.s32 $0x200;
	v8 =	vmul.f32 v8, v0;
	v3 =	vadd.f32 $2.400000000e+01, v3;
	v6 =	vadd.f32 $2.400000000e+01, v6  }
0x329: {  	v9 =	vld [tilespmem:s30+$0x40F0];
	v4 =	vadd.f32 $2.400000000e+01, v4;
	v5 =	vadd.f32 $2.400000000e+01, v5;
	v2 =	vtrunc.f32 v2  }
0x32a: {  	v8 =	vadd.f32 $2.400000000e+01, v8;
	v3 =	vtrunc.f32 v3;
	v6 =	vtrunc.f32 v6;
	v12 =	vld.idx.msk [tilespmem:v1+s19+$0x0], $0xffff  }
0x32b: {  	v1 =	vtrunc.f32 v4;
	v4 =	vtrunc.f32 v5;
	v5 =	vadd.f32 $2.400000000e+01, v7;
	v7 =	vld [tilespmem:s30+$0x4080]  }
0x32c: {  	v10 =	vld [tilespmem:s30+$0x4090];
	v2 =	vcvt.f32.s32 v2;
	v3 =	vcvt.f32.s32 v3  }
0x32d: {  	v11 =	vld [tilespmem:s30+$0x40A0];
	v13 =	vcvt.f32.s32 v1;
	v1 =	vtrunc.f32 v8  }
0x32e: {  	v8 =	vld [tilespmem:s30+$0x40B0];
	v14 =	vcvt.f32.s32 v4;
	v4 =	vmul.f32 v9, v0  }
0x32f: {  	v15 =	vld [tilespmem:s30+$0x40C0];
	v9 =	vcvt.f32.s32 v6;
	v5 =	vtrunc.f32 v5  }
0x330: {  	v16 =	vcvt.f32.s32 v5;
	v6 =	vmul.f32 v7, v0;
	v7 =	vld [tilespmem:s30+$0x40D0]  }
0x331: {  	v17 =	vld [tilespmem:s30+$0x40E0];
	v5 =	vmul.f32 v10, v0;
	v4 =	vadd.f32 $2.400000000e+01, v4  }
0x332: {  	v11 =	vmul.f32 v11, v0;
	v1 =	vcvt.f32.s32 v1;
	v10 =	vadd.f32 $2.400000000e+01, v6;
	v6 =	vld.idx.msk [tilespmem:v2+s19+$0x0], $0xffff  }
0x333: {  	v18 =	vadd.f32 $2.400000000e+01, v5;
	v5 =	vmul.f32 v8, v0;
	v2 =	vtrunc.f32 v4;
	v4 =	vld.idx.msk [tilespmem:v3+s19+$0x0], $0xffff  }
0x334: {  	v15 =	vmul.f32 v15, v0;
	v8 =	vadd.f32 $2.400000000e+01, v11;
	v3 =	vld.idx.msk [tilespmem:v13+s19+$0x0], $0xffff;
	v2 =	vcvt.f32.s32 v2  }
0x335: {  	v11 =	vtrunc.f32 v18;
	v19 =	vadd.f32 $2.400000000e+01, v5;
	v5 =	vld.idx.msk [tilespmem:v14+s19+$0x0], $0xffff;
	v20 =	vmul.f32 v7, v0  }
0x336: {  	[tilespmem:s29+$0xC0F0] =	vst v12;
	v13 =	vadd.f32 $2.400000000e+01, v15;
	v14 =	vmul.f32 v17, v0;
	v12 =	vtrunc.f32 v8;
	v8 =	vld.idx.msk [tilespmem:v16+s19+$0x0], $0xffff  }
0x337: {  	s1 =	simm.s32 $0x80;
	s31 =	simm.s32 $0x0;
	s0 =	simm.s32 $0x1000;
	v10 =	vtrunc.f32 v10;
	v7 =	vld.idx.msk [tilespmem:v9+s19+$0x0], $0xffff;
	v9 =	vtrunc.f32 v19;
	v15 =	vadd.f32 $2.400000000e+01, v20  }
.LBB2_29:
0x338: {  	s2 =	sshra.s32 s0, $0x2;
	v10 =	vcvt.f32.s32 v10;
	v13 =	vtrunc.f32 v13;
	v14 =	vadd.f32 $2.400000000e+01, v14;
	[tilespmem:s29+$0xC080] =	vst v6;
	v6 =	vld.idx.msk [tilespmem:v1+s19+$0x0], $0xffff  }
0x339: {  	s1 =	sadd.s32 $0x80, s1;
	v11 =	vcvt.f32.s32 v11;
	v16 =	vld [tilespmem:s2+$0x40F0];
	v1 =	vtrunc.f32 v15;
	[tilespmem:s29+$0xC090] =	vst v4  }
0x33a: {  	v12 =	vcvt.f32.s32 v12;
	p0 =	slt.u32 s1, $0xF80;
	v4 =	vtrunc.f32 v14;
	v2 =	vld.idx.msk [tilespmem:v2+s19+$0x0], $0xffff;
	[tilespmem:s29+$0xC0A0] =	vst v3  }
0x33b: {  	v9 =	vcvt.f32.s32 v9;
	v15 =	vcvt.f32.s32 v13;
	v3 =	vld [tilespmem:s2+$0x4080];
	[tilespmem:s29+$0xC0B0] =	vst v5  }
0x33c: {  	v17 =	vcvt.f32.s32 v1;
	v1 =	vcvt.f32.s32 v4;
	v5 =	vld [tilespmem:s2+$0x4090];
	[tilespmem:s29+$0xC0C0] =	vst v7  }
0x33d: {  	v4 =	vld [tilespmem:s2+$0x40A0];
	[tilespmem:s29+$0xC0D0] =	vst v8  }
0x33e: {  	v7 =	vld [tilespmem:s2+$0x40B0];
	[tilespmem:s29+$0xC0E0] =	vst v6;
	s29 =	smov.u32 s30;
	s30 =	smov.u32 s2  }
0x33f: {  	v6 =	vmul.f32 v16, v0;
	v8 =	vld [tilespmem:s30+$0x40C0]  }
0x340: {  	v3 =	vmul.f32 v3, v0;
	v13 =	vld [tilespmem:s30+$0x40D0];
	[tilespmem:s29+$0xC0F0] =	vst v2  }
0x341: {  	v2 =	vmul.f32 v5, v0;
	v14 =	vld [tilespmem:s30+$0x40E0];
	v5 =	vadd.f32 $2.400000000e+01, v6  }
0x342: {  	v16 =	vadd.f32 $2.400000000e+01, v3;
	v3 =	vmul.f32 v4, v0;
	v6 =	vld.idx.msk [tilespmem:v10+s19+$0x0], $0xffff  }
.Ltmp16:
0x343: {  	v18 =	vadd.f32 $2.400000000e+01, v2;
	v7 =	vmul.f32 v7, v0;
	v2 =	vtrunc.f32 v5;
	v4 =	vld.idx.msk [tilespmem:v11+s19+$0x0], $0xffff;
	(pc) =	sbr.rel @p0 .LBB2_29-.Ltmp16, $4  }
0x344: {  	v19 =	vadd.f32 $2.400000000e+01, v3;
	v8 =	vmul.f32 v8, v0;
	v2 =	vcvt.f32.s32 v2;
	v3 =	vld.idx.msk [tilespmem:v12+s19+$0x0], $0xffff  }
0x345: {  	v10 =	vtrunc.f32 v16;
	v16 =	vadd.f32 $2.400000000e+01, v7;
	v20 =	vmul.f32 v13, v0;
	v5 =	vld.idx.msk [tilespmem:v9+s19+$0x0], $0xffff  }
0x346: {  	v11 =	vtrunc.f32 v18;
	v13 =	vadd.f32 $2.400000000e+01, v8;
	v14 =	vmul.f32 v14, v0;
	v7 =	vld.idx.msk [tilespmem:v15+s19+$0x0], $0xffff  }
0x347: {  	s0 =	sadd.s32 $0x800, s0;
	v12 =	vtrunc.f32 v19;
	v9 =	vtrunc.f32 v16;
	v15 =	vadd.f32 $2.400000000e+01, v20;
	v8 =	vld.idx.msk [tilespmem:v17+s19+$0x0], $0xffff  }
0x348: {  	v0 =	vcvt.f32.s32 v10  }
0x349: {  	v10 =	vcvt.f32.s32 v11  }
0x34a: {  	v11 =	vcvt.f32.s32 v12  }
0x34b: {  	v61 =	vtrunc.f32 v13;
	v62 =	vadd.f32 $2.400000000e+01, v14;
	[tilespmem:s29+$0xC080] =	vst v6;
	v6 =	vcvt.f32.s32 v9  }
0x34c: {  	v1 =	vld.idx.msk [tilespmem:v1+s19+$0x0], $0xffff;
	[tilespmem:s29+$0xC090] =	vst v4;
	v9 =	vtrunc.f32 v15;
	v4 =	vcvt.f32.s32 v61  }
0x34d: {  	v2 =	vld.idx.msk [tilespmem:v2+s19+$0x0], $0xffff;
	[tilespmem:s29+$0xC0A0] =	vst v3;
	v63 =	vtrunc.f32 v62;
	v3 =	vcvt.f32.s32 v9  }
0x34e: {  	[tilespmem:s29+$0xC0B0] =	vst v5;
	v5 =	vcvt.f32.s32 v63;
	v0 =	vld.idx.msk [tilespmem:v0+s19+$0x0], $0xffff  }
0x34f: {  	[tilespmem:s29+$0xC0C0] =	vst v7;
	v7 =	vld.idx.msk [tilespmem:v10+s19+$0x0], $0xffff  }
0x350: {  	[tilespmem:s29+$0xC0D0] =	vst v8;
	v8 =	vld.idx.msk [tilespmem:v11+s19+$0x0], $0xffff  }
0x351: {  	[tilespmem:s29+$0xC0E0] =	vst v1;
	v1 =	vld.idx.msk [tilespmem:v6+s19+$0x0], $0xffff  }
0x352: {  	[tilespmem:s30+$0xC0F0] =	vst v2;
	v2 =	vld.idx.msk [tilespmem:v4+s19+$0x0], $0xffff  }
0x353: {  	v3 =	vld.idx.msk [tilespmem:v3+s19+$0x0], $0xffff;
	[tilespmem:s30+$0xC080] =	vst v0  }
0x354: {  	v0 =	vld.idx.msk [tilespmem:v5+s19+$0x0], $0xffff;
	[tilespmem:s30+$0xC090] =	vst v7  }
0x355: {  	[tilespmem:s30+$0xC0A0] =	vst v8  }
0x356: {  	[tilespmem:s30+$0xC0B0] =	vst v1  }
0x357: {  	[tilespmem:s30+$0xC0C0] =	vst v2  }
0x358: {  	[tilespmem:s30+$0xC0D0] =	vst v3  }
0x359: {  	s0 =	simm.s32 $0x4170;
	[tilespmem:s30+$0xC0E0] =	vst v0  }
0x35a: {  	v2 =	vld [tilespmem:s0+$0xFFFFFFB0]  }
0x35b: {  	v0 =	vld [tilespmem:s0+$0x0]  }
0x35c: {  	v3 =	vld [tilespmem:s0+$0xFFFFFFE0]  }
0x35d: {  	v1 =	vld [tilespmem:s0+$0xFFFFFFD0]  }
0x35e: {  	v10 =	vld [tilespmem:s0+$0xFFFFFF90]  }
0x35f: {  	v8 =	vld [tilespmem:s0+$0xFFFFFFA0]  }
0x360: {  	v4 =	vimm.f32 $0.0e+00;
	v9 =	vld [tilespmem:s0+$0xFFFFFFC0];
	v2 =	vand.u32 $0x7FFFFFFF, v2  }
0x361: {  	v6 =	vimm.f32 $0.0e+00;
	v7 =	vimm.f32 $0.0e+00;
	v5 =	vld [tilespmem:s0+$0xFFFFFFF0];
	s0 =	simm.s32 $0x4370;
	v2 =	vmax.f32 v4, v2  }
.LBB2_31:
0x362: {  	v11 =	vld [tilespmem:s0+$0xFFFFFFB0];
	s31 =	sadd.s32 $0x80, s31  }
0x363: {  	v12 =	vand.u32 $0x7FFFFFFF, v3;
	v13 =	vand.u32 $0x7FFFFFFF, v0;
	p0 =	slt.u32 s31, $0xF80;
	v10 =	vand.u32 $0x7FFFFFFF, v10;
	v0 =	vld [tilespmem:s0+$0x0]  }
0x364: {  	v3 =	vld [tilespmem:s0+$0xFFFFFFE0];
	v4 =	vmax.f32 v4, v10;
	v8 =	vand.u32 $0x7FFFFFFF, v8;
	v10 =	vand.u32 $0x7FFFFFFF, v1  }
.Ltmp17:
0x365: {  	v1 =	vld [tilespmem:s0+$0xFFFFFFD0];
	v7 =	vmax.f32 v7, v8;
	v8 =	vand.u32 $0x7FFFFFFF, v9;
	v4 =	vmax.f32 v4, v10;
	(pc) =	sbr.rel @p0 .LBB2_31-.Ltmp17, $4  }
0x366: {  	v10 =	vld [tilespmem:s0+$0xFFFFFF90];
	v6 =	vmax.f32 v6, v8;
	v7 =	vmax.f32 v7, v12;
	v5 =	vand.u32 $0x7FFFFFFF, v5  }
0x367: {  	v8 =	vld [tilespmem:s0+$0xFFFFFFA0];
	v9 =	vand.u32 $0x7FFFFFFF, v11;
	v2 =	vmax.f32 v2, v5;
	v6 =	vmax.f32 v6, v13  }
0x368: {  	v2 =	vmax.f32 v2, v9;
	v9 =	vld [tilespmem:s0+$0xFFFFFFC0]  }
0x369: {  	v5 =	vld [tilespmem:s0+$0xFFFFFFF0];
	s0 =	sadd.s32 $0x200, s0  }
0x36a: {  	_ = 	snop  }
0x36b: {  	v3 =	vand.u32 $0x7FFFFFFF, v3;
	v0 =	vand.u32 $0x7FFFFFFF, v0  }
0x36c: {  	v1 =	vand.u32 $0x7FFFFFFF, v1;
	v10 =	vand.u32 $0x7FFFFFFF, v10;
	v8 =	vand.u32 $0x7FFFFFFF, v8  }
0x36d: {  	v4 =	vmax.f32 v4, v10;
	v7 =	vmax.f32 v7, v8;
	v8 =	vand.u32 $0x7FFFFFFF, v9  }
0x36e: {  	v1 =	vmax.f32 v4, v1;
	v4 =	vmax.f32 v6, v8;
	v5 =	vand.u32 $0x7FFFFFFF, v5  }
0x36f: {  	v3 =	vmax.f32 v7, v3;
	v2 =	vmax.f32 v2, v5;
	v0 =	vmax.f32 v4, v0  }
0x370: {  	v1 =	vmax.f32 v1, v3;
	v0 =	vmax.f32 v2, v0  }
0x371: {  	v0 =	vmax.f32 v1, v0  }
0x372: {  	(v2sf) =	vpush v0, $0x0  }
0x373: {  	(v2sf) =	vpush v0, $0x1  }
0x374: {  	(v2sf) =	vpush v0, $0x2  }
0x375: {  	(v2sf) =	vpush v0, $0x3  }
0x376: {  	(v2sf) =	vpush v0, $0x4  }
0x377: {  	(v2sf) =	vpush v0, $0x5  }
0x378: {  	(v2sf) =	vpush v0, $0x6  }
0x379: {  	(v2sf) =	vpush v0, $0x7  }
0x37a: {  	(v2sf) =	vpush v0, $0x8  }
0x37b: {  	(v2sf) =	vpush v0, $0x9  }
0x37c: {  	(v2sf) =	vpush v0, $0xA  }
0x37d: {  	(v2sf) =	vpush v0, $0xB  }
0x37e: {  	(v2sf) =	vpush v0, $0xC  }
0x37f: {  	(v2sf) =	vpush v0, $0xD  }
0x380: {  	(v2sf) =	vpush v0, $0xE  }
0x381: {  	s0 =	spop (v2sf);
	(v2sf) =	vpush v0, $0xF  }
0x382: {  	s1 =	spop (v2sf)  }
0x383: {  	s2 =	spop (v2sf)  }
0x384: {  	s3 =	spop (v2sf)  }
0x385: {  	s5 =	spop (v2sf)  }
0x386: {  	s6 =	spop (v2sf)  }
0x387: {  	s7 =	spop (v2sf)  }
0x388: {  	s9 =	spop (v2sf)  }
0x389: {  	s0 =	smax.f32 s0, s1;
	s12 =	spop (v2sf)  }
0x38a: {  	s2 =	smax.f32 s2, s3;
	s13 =	spop (v2sf)  }
0x38b: {  	s0 =	smax.f32 s0, s2;
	s14 =	spop (v2sf)  }
0x38c: {  	s3 =	smax.f32 s5, s6;
	s24 =	spop (v2sf)  }
0x38d: {  	s5 =	smax.f32 s7, s9;
	s25 =	spop (v2sf)  }
0x38e: {  	s6 =	smax.f32 s12, s13;
	s29 =	spop (v2sf)  }
0x38f: {  	s13 =	smax.f32 s3, s5;
	s30 =	spop (v2sf)  }
0x390: {  	s7 =	smax.f32 s14, s24;
	s31 =	spop (v2sf)  }
0x391: {  	s9 =	smax.f32 s25, s29;
	s12 =	smax.f32 s30, s31  }
0x392: {  	s14 =	smax.f32 s6, s7;
	s24 =	smax.f32 s9, s12  }
0x393: {  	s0 =	smax.f32 s0, s13;
	s25 =	smax.f32 s14, s24  }
0x394: {  	s0 =	smax.f32 s0, s25  }
0x395: {  	v1 =	vld [tilespmem:$0x10000];
	v0 =	vmov s0  }
0x396: {  	v2 =	vld [tilespmem:$0x10010];
	vm0 =	vgt.f32 v0, $0.0e+00  }
0x397: {  	v3 =	vld [tilespmem:$0x10020];
	v0 =	vnsel vm0, $0x3F800000, v0  }
0x398: {  	v5 =	vld [tilespmem:$0x10030];
	v4 =	vmul.f32 $1.666666720e-01, v0  }
0x399: {  	(erf) = vrcp.f32 v0  }
0x39a: {  	v0 =	vmul.f32 v1, v4  }
0x39b: {  	v1 =	vmul.f32 v2, v4  }
0x39c: {  	[tilespmem:$0x10080] =	vst v0;
	v0 =	vmul.f32 v3, v4  }
0x39d: {  	[tilespmem:$0x10090] =	vst v1;
	v1 =	vmul.f32 v5, v4  }
0x39e: {  	[tilespmem:$0x100A0] =	vst v0  }
0x39f: {  	s29 =	simm.s32 $0x0;
	[tilespmem:$0x100B0] =	vst v1  }
0x3a0: {  	v1 =	vld [tilespmem:s29+$0x4170];
	_ =	sdelay $0x1  }
0x3a1: {  	v0 =	vpop (erf)  }
0x3a2: {  	v2 =	vld [tilespmem:s29+$0x4100];
	v0 =	vmul.f32 $2.400000000e+01, v0  }
0x3a3: {  	v3 =	vld [tilespmem:s29+$0x4110]  }
0x3a4: {  	v4 =	vld [tilespmem:s29+$0x4120];
	v1 =	vmul.f32 v1, v0  }
0x3a5: {  	v5 =	vld [tilespmem:s29+$0x4130]  }
0x3a6: {  	v6 =	vld [tilespmem:s29+$0x4140];
	v1 =	vadd.f32 $2.400000000e+01, v1  }
0x3a7: {  	v7 =	vld [tilespmem:s29+$0x4150]  }
0x3a8: {  	v8 =	vld [tilespmem:s29+$0x4160];
	v1 =	vtrunc.f32 v1  }
0x3a9: {  	v1 =	vcvt.f32.s32 v1  }
0x3aa: {  	v2 =	vmul.f32 v2, v0;
	v3 =	vmul.f32 v3, v0  }
0x3ab: {  	v4 =	vmul.f32 v4, v0;
	v6 =	vmul.f32 v6, v0  }
0x3ac: {  	v5 =	vmul.f32 v5, v0;
	v7 =	vmul.f32 v7, v0;
	v2 =	vadd.f32 $2.400000000e+01, v2  }
0x3ad: {  	s30 =	simm.s32 $0x200;
	v8 =	vmul.f32 v8, v0;
	v3 =	vadd.f32 $2.400000000e+01, v3;
	v6 =	vadd.f32 $2.400000000e+01, v6  }
0x3ae: {  	v9 =	vld [tilespmem:s30+$0x4170];
	v4 =	vadd.f32 $2.400000000e+01, v4;
	v5 =	vadd.f32 $2.400000000e+01, v5;
	v2 =	vtrunc.f32 v2  }
0x3af: {  	v8 =	vadd.f32 $2.400000000e+01, v8;
	v3 =	vtrunc.f32 v3;
	v6 =	vtrunc.f32 v6;
	v12 =	vld.idx.msk [tilespmem:v1+s19+$0x0], $0xffff  }
0x3b0: {  	v1 =	vtrunc.f32 v4;
	v4 =	vtrunc.f32 v5;
	v5 =	vadd.f32 $2.400000000e+01, v7;
	v7 =	vld [tilespmem:s30+$0x4100]  }
0x3b1: {  	v10 =	vld [tilespmem:s30+$0x4110];
	v2 =	vcvt.f32.s32 v2;
	v3 =	vcvt.f32.s32 v3  }
0x3b2: {  	v11 =	vld [tilespmem:s30+$0x4120];
	v13 =	vcvt.f32.s32 v1;
	v1 =	vtrunc.f32 v8  }
0x3b3: {  	v8 =	vld [tilespmem:s30+$0x4130];
	v14 =	vcvt.f32.s32 v4;
	v4 =	vmul.f32 v9, v0  }
0x3b4: {  	v15 =	vld [tilespmem:s30+$0x4140];
	v9 =	vcvt.f32.s32 v6;
	v5 =	vtrunc.f32 v5  }
0x3b5: {  	v16 =	vcvt.f32.s32 v5;
	v6 =	vmul.f32 v7, v0;
	v7 =	vld [tilespmem:s30+$0x4150]  }
0x3b6: {  	v17 =	vld [tilespmem:s30+$0x4160];
	v5 =	vmul.f32 v10, v0;
	v4 =	vadd.f32 $2.400000000e+01, v4  }
0x3b7: {  	v11 =	vmul.f32 v11, v0;
	v1 =	vcvt.f32.s32 v1;
	v10 =	vadd.f32 $2.400000000e+01, v6;
	v6 =	vld.idx.msk [tilespmem:v2+s19+$0x0], $0xffff  }
0x3b8: {  	v18 =	vadd.f32 $2.400000000e+01, v5;
	v5 =	vmul.f32 v8, v0;
	v2 =	vtrunc.f32 v4;
	v4 =	vld.idx.msk [tilespmem:v3+s19+$0x0], $0xffff  }
0x3b9: {  	v15 =	vmul.f32 v15, v0;
	v8 =	vadd.f32 $2.400000000e+01, v11;
	v3 =	vld.idx.msk [tilespmem:v13+s19+$0x0], $0xffff;
	v2 =	vcvt.f32.s32 v2  }
0x3ba: {  	v11 =	vtrunc.f32 v18;
	v19 =	vadd.f32 $2.400000000e+01, v5;
	v5 =	vld.idx.msk [tilespmem:v14+s19+$0x0], $0xffff;
	v20 =	vmul.f32 v7, v0  }
0x3bb: {  	[tilespmem:s29+$0xC170] =	vst v12;
	v13 =	vadd.f32 $2.400000000e+01, v15;
	v14 =	vmul.f32 v17, v0;
	v12 =	vtrunc.f32 v8;
	v8 =	vld.idx.msk [tilespmem:v16+s19+$0x0], $0xffff  }
0x3bc: {  	s1 =	simm.s32 $0x80;
	s31 =	simm.s32 $0x0;
	s0 =	simm.s32 $0x1000;
	v10 =	vtrunc.f32 v10;
	v7 =	vld.idx.msk [tilespmem:v9+s19+$0x0], $0xffff;
	v9 =	vtrunc.f32 v19;
	v15 =	vadd.f32 $2.400000000e+01, v20  }
.LBB2_33:
0x3bd: {  	s2 =	sshra.s32 s0, $0x2;
	v10 =	vcvt.f32.s32 v10;
	v13 =	vtrunc.f32 v13;
	v14 =	vadd.f32 $2.400000000e+01, v14;
	[tilespmem:s29+$0xC100] =	vst v6;
	v6 =	vld.idx.msk [tilespmem:v1+s19+$0x0], $0xffff  }
0x3be: {  	s1 =	sadd.s32 $0x80, s1;
	v11 =	vcvt.f32.s32 v11;
	v16 =	vld [tilespmem:s2+$0x4170];
	v1 =	vtrunc.f32 v15;
	[tilespmem:s29+$0xC110] =	vst v4  }
0x3bf: {  	v12 =	vcvt.f32.s32 v12;
	p0 =	slt.u32 s1, $0xF80;
	v4 =	vtrunc.f32 v14;
	v2 =	vld.idx.msk [tilespmem:v2+s19+$0x0], $0xffff;
	[tilespmem:s29+$0xC120] =	vst v3  }
0x3c0: {  	v9 =	vcvt.f32.s32 v9;
	v15 =	vcvt.f32.s32 v13;
	v3 =	vld [tilespmem:s2+$0x4100];
	[tilespmem:s29+$0xC130] =	vst v5  }
0x3c1: {  	v17 =	vcvt.f32.s32 v1;
	v1 =	vcvt.f32.s32 v4;
	v5 =	vld [tilespmem:s2+$0x4110];
	[tilespmem:s29+$0xC140] =	vst v7  }
0x3c2: {  	v4 =	vld [tilespmem:s2+$0x4120];
	[tilespmem:s29+$0xC150] =	vst v8  }
0x3c3: {  	v7 =	vld [tilespmem:s2+$0x4130];
	[tilespmem:s29+$0xC160] =	vst v6;
	s29 =	smov.u32 s30;
	s30 =	smov.u32 s2  }
0x3c4: {  	v6 =	vmul.f32 v16, v0;
	v8 =	vld [tilespmem:s30+$0x4140]  }
0x3c5: {  	v3 =	vmul.f32 v3, v0;
	v13 =	vld [tilespmem:s30+$0x4150];
	[tilespmem:s29+$0xC170] =	vst v2  }
0x3c6: {  	v2 =	vmul.f32 v5, v0;
	v14 =	vld [tilespmem:s30+$0x4160];
	v5 =	vadd.f32 $2.400000000e+01, v6  }
0x3c7: {  	v16 =	vadd.f32 $2.400000000e+01, v3;
	v3 =	vmul.f32 v4, v0;
	v6 =	vld.idx.msk [tilespmem:v10+s19+$0x0], $0xffff  }
.Ltmp18:
0x3c8: {  	v18 =	vadd.f32 $2.400000000e+01, v2;
	v7 =	vmul.f32 v7, v0;
	v2 =	vtrunc.f32 v5;
	v4 =	vld.idx.msk [tilespmem:v11+s19+$0x0], $0xffff;
	(pc) =	sbr.rel @p0 .LBB2_33-.Ltmp18, $4  }
0x3c9: {  	v19 =	vadd.f32 $2.400000000e+01, v3;
	v8 =	vmul.f32 v8, v0;
	v2 =	vcvt.f32.s32 v2;
	v3 =	vld.idx.msk [tilespmem:v12+s19+$0x0], $0xffff  }
0x3ca: {  	v10 =	vtrunc.f32 v16;
	v16 =	vadd.f32 $2.400000000e+01, v7;
	v20 =	vmul.f32 v13, v0;
	v5 =	vld.idx.msk [tilespmem:v9+s19+$0x0], $0xffff  }
0x3cb: {  	v11 =	vtrunc.f32 v18;
	v13 =	vadd.f32 $2.400000000e+01, v8;
	v14 =	vmul.f32 v14, v0;
	v7 =	vld.idx.msk [tilespmem:v15+s19+$0x0], $0xffff  }
0x3cc: {  	s0 =	sadd.s32 $0x800, s0;
	v12 =	vtrunc.f32 v19;
	v9 =	vtrunc.f32 v16;
	v15 =	vadd.f32 $2.400000000e+01, v20;
	v8 =	vld.idx.msk [tilespmem:v17+s19+$0x0], $0xffff  }
0x3cd: {  	v0 =	vcvt.f32.s32 v10  }
0x3ce: {  	v10 =	vcvt.f32.s32 v11  }
0x3cf: {  	v11 =	vcvt.f32.s32 v12  }
0x3d0: {  	v61 =	vtrunc.f32 v13;
	v62 =	vadd.f32 $2.400000000e+01, v14;
	[tilespmem:s29+$0xC100] =	vst v6;
	v6 =	vcvt.f32.s32 v9  }
0x3d1: {  	v1 =	vld.idx.msk [tilespmem:v1+s19+$0x0], $0xffff;
	[tilespmem:s29+$0xC110] =	vst v4;
	v9 =	vtrunc.f32 v15;
	v4 =	vcvt.f32.s32 v61  }
0x3d2: {  	v2 =	vld.idx.msk [tilespmem:v2+s19+$0x0], $0xffff;
	[tilespmem:s29+$0xC120] =	vst v3;
	v63 =	vtrunc.f32 v62;
	v3 =	vcvt.f32.s32 v9  }
0x3d3: {  	[tilespmem:s29+$0xC130] =	vst v5;
	v5 =	vcvt.f32.s32 v63;
	v0 =	vld.idx.msk [tilespmem:v0+s19+$0x0], $0xffff  }
0x3d4: {  	[tilespmem:s29+$0xC140] =	vst v7;
	v7 =	vld.idx.msk [tilespmem:v10+s19+$0x0], $0xffff  }
0x3d5: {  	[tilespmem:s29+$0xC150] =	vst v8;
	v8 =	vld.idx.msk [tilespmem:v11+s19+$0x0], $0xffff  }
0x3d6: {  	[tilespmem:s29+$0xC160] =	vst v1;
	v1 =	vld.idx.msk [tilespmem:v6+s19+$0x0], $0xffff  }
0x3d7: {  	[tilespmem:s30+$0xC170] =	vst v2;
	v2 =	vld.idx.msk [tilespmem:v4+s19+$0x0], $0xffff  }
0x3d8: {  	v3 =	vld.idx.msk [tilespmem:v3+s19+$0x0], $0xffff;
	[tilespmem:s30+$0xC100] =	vst v0  }
0x3d9: {  	v0 =	vld.idx.msk [tilespmem:v5+s19+$0x0], $0xffff;
	[tilespmem:s30+$0xC110] =	vst v7  }
0x3da: {  	[tilespmem:s30+$0xC120] =	vst v8  }
0x3db: {  	[tilespmem:s30+$0xC130] =	vst v1  }
0x3dc: {  	[tilespmem:s30+$0xC140] =	vst v2  }
0x3dd: {  	[tilespmem:s30+$0xC150] =	vst v3  }
0x3de: {  	s0 =	simm.s32 $0x41F0;
	[tilespmem:s30+$0xC160] =	vst v0  }
0x3df: {  	v2 =	vld [tilespmem:s0+$0xFFFFFFB0]  }
0x3e0: {  	v0 =	vld [tilespmem:s0+$0x0]  }
0x3e1: {  	v3 =	vld [tilespmem:s0+$0xFFFFFFE0]  }
0x3e2: {  	v1 =	vld [tilespmem:s0+$0xFFFFFFD0]  }
0x3e3: {  	v10 =	vld [tilespmem:s0+$0xFFFFFF90]  }
0x3e4: {  	v8 =	vld [tilespmem:s0+$0xFFFFFFA0]  }
0x3e5: {  	v4 =	vimm.f32 $0.0e+00;
	v9 =	vld [tilespmem:s0+$0xFFFFFFC0];
	v2 =	vand.u32 $0x7FFFFFFF, v2  }
0x3e6: {  	v6 =	vimm.f32 $0.0e+00;
	v7 =	vimm.f32 $0.0e+00;
	v5 =	vld [tilespmem:s0+$0xFFFFFFF0];
	s0 =	simm.s32 $0x43F0;
	v2 =	vmax.f32 v4, v2  }
.LBB2_35:
0x3e7: {  	v11 =	vld [tilespmem:s0+$0xFFFFFFB0];
	s31 =	sadd.s32 $0x80, s31  }
0x3e8: {  	v12 =	vand.u32 $0x7FFFFFFF, v3;
	v13 =	vand.u32 $0x7FFFFFFF, v0;
	p0 =	slt.u32 s31, $0xF80;
	v10 =	vand.u32 $0x7FFFFFFF, v10;
	v0 =	vld [tilespmem:s0+$0x0]  }
0x3e9: {  	v3 =	vld [tilespmem:s0+$0xFFFFFFE0];
	v4 =	vmax.f32 v4, v10;
	v8 =	vand.u32 $0x7FFFFFFF, v8;
	v10 =	vand.u32 $0x7FFFFFFF, v1  }
.Ltmp19:
0x3ea: {  	v1 =	vld [tilespmem:s0+$0xFFFFFFD0];
	v7 =	vmax.f32 v7, v8;
	v8 =	vand.u32 $0x7FFFFFFF, v9;
	v4 =	vmax.f32 v4, v10;
	(pc) =	sbr.rel @p0 .LBB2_35-.Ltmp19, $4  }
0x3eb: {  	v10 =	vld [tilespmem:s0+$0xFFFFFF90];
	v6 =	vmax.f32 v6, v8;
	v7 =	vmax.f32 v7, v12;
	v5 =	vand.u32 $0x7FFFFFFF, v5  }
0x3ec: {  	v8 =	vld [tilespmem:s0+$0xFFFFFFA0];
	v9 =	vand.u32 $0x7FFFFFFF, v11;
	v2 =	vmax.f32 v2, v5;
	v6 =	vmax.f32 v6, v13  }
0x3ed: {  	v2 =	vmax.f32 v2, v9;
	v9 =	vld [tilespmem:s0+$0xFFFFFFC0]  }
0x3ee: {  	v5 =	vld [tilespmem:s0+$0xFFFFFFF0];
	s0 =	sadd.s32 $0x200, s0  }
0x3ef: {  	_ = 	snop  }
0x3f0: {  	v3 =	vand.u32 $0x7FFFFFFF, v3;
	v0 =	vand.u32 $0x7FFFFFFF, v0  }
0x3f1: {  	v1 =	vand.u32 $0x7FFFFFFF, v1;
	v10 =	vand.u32 $0x7FFFFFFF, v10;
	v8 =	vand.u32 $0x7FFFFFFF, v8  }
0x3f2: {  	v4 =	vmax.f32 v4, v10;
	v7 =	vmax.f32 v7, v8;
	v8 =	vand.u32 $0x7FFFFFFF, v9  }
0x3f3: {  	v1 =	vmax.f32 v4, v1;
	v4 =	vmax.f32 v6, v8;
	v5 =	vand.u32 $0x7FFFFFFF, v5  }
0x3f4: {  	v3 =	vmax.f32 v7, v3;
	v2 =	vmax.f32 v2, v5;
	v0 =	vmax.f32 v4, v0  }
0x3f5: {  	v1 =	vmax.f32 v1, v3;
	v0 =	vmax.f32 v2, v0  }
0x3f6: {  	v0 =	vmax.f32 v1, v0  }
0x3f7: {  	(v2sf) =	vpush v0, $0x0  }
0x3f8: {  	(v2sf) =	vpush v0, $0x1  }
0x3f9: {  	(v2sf) =	vpush v0, $0x2  }
0x3fa: {  	(v2sf) =	vpush v0, $0x3  }
0x3fb: {  	(v2sf) =	vpush v0, $0x4  }
0x3fc: {  	(v2sf) =	vpush v0, $0x5  }
0x3fd: {  	(v2sf) =	vpush v0, $0x6  }
0x3fe: {  	(v2sf) =	vpush v0, $0x7  }
0x3ff: {  	(v2sf) =	vpush v0, $0x8  }
0x400: {  	(v2sf) =	vpush v0, $0x9  }
0x401: {  	(v2sf) =	vpush v0, $0xA  }
0x402: {  	(v2sf) =	vpush v0, $0xB  }
0x403: {  	(v2sf) =	vpush v0, $0xC  }
0x404: {  	(v2sf) =	vpush v0, $0xD  }
0x405: {  	(v2sf) =	vpush v0, $0xE  }
0x406: {  	s0 =	spop (v2sf);
	(v2sf) =	vpush v0, $0xF  }
0x407: {  	s1 =	spop (v2sf)  }
0x408: {  	s2 =	spop (v2sf)  }
0x409: {  	s3 =	spop (v2sf)  }
0x40a: {  	s5 =	spop (v2sf)  }
0x40b: {  	s6 =	spop (v2sf)  }
0x40c: {  	s7 =	spop (v2sf)  }
0x40d: {  	s9 =	spop (v2sf)  }
0x40e: {  	s0 =	smax.f32 s0, s1;
	s12 =	spop (v2sf)  }
0x40f: {  	s3 =	smax.f32 s2, s3;
	s13 =	spop (v2sf)  }
0x410: {  	s0 =	smax.f32 s0, s3;
	s14 =	spop (v2sf)  }
0x411: {  	s5 =	smax.f32 s5, s6;
	s24 =	spop (v2sf)  }
0x412: {  	s6 =	smax.f32 s7, s9;
	s25 =	spop (v2sf)  }
0x413: {  	s7 =	smax.f32 s12, s13;
	s29 =	spop (v2sf)  }
0x414: {  	s9 =	smax.f32 s14, s24;
	s30 =	spop (v2sf)  }
0x415: {  	s14 =	smax.f32 s5, s6;
	s31 =	spop (v2sf)  }
0x416: {  	s12 =	smax.f32 s25, s29;
	s13 =	smax.f32 s30, s31  }
0x417: {  	s24 =	smax.f32 s7, s9;
	s25 =	smax.f32 s12, s13  }
0x418: {  	s0 =	smax.f32 s0, s14;
	s31 =	smax.f32 s24, s25  }
0x419: {  	s0 =	smax.f32 s0, s31  }
0x41a: {  	v1 =	vld [tilespmem:$0x10000];
	v0 =	vmov s0  }
0x41b: {  	v2 =	vld [tilespmem:$0x10010];
	vm0 =	vgt.f32 v0, $0.0e+00  }
0x41c: {  	v3 =	vld [tilespmem:$0x10020];
	v0 =	vnsel vm0, $0x3F800000, v0  }
0x41d: {  	v5 =	vld [tilespmem:$0x10030];
	v4 =	vmul.f32 $1.666666720e-01, v0  }
0x41e: {  	(erf) = vrcp.f32 v0  }
0x41f: {  	v0 =	vmul.f32 v1, v4  }
0x420: {  	v1 =	vmul.f32 v2, v4  }
0x421: {  	[tilespmem:$0x10080] =	vst v0;
	v0 =	vmul.f32 v3, v4  }
0x422: {  	[tilespmem:$0x10090] =	vst v1;
	v1 =	vmul.f32 v5, v4  }
0x423: {  	[tilespmem:$0x100A0] =	vst v0  }
0x424: {  	s29 =	simm.s32 $0x0;
	[tilespmem:$0x100B0] =	vst v1  }
0x425: {  	v1 =	vld [tilespmem:s29+$0x41F0];
	_ =	sdelay $0x1  }
0x426: {  	v0 =	vpop (erf)  }
0x427: {  	v2 =	vld [tilespmem:s29+$0x4180];
	v0 =	vmul.f32 $2.400000000e+01, v0  }
0x428: {  	v3 =	vld [tilespmem:s29+$0x4190]  }
0x429: {  	v4 =	vld [tilespmem:s29+$0x41A0];
	v1 =	vmul.f32 v1, v0  }
0x42a: {  	v5 =	vld [tilespmem:s29+$0x41B0]  }
0x42b: {  	v6 =	vld [tilespmem:s29+$0x41C0];
	v1 =	vadd.f32 $2.400000000e+01, v1  }
0x42c: {  	v7 =	vld [tilespmem:s29+$0x41D0]  }
0x42d: {  	v8 =	vld [tilespmem:s29+$0x41E0];
	v1 =	vtrunc.f32 v1  }
0x42e: {  	v1 =	vcvt.f32.s32 v1  }
0x42f: {  	v2 =	vmul.f32 v2, v0;
	v3 =	vmul.f32 v3, v0  }
0x430: {  	v4 =	vmul.f32 v4, v0;
	v6 =	vmul.f32 v6, v0  }
0x431: {  	v5 =	vmul.f32 v5, v0;
	v7 =	vmul.f32 v7, v0;
	v2 =	vadd.f32 $2.400000000e+01, v2  }
0x432: {  	s30 =	simm.s32 $0x200;
	v8 =	vmul.f32 v8, v0;
	v3 =	vadd.f32 $2.400000000e+01, v3;
	v6 =	vadd.f32 $2.400000000e+01, v6  }
0x433: {  	v9 =	vld [tilespmem:s30+$0x41F0];
	v4 =	vadd.f32 $2.400000000e+01, v4;
	v5 =	vadd.f32 $2.400000000e+01, v5;
	v2 =	vtrunc.f32 v2  }
0x434: {  	v8 =	vadd.f32 $2.400000000e+01, v8;
	v3 =	vtrunc.f32 v3;
	v6 =	vtrunc.f32 v6;
	v12 =	vld.idx.msk [tilespmem:v1+s19+$0x0], $0xffff  }
0x435: {  	v1 =	vtrunc.f32 v4;
	v4 =	vtrunc.f32 v5;
	v5 =	vadd.f32 $2.400000000e+01, v7;
	v7 =	vld [tilespmem:s30+$0x4180]  }
0x436: {  	v10 =	vld [tilespmem:s30+$0x4190];
	v2 =	vcvt.f32.s32 v2;
	v3 =	vcvt.f32.s32 v3  }
0x437: {  	v11 =	vld [tilespmem:s30+$0x41A0];
	v13 =	vcvt.f32.s32 v1;
	v1 =	vtrunc.f32 v8  }
0x438: {  	v8 =	vld [tilespmem:s30+$0x41B0];
	v14 =	vcvt.f32.s32 v4;
	v4 =	vmul.f32 v9, v0  }
0x439: {  	v15 =	vld [tilespmem:s30+$0x41C0];
	v9 =	vcvt.f32.s32 v6;
	v5 =	vtrunc.f32 v5  }
0x43a: {  	v16 =	vcvt.f32.s32 v5;
	v6 =	vmul.f32 v7, v0;
	v7 =	vld [tilespmem:s30+$0x41D0]  }
0x43b: {  	v17 =	vld [tilespmem:s30+$0x41E0];
	v5 =	vmul.f32 v10, v0;
	v4 =	vadd.f32 $2.400000000e+01, v4  }
0x43c: {  	v11 =	vmul.f32 v11, v0;
	v1 =	vcvt.f32.s32 v1;
	v10 =	vadd.f32 $2.400000000e+01, v6;
	v6 =	vld.idx.msk [tilespmem:v2+s19+$0x0], $0xffff  }
0x43d: {  	v18 =	vadd.f32 $2.400000000e+01, v5;
	v5 =	vmul.f32 v8, v0;
	v2 =	vtrunc.f32 v4;
	v4 =	vld.idx.msk [tilespmem:v3+s19+$0x0], $0xffff  }
0x43e: {  	v15 =	vmul.f32 v15, v0;
	v8 =	vadd.f32 $2.400000000e+01, v11;
	v3 =	vld.idx.msk [tilespmem:v13+s19+$0x0], $0xffff;
	v2 =	vcvt.f32.s32 v2  }
0x43f: {  	v11 =	vtrunc.f32 v18;
	v19 =	vadd.f32 $2.400000000e+01, v5;
	v5 =	vld.idx.msk [tilespmem:v14+s19+$0x0], $0xffff;
	v20 =	vmul.f32 v7, v0  }
0x440: {  	[tilespmem:s29+$0xC1F0] =	vst v12;
	v13 =	vadd.f32 $2.400000000e+01, v15;
	v14 =	vmul.f32 v17, v0;
	v12 =	vtrunc.f32 v8;
	v8 =	vld.idx.msk [tilespmem:v16+s19+$0x0], $0xffff  }
0x441: {  	s1 =	simm.s32 $0x80;
	s0 =	simm.s32 $0x1000;
	v10 =	vtrunc.f32 v10;
	v7 =	vld.idx.msk [tilespmem:v9+s19+$0x0], $0xffff;
	v9 =	vtrunc.f32 v19;
	v15 =	vadd.f32 $2.400000000e+01, v20  }
.LBB2_37:
0x442: {  	s2 =	sshra.s32 s0, $0x2;
	v10 =	vcvt.f32.s32 v10;
	v13 =	vtrunc.f32 v13;
	v14 =	vadd.f32 $2.400000000e+01, v14;
	[tilespmem:s29+$0xC180] =	vst v6;
	v6 =	vld.idx.msk [tilespmem:v1+s19+$0x0], $0xffff  }
0x443: {  	s1 =	sadd.s32 $0x80, s1;
	v11 =	vcvt.f32.s32 v11;
	v16 =	vld [tilespmem:s2+$0x41F0];
	v1 =	vtrunc.f32 v15;
	[tilespmem:s29+$0xC190] =	vst v4  }
0x444: {  	v12 =	vcvt.f32.s32 v12;
	p0 =	slt.u32 s1, $0xF80;
	v4 =	vtrunc.f32 v14;
	v2 =	vld.idx.msk [tilespmem:v2+s19+$0x0], $0xffff;
	[tilespmem:s29+$0xC1A0] =	vst v3  }
0x445: {  	v9 =	vcvt.f32.s32 v9;
	v15 =	vcvt.f32.s32 v13;
	v3 =	vld [tilespmem:s2+$0x4180];
	[tilespmem:s29+$0xC1B0] =	vst v5  }
0x446: {  	v17 =	vcvt.f32.s32 v1;
	v1 =	vcvt.f32.s32 v4;
	v5 =	vld [tilespmem:s2+$0x4190];
	[tilespmem:s29+$0xC1C0] =	vst v7  }
0x447: {  	v4 =	vld [tilespmem:s2+$0x41A0];
	[tilespmem:s29+$0xC1D0] =	vst v8  }
0x448: {  	v7 =	vld [tilespmem:s2+$0x41B0];
	[tilespmem:s29+$0xC1E0] =	vst v6;
	s29 =	smov.u32 s30;
	s30 =	smov.u32 s2  }
0x449: {  	v6 =	vmul.f32 v16, v0;
	v8 =	vld [tilespmem:s30+$0x41C0]  }
0x44a: {  	v3 =	vmul.f32 v3, v0;
	v13 =	vld [tilespmem:s30+$0x41D0];
	[tilespmem:s29+$0xC1F0] =	vst v2  }
0x44b: {  	v2 =	vmul.f32 v5, v0;
	v14 =	vld [tilespmem:s30+$0x41E0];
	v5 =	vadd.f32 $2.400000000e+01, v6  }
0x44c: {  	v16 =	vadd.f32 $2.400000000e+01, v3;
	v3 =	vmul.f32 v4, v0;
	v6 =	vld.idx.msk [tilespmem:v10+s19+$0x0], $0xffff  }
.Ltmp20:
0x44d: {  	v18 =	vadd.f32 $2.400000000e+01, v2;
	v7 =	vmul.f32 v7, v0;
	v2 =	vtrunc.f32 v5;
	v4 =	vld.idx.msk [tilespmem:v11+s19+$0x0], $0xffff;
	(pc) =	sbr.rel @p0 .LBB2_37-.Ltmp20, $4  }
0x44e: {  	v19 =	vadd.f32 $2.400000000e+01, v3;
	v8 =	vmul.f32 v8, v0;
	v2 =	vcvt.f32.s32 v2;
	v3 =	vld.idx.msk [tilespmem:v12+s19+$0x0], $0xffff  }
0x44f: {  	v10 =	vtrunc.f32 v16;
	v16 =	vadd.f32 $2.400000000e+01, v7;
	v20 =	vmul.f32 v13, v0;
	v5 =	vld.idx.msk [tilespmem:v9+s19+$0x0], $0xffff  }
0x450: {  	v11 =	vtrunc.f32 v18;
	v13 =	vadd.f32 $2.400000000e+01, v8;
	v14 =	vmul.f32 v14, v0;
	v7 =	vld.idx.msk [tilespmem:v15+s19+$0x0], $0xffff  }
0x451: {  	s0 =	sadd.s32 $0x800, s0;
	v12 =	vtrunc.f32 v19;
	v9 =	vtrunc.f32 v16;
	v15 =	vadd.f32 $2.400000000e+01, v20;
	v8 =	vld.idx.msk [tilespmem:v17+s19+$0x0], $0xffff  }
0x452: {  	v0 =	vcvt.f32.s32 v10  }
0x453: {  	v49 =	vcvt.f32.s32 v11  }
0x454: {  	v50 =	vcvt.f32.s32 v12  }
0x455: {  	v51 =	vtrunc.f32 v13;
	v52 =	vadd.f32 $2.400000000e+01, v14;
	[tilespmem:s29+$0xC180] =	vst v6;
	v53 =	vcvt.f32.s32 v9  }
0x456: {  	v1 =	vld.idx.msk [tilespmem:v1+s19+$0x0], $0xffff;
	[tilespmem:s29+$0xC190] =	vst v4;
	v54 =	vtrunc.f32 v15;
	v55 =	vcvt.f32.s32 v51  }
0x457: {  	v2 =	vld.idx.msk [tilespmem:v2+s19+$0x0], $0xffff;
	[tilespmem:s29+$0xC1A0] =	vst v3;
	v56 =	vtrunc.f32 v52;
	v57 =	vcvt.f32.s32 v54  }
0x458: {  	[tilespmem:s29+$0xC1B0] =	vst v5;
	v58 =	vcvt.f32.s32 v56;
	v0 =	vld.idx.msk [tilespmem:v0+s19+$0x0], $0xffff  }
0x459: {  	[tilespmem:s29+$0xC1C0] =	vst v7;
	v59 =	vld.idx.msk [tilespmem:v49+s19+$0x0], $0xffff  }
0x45a: {  	[tilespmem:s29+$0xC1D0] =	vst v8;
	v60 =	vld.idx.msk [tilespmem:v50+s19+$0x0], $0xffff  }
0x45b: {  	[tilespmem:s29+$0xC1E0] =	vst v1;
	v61 =	vld.idx.msk [tilespmem:v53+s19+$0x0], $0xffff  }
0x45c: {  	[tilespmem:s30+$0xC1F0] =	vst v2;
	v62 =	vld.idx.msk [tilespmem:v55+s19+$0x0], $0xffff  }
0x45d: {  	v3 =	vld.idx.msk [tilespmem:v57+s19+$0x0], $0xffff;
	[tilespmem:s30+$0xC180] =	vst v0  }
0x45e: {  	v63 =	vld.idx.msk [tilespmem:v58+s19+$0x0], $0xffff;
	[tilespmem:s30+$0xC190] =	vst v59  }
0x45f: {  	p0 =	seq.s32 s26, $0xF;
	[tilespmem:s30+$0xC1A0] =	vst v60  }
.Ltmp21:
0x460: {  	[tilespmem:s30+$0xC1B0] =	vst v61;
	(pc) =	sbr.rel @p0 .LBB2_40-.Ltmp21, $4  }
0x461: {  	[tilespmem:s30+$0xC1C0] =	vst v62  }
0x462: {  	s0 =	sor.u32 s28, s4;
	[tilespmem:s30+$0xC1D0] =	vst v3  }
0x463: {  	s0 =	sadd.s32 s0, s10;
	[tilespmem:s30+$0xC1E0] =	vst v63  }
0x464: {  	[hbm4b:s0+s15] =	stream.strided.scatter [tilespmem:s23], [sflag:$0x4], $0x4000, s16, s15, $0x38;
	[tilespmem:$0x10100] =	vst v63  }
.Ltmp22:
0x465: {  	(pc) =	sbr.rel .LBB2_2-.Ltmp22, $3  }
0x466: {  	_ =	sdelay $0x1  }
0x467: {  	s0 =	sadd.s32 s28, s11;
	s1 =	simm.s32 $0x4000;
	s26 =	sadd.s32 $0x1, s26  }
0x468: {  	[tilespmem:s1], [sflag:$0x2] =	stream.strided.gather [hbm4b:s0+s15], $0x4000, s16, s15, $0x38;
	[tilespmem:$0x10100] =	vst v63  }
.LBB2_41:
0x469: {  	_ =	sfence.sel $0x180000  }
0x46a: {  	[bflag:$0x0] =	sbarrier.arrive $0xFFFF  }
0x46b: {  	_ =	strace $0x90000047  }
0x46c: {  	s0 =	stileid.u32;
	[bflag:$0x2] =	sbarrier.arrive $0xFFFF  }
0x46d: {  	p0 =	sne.s32 s0, $0x0;
	s0 =	rddreg [dreg:$0x3]  }
0x46e: {  	s0 =	sadd.s32 @!p0 $0x100000, s0  }
0x46f: {  	[sflag:s0] =	ssyncadd.tile.s32 @!p0 $0x1;
	_ =	shalt  }
.Lfunc_end2:
_tile_overlayer_lowered:
.L_overlay_start_2:
0x470: {  	(tag) =	ssettag $0x2  }
0x471: {  	s0 =	rddreg [dreg:$0x0];
	s2 =	stileid.u32  }
0x472: {  	s1 =	rddreg [dreg:$0x1];
	p0 =	sne.s32 s2, $0x0  }
0x473: {  	s3 =	rddreg [dreg:$0x2];
	[bflag:$0x3] =	sbarrier.arrive $0xFFFF;
	s2 =	simm.s32 @!p0 $0x1C05  }
0x474: {  	[timem:s3], [sflag:s2] =	dma.local @!p0 [hbm:s0], s1  }
0x475: {  	s0 =	simm.s32 @!p0 $0x5  }
0x476: {  	_ =	swait.ge @!p0 [sflag:s0], s1  }
0x477: {  	s1 =	ssub.s32 @!p0 $0x0, s1;
	[sflag:s0] =	ssyncset.done @!p0 $0x0  }
0x478: {  	[sflag:s0] =	ssyncadd.s32 @!p0 s1  }
0x479: {  	[bflag:$0x3] =	sbarrier.arrive $0xFFFF  }
0x47a: {  	_ =	shalt  }

</sc_bundles>
